<compile_context>
chip_gen: v7x
topology: tpu7x:2x2x1
jax: 0.10.2.dev20260603
libtpu: 0.0.44.dev20260713+nightly
codegen_flags: <defaults>
</compile_context>

<pallas_src>
import functools
import math

import jax
import jax.numpy as jnp
from jax import lax
from jax.experimental import pallas as pl
from jax.experimental.pallas import tpu as pltpu
from jax.experimental.pallas import tpu_sc as plsc

_CLIP = 60.0


def _conv_pre_body(x_ref, pos_ref, srcw_ref, posw_ref, linw_ref,
                   pb_ref, g_ref, gv_ref, pbo_ref):
    x = x_ref[...]
    p3 = pos_ref[...]
    P = jnp.dot(p3, posw_ref[...], preferred_element_type=jnp.float32)
    B = jnp.dot(x, srcw_ref[...], preferred_element_type=jnp.float32) + P
    V = jnp.dot(x, linw_ref[...], preferred_element_type=jnp.float32)
    g = jnp.exp(jnp.clip(-B, -_CLIP, _CLIP))
    g_ref[...] = g
    gv_ref[...] = g * (V - P)
    pbo_ref[...] = P + pb_ref[...]


def _conv_pre(x, pos, srcw, posw, linw, pb):
    N, fin = x.shape
    W = srcw.shape[1]
    blk = 2000
    nb = N // blk
    grid = (nb,)
    row_spec = lambda c: pl.BlockSpec((blk, c), lambda i: (i, 0))
    full = lambda a: pl.BlockSpec(a.shape, lambda i: (0, 0))
    return pl.pallas_call(
        _conv_pre_body,
        grid=grid,
        in_specs=[row_spec(fin), row_spec(3), full(srcw), full(posw),
                  full(linw), full(pb)],
        out_specs=[row_spec(W), row_spec(W), row_spec(W)],
        out_shape=[jax.ShapeDtypeStruct((N, W), jnp.float32)] * 3,
    )(x, pos, srcw, posw, linw, pb)


def _conv_post_body(ssum_ref, accv_ref, pbo_ref, p1w_ref, p1b_ref,
                    p2w_ref, p2b_ref, y_ref):
    ssum = ssum_ref[...]
    out = (accv_ref[...] + pbo_ref[...] * ssum) / (ssum + 1e-16)
    h = jnp.maximum(
        jnp.dot(out, p1w_ref[...], preferred_element_type=jnp.float32)
        + p1b_ref[...], 0.0)
    y_ref[...] = (jnp.dot(h, p2w_ref[...], preferred_element_type=jnp.float32)
                  + p2b_ref[...])


def _conv_post(ssum, accv, pbo, p1w, p1b, p2w, p2b):
    N, W = ssum.shape
    fout = p2w.shape[1]
    blk = 2000
    nb = N // blk
    row_spec = lambda c: pl.BlockSpec((blk, c), lambda i: (i, 0))
    full = lambda a: pl.BlockSpec(a.shape, lambda i: (0, 0))
    return pl.pallas_call(
        _conv_post_body,
        grid=(nb,),
        in_specs=[row_spec(W), row_spec(W), row_spec(W), full(p1w), full(p1b),
                  full(p2w), full(p2b)],
        out_specs=row_spec(fout),
        out_shape=jax.ShapeDtypeStruct((N, fout), jnp.float32),
    )(ssum, accv, pbo, p1w, p1b, p2w, p2b)


def _sc_edge_segsum(G, GV, src2, dst2, n):
    N, W = G.shape
    NCHUNK, C = src2.shape
    NS = 16
    rpt = n // NS
    ZR = 125
    mesh = plsc.VectorSubcoreMesh(core_axis_name="c", subcore_axis_name="s")

    @functools.partial(
        pl.kernel, mesh=mesh,
        out_type=jax.ShapeDtypeStruct((2, NS, rpt, W), jnp.float32),
        compiler_params=pltpu.CompilerParams(use_tc_tiling_on_sc=False),
        scratch_types=[
            pltpu.VMEM((C,), jnp.int32),
            pltpu.VMEM((C,), jnp.int32),
            pltpu.VMEM((C, W), jnp.float32),
            pltpu.VMEM((ZR, W), jnp.float32),
            pltpu.VMEM_SHARED((n, W), jnp.float32),
            pltpu.SemaphoreType.DMA,
        ])
    def k(g_hbm, gv_hbm, src_hbm, dst_hbm, out_hbm, sidx, didx, rows, zbuf,
          acc, sem):
        cid = lax.axis_index("c")
        sid = lax.axis_index("s")

        def zrow(i, _):
            r = i // (W // 16)
            c = (i % (W // 16)) * 16
            zbuf[r, pl.ds(c, 16)] = jnp.zeros((16,), jnp.float32)
            return 0
        lax.fori_loop(0, ZR * (W // 16), zrow, 0)

        def zacc(j, _):
            pltpu.sync_copy(zbuf, acc.at[pl.ds(sid * rpt + j * ZR, ZR)])
            return 0
        lax.fori_loop(0, rpt // ZR, zacc, 0)
        plsc.subcore_barrier()

        nch = NCHUNK // NS + jnp.where(sid < (NCHUNK % NS), 1, 0)

        def body(j, _):
            ci = sid + j * NS
            pltpu.sync_copy(src_hbm.at[ci], sidx)
            pltpu.sync_copy(dst_hbm.at[ci], didx)

            @pl.when(cid == 0)
            def _():
                pltpu.async_copy(g_hbm.at[sidx], rows, sem).wait()

            @pl.when(cid == 1)
            def _():
                pltpu.async_copy(gv_hbm.at[sidx], rows, sem).wait()

            pltpu.sync_copy(rows, acc.at[didx], add=True)
            return 0
        lax.fori_loop(0, nch, body, 0)
        plsc.subcore_barrier()

        pltpu.sync_copy(acc.at[pl.ds(sid * rpt, rpt)],
                        out_hbm.at[cid, sid])

    return k(G, GV, src2, dst2).reshape(2, n, W)


def _attn_pre_body(x_ref, pos_ref, ln1g_ref, ln1b_ref, pe1w_ref, pe1b_ref,
                   pe2w_ref, pe2b_ref, combwh_ref, combwp_ref, combb_ref,
                   qw_ref, qb_ref, kw_ref, kb_ref, vw_ref, vb_ref,
                   q_ref, k_ref, v_ref):
    x = x_ref[...]
    mu = jnp.mean(x, axis=-1, keepdims=True)
    var = jnp.mean((x - mu) ** 2, axis=-1, keepdims=True)
    h = (x - mu) * jax.lax.rsqrt(var + 1e-5) * ln1g_ref[...] + ln1b_ref[...]
    p3 = pos_ref[...]
    pe = jnp.maximum(
        jnp.dot(p3, pe1w_ref[...], preferred_element_type=jnp.float32)
        + pe1b_ref[...], 0.0)
    pe = jnp.dot(pe, pe2w_ref[...], preferred_element_type=jnp.float32) \
        + pe2b_ref[...]
    comb = (jnp.dot(h, combwh_ref[...], preferred_element_type=jnp.float32)
            + jnp.dot(pe, combwp_ref[...], preferred_element_type=jnp.float32)
            + combb_ref[...])
    q_ref[...] = jnp.dot(comb, qw_ref[...],
                         preferred_element_type=jnp.float32) + qb_ref[...]
    k_ref[...] = jnp.dot(comb, kw_ref[...],
                         preferred_element_type=jnp.float32) + kb_ref[...]
    v_ref[...] = jnp.dot(comb, vw_ref[...],
                         preferred_element_type=jnp.float32) + vb_ref[...]


def _attn_pre(x, pos, p):
    N, dim = x.shape
    pe_dim = p['pe1']['w'].shape[1]
    blk = 2000
    nb = N // blk
    row_spec = lambda c: pl.BlockSpec((blk, c), lambda i: (i, 0))
    full = lambda a: pl.BlockSpec(a.shape, lambda i: (0, 0))
    combwh = p['comb']['w'][:dim]
    combwp = p['comb']['w'][dim:]
    args = (x, pos,
            p['ln1_g'].reshape(1, dim), p['ln1_b'].reshape(1, dim),
            p['pe1']['w'], p['pe1']['b'].reshape(1, pe_dim),
            p['pe2']['w'], p['pe2']['b'].reshape(1, pe_dim),
            combwh, combwp, p['comb']['b'].reshape(1, dim),
            p['q']['w'], p['q']['b'].reshape(1, dim),
            p['k']['w'], p['k']['b'].reshape(1, dim),
            p['v']['w'], p['v']['b'].reshape(1, dim))
    return pl.pallas_call(
        _attn_pre_body,
        grid=(nb,),
        in_specs=[row_spec(dim), row_spec(3)] + [full(a) for a in args[2:]],
        out_specs=[row_spec(dim)] * 3,
        out_shape=[jax.ShapeDtypeStruct((N, dim), jnp.float32)] * 3,
    )(*args)


def _flash_body(q_ref, kt_ref, vt_ref, o_ref, *, scale):
    q = q_ref[0]
    bq, hd = q.shape
    nk = kt_ref.shape[1]

    def step(i, carry):
        m, l, acc = carry
        kt = kt_ref[0, i]
        s = jnp.dot(q, kt, preferred_element_type=jnp.float32) * scale
        m_new = jnp.maximum(m, jnp.max(s, axis=-1, keepdims=True))
        alpha = jnp.exp(m - m_new)
        p = jnp.exp(s - m_new)
        vt = vt_ref[0, i]
        pv = jax.lax.dot_general(p, vt, (((1,), (1,)), ((), ())),
                                 preferred_element_type=jnp.float32)
        l = l * alpha + jnp.sum(p, axis=-1, keepdims=True)
        acc = acc * alpha + pv
        return m_new, l, acc

    m0 = jnp.full((bq, 1), -jnp.inf, jnp.float32)
    l0 = jnp.zeros((bq, 1), jnp.float32)
    a0 = jnp.zeros((bq, hd), jnp.float32)
    m, l, acc = lax.fori_loop(0, nk, step, (m0, l0, a0))
    o_ref[0] = acc / l


def _flash_attn(q, kt, vt, bq=1000, bk=1000):
    H, S, hd = q.shape
    nk = kt.shape[1]
    scale = 1.0 / math.sqrt(hd)
    return pl.pallas_call(
        functools.partial(_flash_body, scale=scale),
        grid=(H, S // bq),
        in_specs=[
            pl.BlockSpec((1, bq, hd), lambda h, i: (h, i, 0)),
            pl.BlockSpec((1, nk, hd, bk), lambda h, i: (h, 0, 0, 0)),
            pl.BlockSpec((1, nk, hd, bk), lambda h, i: (h, 0, 0, 0)),
        ],
        out_specs=pl.BlockSpec((1, bq, hd), lambda h, i: (h, i, 0)),
        out_shape=jax.ShapeDtypeStruct((H, S, hd), jnp.float32),
    )(q, kt, vt)


def _attn_post_body(att_ref, res_ref, ow_ref, ob_ref, ln2g_ref, ln2b_ref,
                    y_ref):
    out = (jnp.dot(att_ref[...], ow_ref[...],
                   preferred_element_type=jnp.float32)
           + ob_ref[...] + res_ref[...])
    mu = jnp.mean(out, axis=-1, keepdims=True)
    var = jnp.mean((out - mu) ** 2, axis=-1, keepdims=True)
    y_ref[...] = ((out - mu) * jax.lax.rsqrt(var + 1e-5) * ln2g_ref[...]
                  + ln2b_ref[...])


def _attn_post(att, res, p):
    N, dim = att.shape
    blk = 2000
    nb = N // blk
    row_spec = pl.BlockSpec((blk, dim), lambda i: (i, 0))
    full = lambda a: pl.BlockSpec(a.shape, lambda i: (0, 0))
    args = (att, res, p['out']['w'], p['out']['b'].reshape(1, dim),
            p['ln2_g'].reshape(1, dim), p['ln2_b'].reshape(1, dim))
    return pl.pallas_call(
        _attn_post_body,
        grid=(nb,),
        in_specs=[row_spec, row_spec] + [full(a) for a in args[2:]],
        out_specs=row_spec,
        out_shape=jax.ShapeDtypeStruct((N, dim), jnp.float32),
    )(*args)


def _stack_conv_weights(p, fin):
    convs = p['convs']
    srcw = jnp.concatenate([c['src'] for c in convs], axis=1)
    linw = jnp.concatenate([c['lin'] for c in convs], axis=1)
    posw = jnp.concatenate([c['pos']['w'] for c in convs], axis=1)
    posb = jnp.concatenate([c['pos']['b'] for c in convs], axis=0)
    return srcw, posw, linw, posb.reshape(1, -1)


def _mh_pt_layer(x, pos, src2, dst2, n, p):
    fin = x.shape[1]
    srcw, posw, linw, posb = _stack_conv_weights(p, fin)
    G, GV, Pbo = _conv_pre(x, pos, srcw, posw, linw, posb)
    W = G.shape[1]
    if W <= 96:
        acc = _sc_edge_segsum(G, GV, src2, dst2, n)
        ssum, accv = acc[0], acc[1]
    else:
        h = W // 2
        a1 = _sc_edge_segsum(G[:, :h], G[:, h:], src2, dst2, n)
        a2 = _sc_edge_segsum(GV[:, :h], GV[:, h:], src2, dst2, n)
        ssum = jnp.concatenate([a1[0], a1[1]], axis=1)
        accv = jnp.concatenate([a2[0], a2[1]], axis=1)
    return _conv_post(ssum, accv, Pbo,
                      p['proj1']['w'], p['proj1']['b'].reshape(1, -1),
                      p['proj2']['w'], p['proj2']['b'].reshape(1, -1))


def _attn_layer(x, pos, p, num_heads):
    n, dim = x.shape
    hd = dim // num_heads
    q, k, v = _attn_pre(x, pos, p)
    bk = 1000
    nk = n // bk
    qh = q.reshape(n, num_heads, hd).transpose(1, 0, 2)
    kt = (k.reshape(n, num_heads, hd).transpose(1, 2, 0)
          .reshape(num_heads, hd, nk, bk).transpose(0, 2, 1, 3))
    vt = (v.reshape(n, num_heads, hd).transpose(1, 2, 0)
          .reshape(num_heads, hd, nk, bk).transpose(0, 2, 1, 3))
    o = _flash_attn(qh, kt, vt, bk=bk)
    att = o.transpose(1, 0, 2).reshape(n, dim)
    return _attn_post(att, x, p)


def kernel(pos, attr, edge_index, params):
    n = pos.shape[0]
    src = edge_index[0].astype(jnp.int32)
    dst = edge_index[1].astype(jnp.int32)
    C = 128
    src2 = src.reshape(-1, C)
    dst2 = dst.reshape(-1, C)

    x = _mh_pt_layer(attr, pos, src2, dst2, n, params['fe_pt1'])
    x = _attn_layer(x, pos, params['fe_attn'], 4)
    x = _mh_pt_layer(x, pos, src2, dst2, n, params['fe_pt2'])
    xe = _mh_pt_layer(x, pos, src2, dst2, n, params['exp_pt'])

    Cdim, r = 96, 2
    xu = jnp.transpose(xe.reshape(n, r, Cdim), (1, 0, 2)).reshape(r * n, Cdim)
    pos_rn = jnp.tile(pos[None, :, :], (r, 1, 1)).reshape(r * n, 3)
    return _attn_layer(xu, pos_rn, params['exp_attn'], 2)

# --- scband reference (transcript-rebuilt; emitter-appended) ---
"""Pipeline reference for scband-multimodal-point-upsampler-86827058856425 (READ-ONLY COPY).

The authoritative reference and input builder live on the scoring server;
editing this copy changes nothing except your own understanding.
"""

import jax, jax.numpy as jnp
import numpy as np
import math


def _lin_init(key, fin, fout):
    kw, kb = jax.random.split(key)
    return {'w': jax.random.normal(kw, (fin, fout), jnp.float32) / math.sqrt(fin),
            'b': jax.random.normal(kb, (fout,), jnp.float32) * 0.01}


def _ptconv_init(key, fin, fout):
    k1, k2, k3, k4 = jax.random.split(key, 4)
    return {'pos': _lin_init(k1, 3, fout),
            'lin': jax.random.normal(k2, (fin, fout), jnp.float32) / math.sqrt(fin),
            'src': jax.random.normal(k3, (fin, fout), jnp.float32) / math.sqrt(fin),
            'dst': jax.random.normal(k4, (fin, fout), jnp.float32) / math.sqrt(fin)}


def _mh_init(key, fin, fout, heads):
    hc = fout // heads
    keys = jax.random.split(key, heads + 2)
    return {'convs': [_ptconv_init(keys[i], fin, hc) for i in range(heads)],
            'proj1': _lin_init(keys[heads], heads * hc, fout),
            'proj2': _lin_init(keys[heads + 1], fout, fout)}


def _attn_init(key, dim, pe_dim=32):
    keys = jax.random.split(key, 7)
    return {'pe1': _lin_init(keys[0], 3, pe_dim),
            'pe2': _lin_init(keys[1], pe_dim, pe_dim),
            'comb': _lin_init(keys[2], dim + pe_dim, dim),
            'q': _lin_init(keys[3], dim, dim),
            'k': _lin_init(keys[4], dim, dim),
            'v': _lin_init(keys[5], dim, dim),
            'out': _lin_init(keys[6], dim, dim),
            'ln1_g': jnp.ones((dim,), jnp.float32), 'ln1_b': jnp.zeros((dim,), jnp.float32),
            'ln2_g': jnp.ones((dim,), jnp.float32), 'ln2_b': jnp.zeros((dim,), jnp.float32)}


def _linear(x, p):
    return x @ p['w'] + p['b']


def _layernorm(x, g, b):
    mu = jnp.mean(x, axis=-1, keepdims=True)
    var = jnp.var(x, axis=-1, keepdims=True)
    return (x - mu) / jnp.sqrt(var + 1e-5) * g + b


def _ptconv(x, pos, src, dst, n, p):
    # PyG PointTransformerConv semantics: i = dst, j = src
    v = x @ p['lin']
    a_src = (x @ p['src'])[src]
    a_dst = (x @ p['dst'])[dst]
    delta = _linear(pos[dst] - pos[src], p['pos'])
    alpha = a_dst - a_src + delta
    m = jax.ops.segment_max(alpha, dst, num_segments=n)
    m = jnp.where(jnp.isfinite(m), m, 0.0)
    e = jnp.exp(alpha - m[dst])
    s = jax.ops.segment_sum(e, dst, num_segments=n)
    w = e / (s[dst] + 1e-16)
    msg = w * (v[src] + delta)
    return jax.ops.segment_sum(msg, dst, num_segments=n)


def _mh_pt(x, pos, src, dst, n, p):
    h = jnp.concatenate([_ptconv(x, pos, src, dst, n, c) for c in p['convs']], axis=-1)
    h = jax.nn.relu(_linear(h, p['proj1']))
    return _linear(h, p['proj2'])


def _sdpa(q, k, v, block=1000):
    # chunked over query blocks to bound memory; math identical to full softmax attention
    B, H, S, D = q.shape
    nb = S // block
    qb = q.reshape(B, H, nb, block, D).transpose(2, 0, 1, 3, 4)
    scale = 1.0 / math.sqrt(D)
    def f(qi):
        s = jnp.einsum('bhqd,bhkd->bhqk', qi, k) * scale
        p = jax.nn.softmax(s, axis=-1)
        return jnp.einsum('bhqk,bhkd->bhqd', p, v)
    ob = jax.lax.map(f, qb)
    return ob.transpose(1, 2, 0, 3, 4).reshape(B, H, S, D)


def _attn_block(x, pos, p, num_heads):
    n, dim = x.shape
    hd = dim // num_heads
    residual = x
    h = _layernorm(x, p['ln1_g'], p['ln1_b'])
    pe = _linear(jax.nn.relu(_linear(pos, p['pe1'])), p['pe2'])
    comb = _linear(jnp.concatenate([h, pe], axis=-1), p['comb'])
    q = _linear(comb, p['q']).reshape(1, n, num_heads, hd).transpose(0, 2, 1, 3)
    k = _linear(comb, p['k']).reshape(1, n, num_heads, hd).transpose(0, 2, 1, 3)
    v = _linear(comb, p['v']).reshape(1, n, num_heads, hd).transpose(0, 2, 1, 3)
    att = _sdpa(q, k, v).transpose(0, 2, 1, 3).reshape(n, dim)
    out = _linear(att, p['out'])
    return _layernorm(out + residual, p['ln2_g'], p['ln2_b'])


def _forward(pos, attr, edge_index, params):
    n = pos.shape[0]
    src, dst = edge_index[0], edge_index[1]
    # FeatureExtractor
    x = _mh_pt(attr, pos, src, dst, n, params['fe_pt1'])      # [N, 48]
    x = _attn_block(x, pos, params['fe_attn'], 4)             # [N, 48]
    x = _mh_pt(x, pos, src, dst, n, params['fe_pt2'])         # [N, 96]
    # Feature_Expansion (up_ratio=2)
    xe = _mh_pt(x, pos, src, dst, n, params['exp_pt'])        # [N, 192]
    C, r = 96, 2
    xu = jnp.transpose(xe.reshape(n, r, C), (1, 0, 2)).reshape(r * n, C)
    pos_rn = jnp.tile(pos[None, :, :], (r, 1, 1)).reshape(r * n, 3)
    return _attn_block(xu, pos_rn, params['exp_attn'], 2)     # [2N, 96]


def setup_inputs(seed: int = 0):
    key = jax.random.key(seed)
    k1, k2, k3, k4, k5, k6, k7, k8 = jax.random.split(key, 8)
    N, E = 10000, 320000
    pos = jax.random.uniform(k1, (N, 3), jnp.float32)
    attr = jax.random.normal(k2, (N, 3), jnp.float32)
    edge_index = jax.random.randint(k3, (2, E), 0, N)
    params = {'fe_pt1': _mh_init(k4, 3, 48, 4),
              'fe_attn': _attn_init(k5, 48),
              'fe_pt2': _mh_init(k6, 48, 96, 4),
              'exp_pt': _mh_init(k7, 96, 192, 2),
              'exp_attn': _attn_init(k8, 96)}
    return {'pos': pos, 'attr': attr, 'edge_index': edge_index, 'params': params}


def reference(pos, attr, edge_index, params):
    return _forward(pos, attr, edge_index, params)

if __name__ == "__main__":
    import jax
    _d = setup_inputs()
    print(jax.jit(kernel)(*tuple(_d.values())))

</pallas_src>

<mosaic_0001>
#map = affine_map<(d0, d1) -> (0, 0)>
#map1 = affine_map<(d0, d1) -> (0, 0, 0, 0)>
module attributes {stable_mosaic.version = 14 : i64} {
  func.func @k(%arg0: i32, %arg1: i32, %arg2: memref<10000x96xf32, #tpu.memory_space<hbm>>, %arg3: memref<10000x96xf32, #tpu.memory_space<hbm>>, %arg4: memref<2500x128xi32, #tpu.memory_space<hbm>>, %arg5: memref<2500x128xi32, #tpu.memory_space<hbm>>, %arg6: memref<2x16x625x96xf32, #tpu.memory_space<hbm>>, %arg7: memref<128xi32, #tpu.memory_space<vmem>>, %arg8: memref<128xi32, #tpu.memory_space<vmem>>, %arg9: memref<128x96xf32, #tpu.memory_space<vmem>>, %arg10: memref<125x96xf32, #tpu.memory_space<vmem>>, %arg11: memref<10000x96xf32, #tpu.memory_space<vmem_shared>>, %arg12: memref<!tpu.dma_semaphore, #tpu.memory_space<semaphore_mem>>) attributes {dimension_semantics = [#tpu.dimension_semantics<core_parallel>, #tpu.dimension_semantics<subcore_parallel>], iteration_bounds = array<i64: 2, 16>, scalar_prefetch = 0 : i64, scratch_operands = 6 : i64, tpu.core_type = #tpu.core_type<sc_vector_subcore>, window_params = [{transform_indices = #map}, {transform_indices = #map}, {transform_indices = #map}, {transform_indices = #map}, {transform_indices = #map1}]} {
    %scan3A = arith.constant 0 : i32
    %scan3A_0 = arith.constant 0 : i32
    %scan3A_1 = arith.constant 750 : i32
    %scan3A_2 = arith.addi %scan3A_0, %scan3A_1 : i32
    %scan3A_3 = arith.constant 1 : i32
    %scan3A_4 = scf.for %scan3A_29 = %scan3A_0 to %scan3A_2 step %scan3A_3 iter_args(%scan3A_30 = %scan3A) -> (i32)  : i32 {
      %jit3A_31 = arith.constant 6 : i32
      %div3A = arith.divsi %scan3A_29, %jit3A_31 : i32
      %sign3A = arith.constant 0 : i32
      %sign3A_32 = arith.cmpi sgt, %scan3A_29, %sign3A : i32
      %sign3A_33 = arith.extui %sign3A_32 : i1 to i32
      %sign3A_34 = arith.constant 0 : i32
      %sign3A_35 = arith.cmpi slt, %scan3A_29, %sign3A_34 : i32
      %sign3A_36 = arith.extui %sign3A_35 : i1 to i32
      %sign3A_37 = arith.subi %sign3A_33, %sign3A_36 : i32
      %sign3A_38 = arith.constant 0 : i32
      %sign3A_39 = arith.cmpi sgt, %jit3A_31, %sign3A_38 : i32
      %sign3A_40 = arith.extui %sign3A_39 : i1 to i32
      %sign3A_41 = arith.constant 0 : i32
      %sign3A_42 = arith.cmpi slt, %jit3A_31, %sign3A_41 : i32
      %sign3A_43 = arith.extui %sign3A_42 : i1 to i32
      %sign3A_44 = arith.subi %sign3A_40, %sign3A_43 : i32
      %ne3A = arith.cmpi ne, %sign3A_37, %sign3A_44 : i32
      %rem3A = arith.remsi %scan3A_29, %jit3A_31 : i32
      %ne3A_45 = arith.constant 0 : i32
      %ne3A_46 = arith.cmpi ne, %rem3A, %ne3A_45 : i32
      %and3A = arith.andi %ne3A, %ne3A_46 : i1
      %sub3A = arith.constant 1 : i32
      %sub3A_47 = arith.subi %div3A, %sub3A : i32
      %select_n3A_48 = arith.select %and3A, %sub3A_47, %div3A : i32
      %jit3A_49 = arith.constant 6 : i32
      %eq3A = arith.constant 0 : i32
      %eq3A_50 = arith.cmpi eq, %jit3A_49, %eq3A : i32
      %jit3A_51 = arith.constant 1 : i32
      %select_n3A_52 = arith.select %eq3A_50, %jit3A_51, %jit3A_49 : i32
      %rem3A_53 = arith.remsi %scan3A_29, %select_n3A_52 : i32
      %ne3A_54 = arith.constant 0 : i32
      %ne3A_55 = arith.cmpi ne, %rem3A_53, %ne3A_54 : i32
      %lt3A_56 = arith.constant 0 : i32
      %lt3A_57 = arith.cmpi slt, %rem3A_53, %lt3A_56 : i32
      %lt3A_58 = arith.constant 0 : i32
      %lt3A_59 = arith.cmpi slt, %select_n3A_52, %lt3A_58 : i32
      %ne3A_60 = arith.xori %lt3A_57, %lt3A_59 : i1
      %and3A_61 = arith.andi %ne3A_60, %ne3A_55 : i1
      %add3A_62 = arith.addi %rem3A_53, %select_n3A_52 : i32
      %select_n3A_63 = arith.select %and3A_61, %add3A_62, %rem3A_53 : i32
      %mul3A_64 = arith.constant 16 : i32
      %mul3A_65 = arith.muli %select_n3A_63, %mul3A_64 : i32
      %broadcast_in_dim3A = arith.constant 0.000000e+00 : f32
      %broadcast_in_dim3A_66 = vector.broadcast %broadcast_in_dim3A : f32 to vector<16xf32>
      %swap3A = arith.index_cast %select_n3A_48 : i32 to index
      %swap3A_67 = arith.index_cast %mul3A_65 : i32 to index
      %swap3A_68 = tpu.vector_load %arg10[%swap3A, %swap3A_67] {strides = array<i32>} : memref<125x96xf32, #tpu.memory_space<vmem>>, vector<1x16xf32>,
      %swap3A_69 = vector.shape_cast %swap3A_68 : vector<1x16xf32> to vector<16xf32>
      %swap3A_70 = vector.shape_cast %broadcast_in_dim3A_66 : vector<16xf32> to vector<1x16xf32>
      tpu.vector_store %arg10[%swap3A, %swap3A_67], %swap3A_70 {strides = array<i32>} : memref<125x96xf32, #tpu.memory_space<vmem>>, vector<1x16xf32>,
      %scan3A_71 = arith.constant 0 : i32
      scf.yield %scan3A_71 : i32
    }
    %scan3A_5 = arith.constant 750 : i32
    %scan3A_6 = arith.constant 0 : i32
    %scan3A_7 = arith.constant 0 : i32
    %scan3A_8 = arith.constant 5 : i32
    %scan3A_9 = arith.addi %scan3A_7, %scan3A_8 : i32
    %scan3A_10 = arith.constant 1 : i32
    %scan3A_11 = scf.for %scan3A_29 = %scan3A_7 to %scan3A_9 step %scan3A_10 iter_args(%scan3A_30 = %scan3A_6) -> (i32)  : i32 {
      %mul3A_31 = arith.constant 625 : i32
      %mul3A_32 = arith.muli %arg1, %mul3A_31 : i32
      %mul3A_33 = arith.constant 125 : i32
      %mul3A_34 = arith.muli %scan3A_29, %mul3A_33 : i32
      %add3A_35 = arith.addi %mul3A_32, %mul3A_34 : i32
      "tpu.region"() ({
        %run_scoped3A = tpu.sem_alloc : memref<!tpu.dma_semaphore, #tpu.memory_space<semaphore_mem>>
        %dma_start3A = arith.constant 0 : i32
        %dma_start3A_37 = tpu.memref_slice %arg11[%add3A_35, %dma_start3A] : memref<10000x96xf32, #tpu.memory_space<vmem_shared>> -> memref<125x96xf32, #tpu.memory_space<vmem_shared>>
        %dma_start3A_38 = arith.constant 0 : i32
        %dma_start3A_39 = tpu.memref_slice %arg11[%add3A_35, %dma_start3A_38] : memref<10000x96xf32, #tpu.memory_space<vmem_shared>> -> memref<125x96xf32, #tpu.memory_space<vmem_shared>>
        tpu.enqueue_dma source(%arg10 : memref<125x96xf32, #tpu.memory_space<vmem>>) target(%dma_start3A_39 : memref<125x96xf32, #tpu.memory_space<vmem_shared>>) target_semaphore(%run_scoped3A : memref<!tpu.dma_semaphore, #tpu.memory_space<semaphore_mem>>)
        %dma_wait3A = arith.constant 0 : i32
        %dma_wait3A_40 = tpu.memref_slice %arg11[%add3A_35, %dma_wait3A] : memref<10000x96xf32, #tpu.memory_space<vmem_shared>> -> memref<125x96xf32, #tpu.memory_space<vmem_shared>>
        %dma_wait3A_41 = arith.constant 0 : i32
        %dma_wait3A_42 = tpu.memref_slice %arg11[%add3A_35, %dma_wait3A_41] : memref<10000x96xf32, #tpu.memory_space<vmem_shared>> -> memref<125x96xf32, #tpu.memory_space<vmem_shared>>
        tpu.wait_dma2 semaphore(%run_scoped3A : memref<!tpu.dma_semaphore, #tpu.memory_space<semaphore_mem>>) src(%arg10 : memref<125x96xf32, #tpu.memory_space<vmem>>) dst(%dma_wait3A_42 : memref<125x96xf32, #tpu.memory_space<vmem_shared>>)
        tpu.yield
      }) : () -> ()
      %scan3A_36 = arith.constant 0 : i32
      scf.yield %scan3A_36 : i32
    }
    %scan3A_12 = arith.constant 5 : i32
    %barrier3A = arith.constant 0 : index
    tpu.barrier barrier_id(%barrier3A)
    %lt3A = arith.constant 4 : i32
    %lt3A_13 = arith.cmpi slt, %arg1, %lt3A : i32
    %jit3A = arith.constant 1 : i32
    %jit3A_14 = arith.constant 0 : i32
    %select_n3A = arith.select %lt3A_13, %jit3A, %jit3A_14 : i32
    %add3A = arith.constant 156 : i32
    %add3A_15 = arith.addi %add3A, %select_n3A : i32
    %while3A = arith.constant 0 : i32
    %while3A_16 = arith.constant 0 : i32
    %while3A_17 = arith.subi %add3A_15, %while3A : i32
    %while3A_18 = arith.addi %while3A, %while3A_17 : i32
    %while3A_19 = arith.constant 1 : i32
    %while3A_20 = arith.divsi %while3A_17, %while3A_19 : i32
    %while3A_21 = arith.muli %while3A_20, %while3A_19 : i32
    %while3A_22 = arith.addi %while3A, %while3A_21 : i32
    %while3A_23 = arith.constant 1 : i32
    %while3A_24 = scf.for %while3A_29 = %while3A to %while3A_22 step %while3A_23 iter_args(%while3A_30 = %while3A_16) -> (i32)  : i32 {
      %mul3A_31 = arith.constant 16 : i32
      %mul3A_32 = arith.muli %while3A_29, %mul3A_31 : i32
      %add3A_33 = arith.addi %arg1, %mul3A_32 : i32
      "tpu.region"() ({
        %run_scoped3A = tpu.sem_alloc : memref<!tpu.dma_semaphore, #tpu.memory_space<semaphore_mem>>
        %dma_start3A = arith.constant 0 : i32
        %dma_start3A_42 = tpu.memref_slice %arg4[%add3A_33, %dma_start3A] : memref<2500x128xi32, #tpu.memory_space<hbm>> -> memref<1x128xi32, #tpu.memory_space<hbm>>
        %dma_start3A_43 = tpu.memref_squeeze %dma_start3A_42 : memref<1x128xi32, #tpu.memory_space<hbm>> -> memref<128xi32, #tpu.memory_space<hbm>>
        %dma_start3A_44 = arith.constant 0 : i32
        %dma_start3A_45 = tpu.memref_slice %arg4[%add3A_33, %dma_start3A_44] : memref<2500x128xi32, #tpu.memory_space<hbm>> -> memref<1x128xi32, #tpu.memory_space<hbm>>
        %dma_start3A_46 = tpu.memref_squeeze %dma_start3A_45 : memref<1x128xi32, #tpu.memory_space<hbm>> -> memref<128xi32, #tpu.memory_space<hbm>>
        tpu.enqueue_dma source(%dma_start3A_46 : memref<128xi32, #tpu.memory_space<hbm>>) target(%arg7 : memref<128xi32, #tpu.memory_space<vmem>>) target_semaphore(%run_scoped3A : memref<!tpu.dma_semaphore, #tpu.memory_space<semaphore_mem>>)
        %dma_wait3A = arith.constant 0 : i32
        %dma_wait3A_47 = tpu.memref_slice %arg4[%add3A_33, %dma_wait3A] : memref<2500x128xi32, #tpu.memory_space<hbm>> -> memref<1x128xi32, #tpu.memory_space<hbm>>
        %dma_wait3A_48 = tpu.memref_squeeze %dma_wait3A_47 : memref<1x128xi32, #tpu.memory_space<hbm>> -> memref<128xi32, #tpu.memory_space<hbm>>
        %dma_wait3A_49 = arith.constant 0 : i32
        %dma_wait3A_50 = tpu.memref_slice %arg4[%add3A_33, %dma_wait3A_49] : memref<2500x128xi32, #tpu.memory_space<hbm>> -> memref<1x128xi32, #tpu.memory_space<hbm>>
        %dma_wait3A_51 = tpu.memref_squeeze %dma_wait3A_50 : memref<1x128xi32, #tpu.memory_space<hbm>> -> memref<128xi32, #tpu.memory_space<hbm>>
        tpu.wait_dma2 semaphore(%run_scoped3A : memref<!tpu.dma_semaphore, #tpu.memory_space<semaphore_mem>>) src(%dma_wait3A_51 : memref<128xi32, #tpu.memory_space<hbm>>) dst(%arg7 : memref<128xi32, #tpu.memory_space<vmem>>)
        tpu.yield
      }) : () -> ()
      "tpu.region"() ({
        %run_scoped3A = tpu.sem_alloc : memref<!tpu.dma_semaphore, #tpu.memory_space<semaphore_mem>>
        %dma_start3A = arith.constant 0 : i32
        %dma_start3A_42 = tpu.memref_slice %arg5[%add3A_33, %dma_start3A] : memref<2500x128xi32, #tpu.memory_space<hbm>> -> memref<1x128xi32, #tpu.memory_space<hbm>>
        %dma_start3A_43 = tpu.memref_squeeze %dma_start3A_42 : memref<1x128xi32, #tpu.memory_space<hbm>> -> memref<128xi32, #tpu.memory_space<hbm>>
        %dma_start3A_44 = arith.constant 0 : i32
        %dma_start3A_45 = tpu.memref_slice %arg5[%add3A_33, %dma_start3A_44] : memref<2500x128xi32, #tpu.memory_space<hbm>> -> memref<1x128xi32, #tpu.memory_space<hbm>>
        %dma_start3A_46 = tpu.memref_squeeze %dma_start3A_45 : memref<1x128xi32, #tpu.memory_space<hbm>> -> memref<128xi32, #tpu.memory_space<hbm>>
        tpu.enqueue_dma source(%dma_start3A_46 : memref<128xi32, #tpu.memory_space<hbm>>) target(%arg8 : memref<128xi32, #tpu.memory_space<vmem>>) target_semaphore(%run_scoped3A : memref<!tpu.dma_semaphore, #tpu.memory_space<semaphore_mem>>)
        %dma_wait3A = arith.constant 0 : i32
        %dma_wait3A_47 = tpu.memref_slice %arg5[%add3A_33, %dma_wait3A] : memref<2500x128xi32, #tpu.memory_space<hbm>> -> memref<1x128xi32, #tpu.memory_space<hbm>>
        %dma_wait3A_48 = tpu.memref_squeeze %dma_wait3A_47 : memref<1x128xi32, #tpu.memory_space<hbm>> -> memref<128xi32, #tpu.memory_space<hbm>>
        %dma_wait3A_49 = arith.constant 0 : i32
        %dma_wait3A_50 = tpu.memref_slice %arg5[%add3A_33, %dma_wait3A_49] : memref<2500x128xi32, #tpu.memory_space<hbm>> -> memref<1x128xi32, #tpu.memory_space<hbm>>
        %dma_wait3A_51 = tpu.memref_squeeze %dma_wait3A_50 : memref<1x128xi32, #tpu.memory_space<hbm>> -> memref<128xi32, #tpu.memory_space<hbm>>
        tpu.wait_dma2 semaphore(%run_scoped3A : memref<!tpu.dma_semaphore, #tpu.memory_space<semaphore_mem>>) src(%dma_wait3A_51 : memref<128xi32, #tpu.memory_space<hbm>>) dst(%arg8 : memref<128xi32, #tpu.memory_space<vmem>>)
        tpu.yield
      }) : () -> ()
      %eq3A = arith.constant 0 : i32
      %eq3A_34 = arith.cmpi eq, %arg0, %eq3A : i32
      %convert_element_type3A = arith.extui %eq3A_34 : i1 to i32
      %cond3A = arith.constant 0 : i32
      %cond3A_35 = arith.cmpi ne, %convert_element_type3A, %cond3A : i32
      scf.if %cond3A_35 {
        %dma_start3A = arith.constant 0 : i32
        %dma_start3A_42 = arith.constant 0 : i32
        %dma_start3A_43 = tpu.memref_slice %arg2[%dma_start3A, %dma_start3A_42] : memref<10000x96xf32, #tpu.memory_space<hbm>> -> memref<10000x96xf32, #tpu.memory_space<hbm>>
        tpu.enqueue_indirect_dma source(%dma_start3A_43 : memref<10000x96xf32, #tpu.memory_space<hbm>>) target(%arg9 : memref<128x96xf32, #tpu.memory_space<vmem>>) offsets(%arg7 : memref<128xi32, #tpu.memory_space<vmem>>) semaphore(%arg12 : memref<!tpu.dma_semaphore, #tpu.memory_space<semaphore_mem>>)
        %dma_wait3A = arith.constant 0 : i32
        %dma_wait3A_44 = arith.constant 0 : i32
        %dma_wait3A_45 = tpu.memref_slice %arg2[%dma_wait3A, %dma_wait3A_44] : memref<10000x96xf32, #tpu.memory_space<hbm>> -> memref<10000x96xf32, #tpu.memory_space<hbm>>
        tpu.wait_indirect_dma semaphore(%arg12 : memref<!tpu.dma_semaphore, #tpu.memory_space<semaphore_mem>>) src(%dma_wait3A_45 : memref<10000x96xf32, #tpu.memory_space<hbm>>) dst(%arg9 : memref<128x96xf32, #tpu.memory_space<vmem>>)
      } else {
      }
      %eq3A_36 = arith.constant 1 : i32
      %eq3A_37 = arith.cmpi eq, %arg0, %eq3A_36 : i32
      %convert_element_type3A_38 = arith.extui %eq3A_37 : i1 to i32
      %cond3A_39 = arith.constant 0 : i32
      %cond3A_40 = arith.cmpi ne, %convert_element_type3A_38, %cond3A_39 : i32
      scf.if %cond3A_40 {
        %dma_start3A = arith.constant 0 : i32
        %dma_start3A_42 = arith.constant 0 : i32
        %dma_start3A_43 = tpu.memref_slice %arg3[%dma_start3A, %dma_start3A_42] : memref<10000x96xf32, #tpu.memory_space<hbm>> -> memref<10000x96xf32, #tpu.memory_space<hbm>>
        tpu.enqueue_indirect_dma source(%dma_start3A_43 : memref<10000x96xf32, #tpu.memory_space<hbm>>) target(%arg9 : memref<128x96xf32, #tpu.memory_space<vmem>>) offsets(%arg7 : memref<128xi32, #tpu.memory_space<vmem>>) semaphore(%arg12 : memref<!tpu.dma_semaphore, #tpu.memory_space<semaphore_mem>>)
        %dma_wait3A = arith.constant 0 : i32
        %dma_wait3A_44 = arith.constant 0 : i32
        %dma_wait3A_45 = tpu.memref_slice %arg3[%dma_wait3A, %dma_wait3A_44] : memref<10000x96xf32, #tpu.memory_space<hbm>> -> memref<10000x96xf32, #tpu.memory_space<hbm>>
        tpu.wait_indirect_dma semaphore(%arg12 : memref<!tpu.dma_semaphore, #tpu.memory_space<semaphore_mem>>) src(%dma_wait3A_45 : memref<10000x96xf32, #tpu.memory_space<hbm>>) dst(%arg9 : memref<128x96xf32, #tpu.memory_space<vmem>>)
      } else {
      }
      "tpu.region"() ({
        %run_scoped3A = tpu.sem_alloc : memref<!tpu.dma_semaphore, #tpu.memory_space<semaphore_mem>>
        %dma_start3A = arith.constant 0 : i32
        %dma_start3A_42 = arith.constant 0 : i32
        %dma_start3A_43 = tpu.memref_slice %arg11[%dma_start3A, %dma_start3A_42] : memref<10000x96xf32, #tpu.memory_space<vmem_shared>> -> memref<10000x96xf32, #tpu.memory_space<vmem_shared>>
        tpu.enqueue_indirect_dma source(%arg9 : memref<128x96xf32, #tpu.memory_space<vmem>>) target(%dma_start3A_43 : memref<10000x96xf32, #tpu.memory_space<vmem_shared>>) offsets(%arg8 : memref<128xi32, #tpu.memory_space<vmem>>) semaphore(%run_scoped3A : memref<!tpu.dma_semaphore, #tpu.memory_space<semaphore_mem>>) {add = true}
        %dma_wait3A = arith.constant 0 : i32
        %dma_wait3A_44 = arith.constant 0 : i32
        %dma_wait3A_45 = tpu.memref_slice %arg11[%dma_wait3A, %dma_wait3A_44] : memref<10000x96xf32, #tpu.memory_space<vmem_shared>> -> memref<10000x96xf32, #tpu.memory_space<vmem_shared>>
        tpu.wait_indirect_dma semaphore(%run_scoped3A : memref<!tpu.dma_semaphore, #tpu.memory_space<semaphore_mem>>) src(%arg9 : memref<128x96xf32, #tpu.memory_space<vmem>>) dst(%dma_wait3A_45 : memref<10000x96xf32, #tpu.memory_space<vmem_shared>>)
        tpu.yield
      }) : () -> ()
      %while3A_41 = arith.constant 0 : i32
      scf.yield %while3A_41 : i32
    }
    %while3A_25 = arith.constant 1 : i32
    %while3A_26 = scf.for %while3A_29 = %while3A_22 to %while3A_18 step %while3A_25 iter_args(%while3A_30 = %while3A_24) -> (i32)  : i32 {
      %mul3A_31 = arith.constant 16 : i32
      %mul3A_32 = arith.muli %while3A_29, %mul3A_31 : i32
      %add3A_33 = arith.addi %arg1, %mul3A_32 : i32
      "tpu.region"() ({
        %run_scoped3A = tpu.sem_alloc : memref<!tpu.dma_semaphore, #tpu.memory_space<semaphore_mem>>
        %dma_start3A = arith.constant 0 : i32
        %dma_start3A_42 = tpu.memref_slice %arg4[%add3A_33, %dma_start3A] : memref<2500x128xi32, #tpu.memory_space<hbm>> -> memref<1x128xi32, #tpu.memory_space<hbm>>
        %dma_start3A_43 = tpu.memref_squeeze %dma_start3A_42 : memref<1x128xi32, #tpu.memory_space<hbm>> -> memref<128xi32, #tpu.memory_space<hbm>>
        %dma_start3A_44 = arith.constant 0 : i32
        %dma_start3A_45 = tpu.memref_slice %arg4[%add3A_33, %dma_start3A_44] : memref<2500x128xi32, #tpu.memory_space<hbm>> -> memref<1x128xi32, #tpu.memory_space<hbm>>
        %dma_start3A_46 = tpu.memref_squeeze %dma_start3A_45 : memref<1x128xi32, #tpu.memory_space<hbm>> -> memref<128xi32, #tpu.memory_space<hbm>>
        tpu.enqueue_dma source(%dma_start3A_46 : memref<128xi32, #tpu.memory_space<hbm>>) target(%arg7 : memref<128xi32, #tpu.memory_space<vmem>>) target_semaphore(%run_scoped3A : memref<!tpu.dma_semaphore, #tpu.memory_space<semaphore_mem>>)
        %dma_wait3A = arith.constant 0 : i32
        %dma_wait3A_47 = tpu.memref_slice %arg4[%add3A_33, %dma_wait3A] : memref<2500x128xi32, #tpu.memory_space<hbm>> -> memref<1x128xi32, #tpu.memory_space<hbm>>
        %dma_wait3A_48 = tpu.memref_squeeze %dma_wait3A_47 : memref<1x128xi32, #tpu.memory_space<hbm>> -> memref<128xi32, #tpu.memory_space<hbm>>
        %dma_wait3A_49 = arith.constant 0 : i32
        %dma_wait3A_50 = tpu.memref_slice %arg4[%add3A_33, %dma_wait3A_49] : memref<2500x128xi32, #tpu.memory_space<hbm>> -> memref<1x128xi32, #tpu.memory_space<hbm>>
        %dma_wait3A_51 = tpu.memref_squeeze %dma_wait3A_50 : memref<1x128xi32, #tpu.memory_space<hbm>> -> memref<128xi32, #tpu.memory_space<hbm>>
        tpu.wait_dma2 semaphore(%run_scoped3A : memref<!tpu.dma_semaphore, #tpu.memory_space<semaphore_mem>>) src(%dma_wait3A_51 : memref<128xi32, #tpu.memory_space<hbm>>) dst(%arg7 : memref<128xi32, #tpu.memory_space<vmem>>)
        tpu.yield
      }) : () -> ()
      "tpu.region"() ({
        %run_scoped3A = tpu.sem_alloc : memref<!tpu.dma_semaphore, #tpu.memory_space<semaphore_mem>>
        %dma_start3A = arith.constant 0 : i32
        %dma_start3A_42 = tpu.memref_slice %arg5[%add3A_33, %dma_start3A] : memref<2500x128xi32, #tpu.memory_space<hbm>> -> memref<1x128xi32, #tpu.memory_space<hbm>>
        %dma_start3A_43 = tpu.memref_squeeze %dma_start3A_42 : memref<1x128xi32, #tpu.memory_space<hbm>> -> memref<128xi32, #tpu.memory_space<hbm>>
        %dma_start3A_44 = arith.constant 0 : i32
        %dma_start3A_45 = tpu.memref_slice %arg5[%add3A_33, %dma_start3A_44] : memref<2500x128xi32, #tpu.memory_space<hbm>> -> memref<1x128xi32, #tpu.memory_space<hbm>>
        %dma_start3A_46 = tpu.memref_squeeze %dma_start3A_45 : memref<1x128xi32, #tpu.memory_space<hbm>> -> memref<128xi32, #tpu.memory_space<hbm>>
        tpu.enqueue_dma source(%dma_start3A_46 : memref<128xi32, #tpu.memory_space<hbm>>) target(%arg8 : memref<128xi32, #tpu.memory_space<vmem>>) target_semaphore(%run_scoped3A : memref<!tpu.dma_semaphore, #tpu.memory_space<semaphore_mem>>)
        %dma_wait3A = arith.constant 0 : i32
        %dma_wait3A_47 = tpu.memref_slice %arg5[%add3A_33, %dma_wait3A] : memref<2500x128xi32, #tpu.memory_space<hbm>> -> memref<1x128xi32, #tpu.memory_space<hbm>>
        %dma_wait3A_48 = tpu.memref_squeeze %dma_wait3A_47 : memref<1x128xi32, #tpu.memory_space<hbm>> -> memref<128xi32, #tpu.memory_space<hbm>>
        %dma_wait3A_49 = arith.constant 0 : i32
        %dma_wait3A_50 = tpu.memref_slice %arg5[%add3A_33, %dma_wait3A_49] : memref<2500x128xi32, #tpu.memory_space<hbm>> -> memref<1x128xi32, #tpu.memory_space<hbm>>
        %dma_wait3A_51 = tpu.memref_squeeze %dma_wait3A_50 : memref<1x128xi32, #tpu.memory_space<hbm>> -> memref<128xi32, #tpu.memory_space<hbm>>
        tpu.wait_dma2 semaphore(%run_scoped3A : memref<!tpu.dma_semaphore, #tpu.memory_space<semaphore_mem>>) src(%dma_wait3A_51 : memref<128xi32, #tpu.memory_space<hbm>>) dst(%arg8 : memref<128xi32, #tpu.memory_space<vmem>>)
        tpu.yield
      }) : () -> ()
      %eq3A = arith.constant 0 : i32
      %eq3A_34 = arith.cmpi eq, %arg0, %eq3A : i32
      %convert_element_type3A = arith.extui %eq3A_34 : i1 to i32
      %cond3A = arith.constant 0 : i32
      %cond3A_35 = arith.cmpi ne, %convert_element_type3A, %cond3A : i32
      scf.if %cond3A_35 {
        %dma_start3A = arith.constant 0 : i32
        %dma_start3A_42 = arith.constant 0 : i32
        %dma_start3A_43 = tpu.memref_slice %arg2[%dma_start3A, %dma_start3A_42] : memref<10000x96xf32, #tpu.memory_space<hbm>> -> memref<10000x96xf32, #tpu.memory_space<hbm>>
        tpu.enqueue_indirect_dma source(%dma_start3A_43 : memref<10000x96xf32, #tpu.memory_space<hbm>>) target(%arg9 : memref<128x96xf32, #tpu.memory_space<vmem>>) offsets(%arg7 : memref<128xi32, #tpu.memory_space<vmem>>) semaphore(%arg12 : memref<!tpu.dma_semaphore, #tpu.memory_space<semaphore_mem>>)
        %dma_wait3A = arith.constant 0 : i32
        %dma_wait3A_44 = arith.constant 0 : i32
        %dma_wait3A_45 = tpu.memref_slice %arg2[%dma_wait3A, %dma_wait3A_44] : memref<10000x96xf32, #tpu.memory_space<hbm>> -> memref<10000x96xf32, #tpu.memory_space<hbm>>
        tpu.wait_indirect_dma semaphore(%arg12 : memref<!tpu.dma_semaphore, #tpu.memory_space<semaphore_mem>>) src(%dma_wait3A_45 : memref<10000x96xf32, #tpu.memory_space<hbm>>) dst(%arg9 : memref<128x96xf32, #tpu.memory_space<vmem>>)
      } else {
      }
      %eq3A_36 = arith.constant 1 : i32
      %eq3A_37 = arith.cmpi eq, %arg0, %eq3A_36 : i32
      %convert_element_type3A_38 = arith.extui %eq3A_37 : i1 to i32
      %cond3A_39 = arith.constant 0 : i32
      %cond3A_40 = arith.cmpi ne, %convert_element_type3A_38, %cond3A_39 : i32
      scf.if %cond3A_40 {
        %dma_start3A = arith.constant 0 : i32
        %dma_start3A_42 = arith.constant 0 : i32
        %dma_start3A_43 = tpu.memref_slice %arg3[%dma_start3A, %dma_start3A_42] : memref<10000x96xf32, #tpu.memory_space<hbm>> -> memref<10000x96xf32, #tpu.memory_space<hbm>>
        tpu.enqueue_indirect_dma source(%dma_start3A_43 : memref<10000x96xf32, #tpu.memory_space<hbm>>) target(%arg9 : memref<128x96xf32, #tpu.memory_space<vmem>>) offsets(%arg7 : memref<128xi32, #tpu.memory_space<vmem>>) semaphore(%arg12 : memref<!tpu.dma_semaphore, #tpu.memory_space<semaphore_mem>>)
        %dma_wait3A = arith.constant 0 : i32
        %dma_wait3A_44 = arith.constant 0 : i32
        %dma_wait3A_45 = tpu.memref_slice %arg3[%dma_wait3A, %dma_wait3A_44] : memref<10000x96xf32, #tpu.memory_space<hbm>> -> memref<10000x96xf32, #tpu.memory_space<hbm>>
        tpu.wait_indirect_dma semaphore(%arg12 : memref<!tpu.dma_semaphore, #tpu.memory_space<semaphore_mem>>) src(%dma_wait3A_45 : memref<10000x96xf32, #tpu.memory_space<hbm>>) dst(%arg9 : memref<128x96xf32, #tpu.memory_space<vmem>>)
      } else {
      }
      "tpu.region"() ({
        %run_scoped3A = tpu.sem_alloc : memref<!tpu.dma_semaphore, #tpu.memory_space<semaphore_mem>>
        %dma_start3A = arith.constant 0 : i32
        %dma_start3A_42 = arith.constant 0 : i32
        %dma_start3A_43 = tpu.memref_slice %arg11[%dma_start3A, %dma_start3A_42] : memref<10000x96xf32, #tpu.memory_space<vmem_shared>> -> memref<10000x96xf32, #tpu.memory_space<vmem_shared>>
        tpu.enqueue_indirect_dma source(%arg9 : memref<128x96xf32, #tpu.memory_space<vmem>>) target(%dma_start3A_43 : memref<10000x96xf32, #tpu.memory_space<vmem_shared>>) offsets(%arg8 : memref<128xi32, #tpu.memory_space<vmem>>) semaphore(%run_scoped3A : memref<!tpu.dma_semaphore, #tpu.memory_space<semaphore_mem>>) {add = true}
        %dma_wait3A = arith.constant 0 : i32
        %dma_wait3A_44 = arith.constant 0 : i32
        %dma_wait3A_45 = tpu.memref_slice %arg11[%dma_wait3A, %dma_wait3A_44] : memref<10000x96xf32, #tpu.memory_space<vmem_shared>> -> memref<10000x96xf32, #tpu.memory_space<vmem_shared>>
        tpu.wait_indirect_dma semaphore(%run_scoped3A : memref<!tpu.dma_semaphore, #tpu.memory_space<semaphore_mem>>) src(%arg9 : memref<128x96xf32, #tpu.memory_space<vmem>>) dst(%dma_wait3A_45 : memref<10000x96xf32, #tpu.memory_space<vmem_shared>>)
        tpu.yield
      }) : () -> ()
      %while3A_41 = arith.constant 0 : i32
      scf.yield %while3A_41 : i32
    }
    %barrier3A_27 = arith.constant 0 : index
    tpu.barrier barrier_id(%barrier3A_27)
    %mul3A = arith.constant 625 : i32
    %mul3A_28 = arith.muli %arg1, %mul3A : i32
    "tpu.region"() ({
      %run_scoped3A = tpu.sem_alloc : memref<!tpu.dma_semaphore, #tpu.memory_space<semaphore_mem>>
      %dma_start3A = arith.constant 0 : i32
      %dma_start3A_29 = arith.constant 0 : i32
      %dma_start3A_30 = tpu.memref_slice %arg6[%arg0, %arg1, %dma_start3A, %dma_start3A_29] : memref<2x16x625x96xf32, #tpu.memory_space<hbm>> -> memref<1x1x625x96xf32, #tpu.memory_space<hbm>>
      %dma_start3A_31 = tpu.memref_squeeze %dma_start3A_30 : memref<1x1x625x96xf32, #tpu.memory_space<hbm>> -> memref<625x96xf32, #tpu.memory_space<hbm>>
      %dma_start3A_32 = arith.constant 0 : i32
      %dma_start3A_33 = tpu.memref_slice %arg11[%mul3A_28, %dma_start3A_32] : memref<10000x96xf32, #tpu.memory_space<vmem_shared>> -> memref<625x96xf32, #tpu.memory_space<vmem_shared>>
      tpu.enqueue_dma source(%dma_start3A_33 : memref<625x96xf32, #tpu.memory_space<vmem_shared>>) target(%dma_start3A_31 : memref<625x96xf32, #tpu.memory_space<hbm>>) target_semaphore(%run_scoped3A : memref<!tpu.dma_semaphore, #tpu.memory_space<semaphore_mem>>)
      %dma_wait3A = arith.constant 0 : i32
      %dma_wait3A_34 = arith.constant 0 : i32
      %dma_wait3A_35 = tpu.memref_slice %arg6[%arg0, %arg1, %dma_wait3A, %dma_wait3A_34] : memref<2x16x625x96xf32, #tpu.memory_space<hbm>> -> memref<1x1x625x96xf32, #tpu.memory_space<hbm>>
      %dma_wait3A_36 = tpu.memref_squeeze %dma_wait3A_35 : memref<1x1x625x96xf32, #tpu.memory_space<hbm>> -> memref<625x96xf32, #tpu.memory_space<hbm>>
      %dma_wait3A_37 = arith.constant 0 : i32
      %dma_wait3A_38 = tpu.memref_slice %arg11[%mul3A_28, %dma_wait3A_37] : memref<10000x96xf32, #tpu.memory_space<vmem_shared>> -> memref<625x96xf32, #tpu.memory_space<vmem_shared>>
      tpu.wait_dma2 semaphore(%run_scoped3A : memref<!tpu.dma_semaphore, #tpu.memory_space<semaphore_mem>>) src(%dma_wait3A_38 : memref<625x96xf32, #tpu.memory_space<vmem_shared>>) dst(%dma_wait3A_36 : memref<625x96xf32, #tpu.memory_space<hbm>>)
      tpu.yield
    }) : () -> ()
    return
  }
}

#map = affine_map<(d0, d1) -> (0, 0)>
#map1 = affine_map<(d0, d1) -> (0, 0, 0, 0)>
module attributes {stable_mosaic.version = 14 : i64} {
  func.func @k(%arg0: i32, %arg1: i32, %arg2: memref<10000x48xf32, #tpu.memory_space<hbm>>, %arg3: memref<10000x48xf32, #tpu.memory_space<hbm>>, %arg4: memref<2500x128xi32, #tpu.memory_space<hbm>>, %arg5: memref<2500x128xi32, #tpu.memory_space<hbm>>, %arg6: memref<2x16x625x48xf32, #tpu.memory_space<hbm>>, %arg7: memref<128xi32, #tpu.memory_space<vmem>>, %arg8: memref<128xi32, #tpu.memory_space<vmem>>, %arg9: memref<128x48xf32, #tpu.memory_space<vmem>>, %arg10: memref<125x48xf32, #tpu.memory_space<vmem>>, %arg11: memref<10000x48xf32, #tpu.memory_space<vmem_shared>>, %arg12: memref<!tpu.dma_semaphore, #tpu.memory_space<semaphore_mem>>) attributes {dimension_semantics = [#tpu.dimension_semantics<core_parallel>, #tpu.dimension_semantics<subcore_parallel>], iteration_bounds = array<i64: 2, 16>, scalar_prefetch = 0 : i64, scratch_operands = 6 : i64, tpu.core_type = #tpu.core_type<sc_vector_subcore>, window_params = [{transform_indices = #map}, {transform_indices = #map}, {transform_indices = #map}, {transform_indices = #map}, {transform_indices = #map1}]} {
    %scan3A = arith.constant 0 : i32
    %scan3A_0 = arith.constant 0 : i32
    %scan3A_1 = arith.constant 375 : i32
    %scan3A_2 = arith.addi %scan3A_0, %scan3A_1 : i32
    %scan3A_3 = arith.constant 1 : i32
    %scan3A_4 = scf.for %scan3A_29 = %scan3A_0 to %scan3A_2 step %scan3A_3 iter_args(%scan3A_30 = %scan3A) -> (i32)  : i32 {
      %jit3A_31 = arith.constant 3 : i32
      %div3A = arith.divsi %scan3A_29, %jit3A_31 : i32
      %sign3A = arith.constant 0 : i32
      %sign3A_32 = arith.cmpi sgt, %scan3A_29, %sign3A : i32
      %sign3A_33 = arith.extui %sign3A_32 : i1 to i32
      %sign3A_34 = arith.constant 0 : i32
      %sign3A_35 = arith.cmpi slt, %scan3A_29, %sign3A_34 : i32
      %sign3A_36 = arith.extui %sign3A_35 : i1 to i32
      %sign3A_37 = arith.subi %sign3A_33, %sign3A_36 : i32
      %sign3A_38 = arith.constant 0 : i32
      %sign3A_39 = arith.cmpi sgt, %jit3A_31, %sign3A_38 : i32
      %sign3A_40 = arith.extui %sign3A_39 : i1 to i32
      %sign3A_41 = arith.constant 0 : i32
      %sign3A_42 = arith.cmpi slt, %jit3A_31, %sign3A_41 : i32
      %sign3A_43 = arith.extui %sign3A_42 : i1 to i32
      %sign3A_44 = arith.subi %sign3A_40, %sign3A_43 : i32
      %ne3A = arith.cmpi ne, %sign3A_37, %sign3A_44 : i32
      %rem3A = arith.remsi %scan3A_29, %jit3A_31 : i32
      %ne3A_45 = arith.constant 0 : i32
      %ne3A_46 = arith.cmpi ne, %rem3A, %ne3A_45 : i32
      %and3A = arith.andi %ne3A, %ne3A_46 : i1
      %sub3A = arith.constant 1 : i32
      %sub3A_47 = arith.subi %div3A, %sub3A : i32
      %select_n3A_48 = arith.select %and3A, %sub3A_47, %div3A : i32
      %jit3A_49 = arith.constant 3 : i32
      %eq3A = arith.constant 0 : i32
      %eq3A_50 = arith.cmpi eq, %jit3A_49, %eq3A : i32
      %jit3A_51 = arith.constant 1 : i32
      %select_n3A_52 = arith.select %eq3A_50, %jit3A_51, %jit3A_49 : i32
      %rem3A_53 = arith.remsi %scan3A_29, %select_n3A_52 : i32
      %ne3A_54 = arith.constant 0 : i32
      %ne3A_55 = arith.cmpi ne, %rem3A_53, %ne3A_54 : i32
      %lt3A_56 = arith.constant 0 : i32
      %lt3A_57 = arith.cmpi slt, %rem3A_53, %lt3A_56 : i32
      %lt3A_58 = arith.constant 0 : i32
      %lt3A_59 = arith.cmpi slt, %select_n3A_52, %lt3A_58 : i32
      %ne3A_60 = arith.xori %lt3A_57, %lt3A_59 : i1
      %and3A_61 = arith.andi %ne3A_60, %ne3A_55 : i1
      %add3A_62 = arith.addi %rem3A_53, %select_n3A_52 : i32
      %select_n3A_63 = arith.select %and3A_61, %add3A_62, %rem3A_53 : i32
      %mul3A_64 = arith.constant 16 : i32
      %mul3A_65 = arith.muli %select_n3A_63, %mul3A_64 : i32
      %broadcast_in_dim3A = arith.constant 0.000000e+00 : f32
      %broadcast_in_dim3A_66 = vector.broadcast %broadcast_in_dim3A : f32 to vector<16xf32>
      %swap3A = arith.index_cast %select_n3A_48 : i32 to index
      %swap3A_67 = arith.index_cast %mul3A_65 : i32 to index
      %swap3A_68 = tpu.vector_load %arg10[%swap3A, %swap3A_67] {strides = array<i32>} : memref<125x48xf32, #tpu.memory_space<vmem>>, vector<1x16xf32>,
      %swap3A_69 = vector.shape_cast %swap3A_68 : vector<1x16xf32> to vector<16xf32>
      %swap3A_70 = vector.shape_cast %broadcast_in_dim3A_66 : vector<16xf32> to vector<1x16xf32>
      tpu.vector_store %arg10[%swap3A, %swap3A_67], %swap3A_70 {strides = array<i32>} : memref<125x48xf32, #tpu.memory_space<vmem>>, vector<1x16xf32>,
      %scan3A_71 = arith.constant 0 : i32
      scf.yield %scan3A_71 : i32
    }
    %scan3A_5 = arith.constant 375 : i32
    %scan3A_6 = arith.constant 0 : i32
    %scan3A_7 = arith.constant 0 : i32
    %scan3A_8 = arith.constant 5 : i32
    %scan3A_9 = arith.addi %scan3A_7, %scan3A_8 : i32
    %scan3A_10 = arith.constant 1 : i32
    %scan3A_11 = scf.for %scan3A_29 = %scan3A_7 to %scan3A_9 step %scan3A_10 iter_args(%scan3A_30 = %scan3A_6) -> (i32)  : i32 {
      %mul3A_31 = arith.constant 625 : i32
      %mul3A_32 = arith.muli %arg1, %mul3A_31 : i32
      %mul3A_33 = arith.constant 125 : i32
      %mul3A_34 = arith.muli %scan3A_29, %mul3A_33 : i32
      %add3A_35 = arith.addi %mul3A_32, %mul3A_34 : i32
      "tpu.region"() ({
        %run_scoped3A = tpu.sem_alloc : memref<!tpu.dma_semaphore, #tpu.memory_space<semaphore_mem>>
        %dma_start3A = arith.constant 0 : i32
        %dma_start3A_37 = tpu.memref_slice %arg11[%add3A_35, %dma_start3A] : memref<10000x48xf32, #tpu.memory_space<vmem_shared>> -> memref<125x48xf32, #tpu.memory_space<vmem_shared>>
        %dma_start3A_38 = arith.constant 0 : i32
        %dma_start3A_39 = tpu.memref_slice %arg11[%add3A_35, %dma_start3A_38] : memref<10000x48xf32, #tpu.memory_space<vmem_shared>> -> memref<125x48xf32, #tpu.memory_space<vmem_shared>>
        tpu.enqueue_dma source(%arg10 : memref<125x48xf32, #tpu.memory_space<vmem>>) target(%dma_start3A_39 : memref<125x48xf32, #tpu.memory_space<vmem_shared>>) target_semaphore(%run_scoped3A : memref<!tpu.dma_semaphore, #tpu.memory_space<semaphore_mem>>)
        %dma_wait3A = arith.constant 0 : i32
        %dma_wait3A_40 = tpu.memref_slice %arg11[%add3A_35, %dma_wait3A] : memref<10000x48xf32, #tpu.memory_space<vmem_shared>> -> memref<125x48xf32, #tpu.memory_space<vmem_shared>>
        %dma_wait3A_41 = arith.constant 0 : i32
        %dma_wait3A_42 = tpu.memref_slice %arg11[%add3A_35, %dma_wait3A_41] : memref<10000x48xf32, #tpu.memory_space<vmem_shared>> -> memref<125x48xf32, #tpu.memory_space<vmem_shared>>
        tpu.wait_dma2 semaphore(%run_scoped3A : memref<!tpu.dma_semaphore, #tpu.memory_space<semaphore_mem>>) src(%arg10 : memref<125x48xf32, #tpu.memory_space<vmem>>) dst(%dma_wait3A_42 : memref<125x48xf32, #tpu.memory_space<vmem_shared>>)
        tpu.yield
      }) : () -> ()
      %scan3A_36 = arith.constant 0 : i32
      scf.yield %scan3A_36 : i32
    }
    %scan3A_12 = arith.constant 5 : i32
    %barrier3A = arith.constant 0 : index
    tpu.barrier barrier_id(%barrier3A)
    %lt3A = arith.constant 4 : i32
    %lt3A_13 = arith.cmpi slt, %arg1, %lt3A : i32
    %jit3A = arith.constant 1 : i32
    %jit3A_14 = arith.constant 0 : i32
    %select_n3A = arith.select %lt3A_13, %jit3A, %jit3A_14 : i32
    %add3A = arith.constant 156 : i32
    %add3A_15 = arith.addi %add3A, %select_n3A : i32
    %while3A = arith.constant 0 : i32
    %while3A_16 = arith.constant 0 : i32
    %while3A_17 = arith.subi %add3A_15, %while3A : i32
    %while3A_18 = arith.addi %while3A, %while3A_17 : i32
    %while3A_19 = arith.constant 1 : i32
    %while3A_20 = arith.divsi %while3A_17, %while3A_19 : i32
    %while3A_21 = arith.muli %while3A_20, %while3A_19 : i32
    %while3A_22 = arith.addi %while3A, %while3A_21 : i32
    %while3A_23 = arith.constant 1 : i32
    %while3A_24 = scf.for %while3A_29 = %while3A to %while3A_22 step %while3A_23 iter_args(%while3A_30 = %while3A_16) -> (i32)  : i32 {
      %mul3A_31 = arith.constant 16 : i32
      %mul3A_32 = arith.muli %while3A_29, %mul3A_31 : i32
      %add3A_33 = arith.addi %arg1, %mul3A_32 : i32
      "tpu.region"() ({
        %run_scoped3A = tpu.sem_alloc : memref<!tpu.dma_semaphore, #tpu.memory_space<semaphore_mem>>
        %dma_start3A = arith.constant 0 : i32
        %dma_start3A_42 = tpu.memref_slice %arg4[%add3A_33, %dma_start3A] : memref<2500x128xi32, #tpu.memory_space<hbm>> -> memref<1x128xi32, #tpu.memory_space<hbm>>
        %dma_start3A_43 = tpu.memref_squeeze %dma_start3A_42 : memref<1x128xi32, #tpu.memory_space<hbm>> -> memref<128xi32, #tpu.memory_space<hbm>>
        %dma_start3A_44 = arith.constant 0 : i32
        %dma_start3A_45 = tpu.memref_slice %arg4[%add3A_33, %dma_start3A_44] : memref<2500x128xi32, #tpu.memory_space<hbm>> -> memref<1x128xi32, #tpu.memory_space<hbm>>
        %dma_start3A_46 = tpu.memref_squeeze %dma_start3A_45 : memref<1x128xi32, #tpu.memory_space<hbm>> -> memref<128xi32, #tpu.memory_space<hbm>>
        tpu.enqueue_dma source(%dma_start3A_46 : memref<128xi32, #tpu.memory_space<hbm>>) target(%arg7 : memref<128xi32, #tpu.memory_space<vmem>>) target_semaphore(%run_scoped3A : memref<!tpu.dma_semaphore, #tpu.memory_space<semaphore_mem>>)
        %dma_wait3A = arith.constant 0 : i32
        %dma_wait3A_47 = tpu.memref_slice %arg4[%add3A_33, %dma_wait3A] : memref<2500x128xi32, #tpu.memory_space<hbm>> -> memref<1x128xi32, #tpu.memory_space<hbm>>
        %dma_wait3A_48 = tpu.memref_squeeze %dma_wait3A_47 : memref<1x128xi32, #tpu.memory_space<hbm>> -> memref<128xi32, #tpu.memory_space<hbm>>
        %dma_wait3A_49 = arith.constant 0 : i32
        %dma_wait3A_50 = tpu.memref_slice %arg4[%add3A_33, %dma_wait3A_49] : memref<2500x128xi32, #tpu.memory_space<hbm>> -> memref<1x128xi32, #tpu.memory_space<hbm>>
        %dma_wait3A_51 = tpu.memref_squeeze %dma_wait3A_50 : memref<1x128xi32, #tpu.memory_space<hbm>> -> memref<128xi32, #tpu.memory_space<hbm>>
        tpu.wait_dma2 semaphore(%run_scoped3A : memref<!tpu.dma_semaphore, #tpu.memory_space<semaphore_mem>>) src(%dma_wait3A_51 : memref<128xi32, #tpu.memory_space<hbm>>) dst(%arg7 : memref<128xi32, #tpu.memory_space<vmem>>)
        tpu.yield
      }) : () -> ()
      "tpu.region"() ({
        %run_scoped3A = tpu.sem_alloc : memref<!tpu.dma_semaphore, #tpu.memory_space<semaphore_mem>>
        %dma_start3A = arith.constant 0 : i32
        %dma_start3A_42 = tpu.memref_slice %arg5[%add3A_33, %dma_start3A] : memref<2500x128xi32, #tpu.memory_space<hbm>> -> memref<1x128xi32, #tpu.memory_space<hbm>>
        %dma_start3A_43 = tpu.memref_squeeze %dma_start3A_42 : memref<1x128xi32, #tpu.memory_space<hbm>> -> memref<128xi32, #tpu.memory_space<hbm>>
        %dma_start3A_44 = arith.constant 0 : i32
        %dma_start3A_45 = tpu.memref_slice %arg5[%add3A_33, %dma_start3A_44] : memref<2500x128xi32, #tpu.memory_space<hbm>> -> memref<1x128xi32, #tpu.memory_space<hbm>>
        %dma_start3A_46 = tpu.memref_squeeze %dma_start3A_45 : memref<1x128xi32, #tpu.memory_space<hbm>> -> memref<128xi32, #tpu.memory_space<hbm>>
        tpu.enqueue_dma source(%dma_start3A_46 : memref<128xi32, #tpu.memory_space<hbm>>) target(%arg8 : memref<128xi32, #tpu.memory_space<vmem>>) target_semaphore(%run_scoped3A : memref<!tpu.dma_semaphore, #tpu.memory_space<semaphore_mem>>)
        %dma_wait3A = arith.constant 0 : i32
        %dma_wait3A_47 = tpu.memref_slice %arg5[%add3A_33, %dma_wait3A] : memref<2500x128xi32, #tpu.memory_space<hbm>> -> memref<1x128xi32, #tpu.memory_space<hbm>>
        %dma_wait3A_48 = tpu.memref_squeeze %dma_wait3A_47 : memref<1x128xi32, #tpu.memory_space<hbm>> -> memref<128xi32, #tpu.memory_space<hbm>>
        %dma_wait3A_49 = arith.constant 0 : i32
        %dma_wait3A_50 = tpu.memref_slice %arg5[%add3A_33, %dma_wait3A_49] : memref<2500x128xi32, #tpu.memory_space<hbm>> -> memref<1x128xi32, #tpu.memory_space<hbm>>
        %dma_wait3A_51 = tpu.memref_squeeze %dma_wait3A_50 : memref<1x128xi32, #tpu.memory_space<hbm>> -> memref<128xi32, #tpu.memory_space<hbm>>
        tpu.wait_dma2 semaphore(%run_scoped3A : memref<!tpu.dma_semaphore, #tpu.memory_space<semaphore_mem>>) src(%dma_wait3A_51 : memref<128xi32, #tpu.memory_space<hbm>>) dst(%arg8 : memref<128xi32, #tpu.memory_space<vmem>>)
        tpu.yield
      }) : () -> ()
      %eq3A = arith.constant 0 : i32
      %eq3A_34 = arith.cmpi eq, %arg0, %eq3A : i32
      %convert_element_type3A = arith.extui %eq3A_34 : i1 to i32
      %cond3A = arith.constant 0 : i32
      %cond3A_35 = arith.cmpi ne, %convert_element_type3A, %cond3A : i32
      scf.if %cond3A_35 {
        %dma_start3A = arith.constant 0 : i32
        %dma_start3A_42 = arith.constant 0 : i32
        %dma_start3A_43 = tpu.memref_slice %arg2[%dma_start3A, %dma_start3A_42] : memref<10000x48xf32, #tpu.memory_space<hbm>> -> memref<10000x48xf32, #tpu.memory_space<hbm>>
        tpu.enqueue_indirect_dma source(%dma_start3A_43 : memref<10000x48xf32, #tpu.memory_space<hbm>>) target(%arg9 : memref<128x48xf32, #tpu.memory_space<vmem>>) offsets(%arg7 : memref<128xi32, #tpu.memory_space<vmem>>) semaphore(%arg12 : memref<!tpu.dma_semaphore, #tpu.memory_space<semaphore_mem>>)
        %dma_wait3A = arith.constant 0 : i32
        %dma_wait3A_44 = arith.constant 0 : i32
        %dma_wait3A_45 = tpu.memref_slice %arg2[%dma_wait3A, %dma_wait3A_44] : memref<10000x48xf32, #tpu.memory_space<hbm>> -> memref<10000x48xf32, #tpu.memory_space<hbm>>
        tpu.wait_indirect_dma semaphore(%arg12 : memref<!tpu.dma_semaphore, #tpu.memory_space<semaphore_mem>>) src(%dma_wait3A_45 : memref<10000x48xf32, #tpu.memory_space<hbm>>) dst(%arg9 : memref<128x48xf32, #tpu.memory_space<vmem>>)
      } else {
      }
      %eq3A_36 = arith.constant 1 : i32
      %eq3A_37 = arith.cmpi eq, %arg0, %eq3A_36 : i32
      %convert_element_type3A_38 = arith.extui %eq3A_37 : i1 to i32
      %cond3A_39 = arith.constant 0 : i32
      %cond3A_40 = arith.cmpi ne, %convert_element_type3A_38, %cond3A_39 : i32
      scf.if %cond3A_40 {
        %dma_start3A = arith.constant 0 : i32
        %dma_start3A_42 = arith.constant 0 : i32
        %dma_start3A_43 = tpu.memref_slice %arg3[%dma_start3A, %dma_start3A_42] : memref<10000x48xf32, #tpu.memory_space<hbm>> -> memref<10000x48xf32, #tpu.memory_space<hbm>>
        tpu.enqueue_indirect_dma source(%dma_start3A_43 : memref<10000x48xf32, #tpu.memory_space<hbm>>) target(%arg9 : memref<128x48xf32, #tpu.memory_space<vmem>>) offsets(%arg7 : memref<128xi32, #tpu.memory_space<vmem>>) semaphore(%arg12 : memref<!tpu.dma_semaphore, #tpu.memory_space<semaphore_mem>>)
        %dma_wait3A = arith.constant 0 : i32
        %dma_wait3A_44 = arith.constant 0 : i32
        %dma_wait3A_45 = tpu.memref_slice %arg3[%dma_wait3A, %dma_wait3A_44] : memref<10000x48xf32, #tpu.memory_space<hbm>> -> memref<10000x48xf32, #tpu.memory_space<hbm>>
        tpu.wait_indirect_dma semaphore(%arg12 : memref<!tpu.dma_semaphore, #tpu.memory_space<semaphore_mem>>) src(%dma_wait3A_45 : memref<10000x48xf32, #tpu.memory_space<hbm>>) dst(%arg9 : memref<128x48xf32, #tpu.memory_space<vmem>>)
      } else {
      }
      "tpu.region"() ({
        %run_scoped3A = tpu.sem_alloc : memref<!tpu.dma_semaphore, #tpu.memory_space<semaphore_mem>>
        %dma_start3A = arith.constant 0 : i32
        %dma_start3A_42 = arith.constant 0 : i32
        %dma_start3A_43 = tpu.memref_slice %arg11[%dma_start3A, %dma_start3A_42] : memref<10000x48xf32, #tpu.memory_space<vmem_shared>> -> memref<10000x48xf32, #tpu.memory_space<vmem_shared>>
        tpu.enqueue_indirect_dma source(%arg9 : memref<128x48xf32, #tpu.memory_space<vmem>>) target(%dma_start3A_43 : memref<10000x48xf32, #tpu.memory_space<vmem_shared>>) offsets(%arg8 : memref<128xi32, #tpu.memory_space<vmem>>) semaphore(%run_scoped3A : memref<!tpu.dma_semaphore, #tpu.memory_space<semaphore_mem>>) {add = true}
        %dma_wait3A = arith.constant 0 : i32
        %dma_wait3A_44 = arith.constant 0 : i32
        %dma_wait3A_45 = tpu.memref_slice %arg11[%dma_wait3A, %dma_wait3A_44] : memref<10000x48xf32, #tpu.memory_space<vmem_shared>> -> memref<10000x48xf32, #tpu.memory_space<vmem_shared>>
        tpu.wait_indirect_dma semaphore(%run_scoped3A : memref<!tpu.dma_semaphore, #tpu.memory_space<semaphore_mem>>) src(%arg9 : memref<128x48xf32, #tpu.memory_space<vmem>>) dst(%dma_wait3A_45 : memref<10000x48xf32, #tpu.memory_space<vmem_shared>>)
        tpu.yield
      }) : () -> ()
      %while3A_41 = arith.constant 0 : i32
      scf.yield %while3A_41 : i32
    }
    %while3A_25 = arith.constant 1 : i32
    %while3A_26 = scf.for %while3A_29 = %while3A_22 to %while3A_18 step %while3A_25 iter_args(%while3A_30 = %while3A_24) -> (i32)  : i32 {
      %mul3A_31 = arith.constant 16 : i32
      %mul3A_32 = arith.muli %while3A_29, %mul3A_31 : i32
      %add3A_33 = arith.addi %arg1, %mul3A_32 : i32
      "tpu.region"() ({
        %run_scoped3A = tpu.sem_alloc : memref<!tpu.dma_semaphore, #tpu.memory_space<semaphore_mem>>
        %dma_start3A = arith.constant 0 : i32
        %dma_start3A_42 = tpu.memref_slice %arg4[%add3A_33, %dma_start3A] : memref<2500x128xi32, #tpu.memory_space<hbm>> -> memref<1x128xi32, #tpu.memory_space<hbm>>
        %dma_start3A_43 = tpu.memref_squeeze %dma_start3A_42 : memref<1x128xi32, #tpu.memory_space<hbm>> -> memref<128xi32, #tpu.memory_space<hbm>>
        %dma_start3A_44 = arith.constant 0 : i32
        %dma_start3A_45 = tpu.memref_slice %arg4[%add3A_33, %dma_start3A_44] : memref<2500x128xi32, #tpu.memory_space<hbm>> -> memref<1x128xi32, #tpu.memory_space<hbm>>
        %dma_start3A_46 = tpu.memref_squeeze %dma_start3A_45 : memref<1x128xi32, #tpu.memory_space<hbm>> -> memref<128xi32, #tpu.memory_space<hbm>>
        tpu.enqueue_dma source(%dma_start3A_46 : memref<128xi32, #tpu.memory_space<hbm>>) target(%arg7 : memref<128xi32, #tpu.memory_space<vmem>>) target_semaphore(%run_scoped3A : memref<!tpu.dma_semaphore, #tpu.memory_space<semaphore_mem>>)
        %dma_wait3A = arith.constant 0 : i32
        %dma_wait3A_47 = tpu.memref_slice %arg4[%add3A_33, %dma_wait3A] : memref<2500x128xi32, #tpu.memory_space<hbm>> -> memref<1x128xi32, #tpu.memory_space<hbm>>
        %dma_wait3A_48 = tpu.memref_squeeze %dma_wait3A_47 : memref<1x128xi32, #tpu.memory_space<hbm>> -> memref<128xi32, #tpu.memory_space<hbm>>
        %dma_wait3A_49 = arith.constant 0 : i32
        %dma_wait3A_50 = tpu.memref_slice %arg4[%add3A_33, %dma_wait3A_49] : memref<2500x128xi32, #tpu.memory_space<hbm>> -> memref<1x128xi32, #tpu.memory_space<hbm>>
        %dma_wait3A_51 = tpu.memref_squeeze %dma_wait3A_50 : memref<1x128xi32, #tpu.memory_space<hbm>> -> memref<128xi32, #tpu.memory_space<hbm>>
        tpu.wait_dma2 semaphore(%run_scoped3A : memref<!tpu.dma_semaphore, #tpu.memory_space<semaphore_mem>>) src(%dma_wait3A_51 : memref<128xi32, #tpu.memory_space<hbm>>) dst(%arg7 : memref<128xi32, #tpu.memory_space<vmem>>)
        tpu.yield
      }) : () -> ()
      "tpu.region"() ({
        %run_scoped3A = tpu.sem_alloc : memref<!tpu.dma_semaphore, #tpu.memory_space<semaphore_mem>>
        %dma_start3A = arith.constant 0 : i32
        %dma_start3A_42 = tpu.memref_slice %arg5[%add3A_33, %dma_start3A] : memref<2500x128xi32, #tpu.memory_space<hbm>> -> memref<1x128xi32, #tpu.memory_space<hbm>>
        %dma_start3A_43 = tpu.memref_squeeze %dma_start3A_42 : memref<1x128xi32, #tpu.memory_space<hbm>> -> memref<128xi32, #tpu.memory_space<hbm>>
        %dma_start3A_44 = arith.constant 0 : i32
        %dma_start3A_45 = tpu.memref_slice %arg5[%add3A_33, %dma_start3A_44] : memref<2500x128xi32, #tpu.memory_space<hbm>> -> memref<1x128xi32, #tpu.memory_space<hbm>>
        %dma_start3A_46 = tpu.memref_squeeze %dma_start3A_45 : memref<1x128xi32, #tpu.memory_space<hbm>> -> memref<128xi32, #tpu.memory_space<hbm>>
        tpu.enqueue_dma source(%dma_start3A_46 : memref<128xi32, #tpu.memory_space<hbm>>) target(%arg8 : memref<128xi32, #tpu.memory_space<vmem>>) target_semaphore(%run_scoped3A : memref<!tpu.dma_semaphore, #tpu.memory_space<semaphore_mem>>)
        %dma_wait3A = arith.constant 0 : i32
        %dma_wait3A_47 = tpu.memref_slice %arg5[%add3A_33, %dma_wait3A] : memref<2500x128xi32, #tpu.memory_space<hbm>> -> memref<1x128xi32, #tpu.memory_space<hbm>>
        %dma_wait3A_48 = tpu.memref_squeeze %dma_wait3A_47 : memref<1x128xi32, #tpu.memory_space<hbm>> -> memref<128xi32, #tpu.memory_space<hbm>>
        %dma_wait3A_49 = arith.constant 0 : i32
        %dma_wait3A_50 = tpu.memref_slice %arg5[%add3A_33, %dma_wait3A_49] : memref<2500x128xi32, #tpu.memory_space<hbm>> -> memref<1x128xi32, #tpu.memory_space<hbm>>
        %dma_wait3A_51 = tpu.memref_squeeze %dma_wait3A_50 : memref<1x128xi32, #tpu.memory_space<hbm>> -> memref<128xi32, #tpu.memory_space<hbm>>
        tpu.wait_dma2 semaphore(%run_scoped3A : memref<!tpu.dma_semaphore, #tpu.memory_space<semaphore_mem>>) src(%dma_wait3A_51 : memref<128xi32, #tpu.memory_space<hbm>>) dst(%arg8 : memref<128xi32, #tpu.memory_space<vmem>>)
        tpu.yield
      }) : () -> ()
      %eq3A = arith.constant 0 : i32
      %eq3A_34 = arith.cmpi eq, %arg0, %eq3A : i32
      %convert_element_type3A = arith.extui %eq3A_34 : i1 to i32
      %cond3A = arith.constant 0 : i32
      %cond3A_35 = arith.cmpi ne, %convert_element_type3A, %cond3A : i32
      scf.if %cond3A_35 {
        %dma_start3A = arith.constant 0 : i32
        %dma_start3A_42 = arith.constant 0 : i32
        %dma_start3A_43 = tpu.memref_slice %arg2[%dma_start3A, %dma_start3A_42] : memref<10000x48xf32, #tpu.memory_space<hbm>> -> memref<10000x48xf32, #tpu.memory_space<hbm>>
        tpu.enqueue_indirect_dma source(%dma_start3A_43 : memref<10000x48xf32, #tpu.memory_space<hbm>>) target(%arg9 : memref<128x48xf32, #tpu.memory_space<vmem>>) offsets(%arg7 : memref<128xi32, #tpu.memory_space<vmem>>) semaphore(%arg12 : memref<!tpu.dma_semaphore, #tpu.memory_space<semaphore_mem>>)
        %dma_wait3A = arith.constant 0 : i32
        %dma_wait3A_44 = arith.constant 0 : i32
        %dma_wait3A_45 = tpu.memref_slice %arg2[%dma_wait3A, %dma_wait3A_44] : memref<10000x48xf32, #tpu.memory_space<hbm>> -> memref<10000x48xf32, #tpu.memory_space<hbm>>
        tpu.wait_indirect_dma semaphore(%arg12 : memref<!tpu.dma_semaphore, #tpu.memory_space<semaphore_mem>>) src(%dma_wait3A_45 : memref<10000x48xf32, #tpu.memory_space<hbm>>) dst(%arg9 : memref<128x48xf32, #tpu.memory_space<vmem>>)
      } else {
      }
      %eq3A_36 = arith.constant 1 : i32
      %eq3A_37 = arith.cmpi eq, %arg0, %eq3A_36 : i32
      %convert_element_type3A_38 = arith.extui %eq3A_37 : i1 to i32
      %cond3A_39 = arith.constant 0 : i32
      %cond3A_40 = arith.cmpi ne, %convert_element_type3A_38, %cond3A_39 : i32
      scf.if %cond3A_40 {
        %dma_start3A = arith.constant 0 : i32
        %dma_start3A_42 = arith.constant 0 : i32
        %dma_start3A_43 = tpu.memref_slice %arg3[%dma_start3A, %dma_start3A_42] : memref<10000x48xf32, #tpu.memory_space<hbm>> -> memref<10000x48xf32, #tpu.memory_space<hbm>>
        tpu.enqueue_indirect_dma source(%dma_start3A_43 : memref<10000x48xf32, #tpu.memory_space<hbm>>) target(%arg9 : memref<128x48xf32, #tpu.memory_space<vmem>>) offsets(%arg7 : memref<128xi32, #tpu.memory_space<vmem>>) semaphore(%arg12 : memref<!tpu.dma_semaphore, #tpu.memory_space<semaphore_mem>>)
        %dma_wait3A = arith.constant 0 : i32
        %dma_wait3A_44 = arith.constant 0 : i32
        %dma_wait3A_45 = tpu.memref_slice %arg3[%dma_wait3A, %dma_wait3A_44] : memref<10000x48xf32, #tpu.memory_space<hbm>> -> memref<10000x48xf32, #tpu.memory_space<hbm>>
        tpu.wait_indirect_dma semaphore(%arg12 : memref<!tpu.dma_semaphore, #tpu.memory_space<semaphore_mem>>) src(%dma_wait3A_45 : memref<10000x48xf32, #tpu.memory_space<hbm>>) dst(%arg9 : memref<128x48xf32, #tpu.memory_space<vmem>>)
      } else {
      }
      "tpu.region"() ({
        %run_scoped3A = tpu.sem_alloc : memref<!tpu.dma_semaphore, #tpu.memory_space<semaphore_mem>>
        %dma_start3A = arith.constant 0 : i32
        %dma_start3A_42 = arith.constant 0 : i32
        %dma_start3A_43 = tpu.memref_slice %arg11[%dma_start3A, %dma_start3A_42] : memref<10000x48xf32, #tpu.memory_space<vmem_shared>> -> memref<10000x48xf32, #tpu.memory_space<vmem_shared>>
        tpu.enqueue_indirect_dma source(%arg9 : memref<128x48xf32, #tpu.memory_space<vmem>>) target(%dma_start3A_43 : memref<10000x48xf32, #tpu.memory_space<vmem_shared>>) offsets(%arg8 : memref<128xi32, #tpu.memory_space<vmem>>) semaphore(%run_scoped3A : memref<!tpu.dma_semaphore, #tpu.memory_space<semaphore_mem>>) {add = true}
        %dma_wait3A = arith.constant 0 : i32
        %dma_wait3A_44 = arith.constant 0 : i32
        %dma_wait3A_45 = tpu.memref_slice %arg11[%dma_wait3A, %dma_wait3A_44] : memref<10000x48xf32, #tpu.memory_space<vmem_shared>> -> memref<10000x48xf32, #tpu.memory_space<vmem_shared>>
        tpu.wait_indirect_dma semaphore(%run_scoped3A : memref<!tpu.dma_semaphore, #tpu.memory_space<semaphore_mem>>) src(%arg9 : memref<128x48xf32, #tpu.memory_space<vmem>>) dst(%dma_wait3A_45 : memref<10000x48xf32, #tpu.memory_space<vmem_shared>>)
        tpu.yield
      }) : () -> ()
      %while3A_41 = arith.constant 0 : i32
      scf.yield %while3A_41 : i32
    }
    %barrier3A_27 = arith.constant 0 : index
    tpu.barrier barrier_id(%barrier3A_27)
    %mul3A = arith.constant 625 : i32
    %mul3A_28 = arith.muli %arg1, %mul3A : i32
    "tpu.region"() ({
      %run_scoped3A = tpu.sem_alloc : memref<!tpu.dma_semaphore, #tpu.memory_space<semaphore_mem>>
      %dma_start3A = arith.constant 0 : i32
      %dma_start3A_29 = arith.constant 0 : i32
      %dma_start3A_30 = tpu.memref_slice %arg6[%arg0, %arg1, %dma_start3A, %dma_start3A_29] : memref<2x16x625x48xf32, #tpu.memory_space<hbm>> -> memref<1x1x625x48xf32, #tpu.memory_space<hbm>>
      %dma_start3A_31 = tpu.memref_squeeze %dma_start3A_30 : memref<1x1x625x48xf32, #tpu.memory_space<hbm>> -> memref<625x48xf32, #tpu.memory_space<hbm>>
      %dma_start3A_32 = arith.constant 0 : i32
      %dma_start3A_33 = tpu.memref_slice %arg11[%mul3A_28, %dma_start3A_32] : memref<10000x48xf32, #tpu.memory_space<vmem_shared>> -> memref<625x48xf32, #tpu.memory_space<vmem_shared>>
      tpu.enqueue_dma source(%dma_start3A_33 : memref<625x48xf32, #tpu.memory_space<vmem_shared>>) target(%dma_start3A_31 : memref<625x48xf32, #tpu.memory_space<hbm>>) target_semaphore(%run_scoped3A : memref<!tpu.dma_semaphore, #tpu.memory_space<semaphore_mem>>)
      %dma_wait3A = arith.constant 0 : i32
      %dma_wait3A_34 = arith.constant 0 : i32
      %dma_wait3A_35 = tpu.memref_slice %arg6[%arg0, %arg1, %dma_wait3A, %dma_wait3A_34] : memref<2x16x625x48xf32, #tpu.memory_space<hbm>> -> memref<1x1x625x48xf32, #tpu.memory_space<hbm>>
      %dma_wait3A_36 = tpu.memref_squeeze %dma_wait3A_35 : memref<1x1x625x48xf32, #tpu.memory_space<hbm>> -> memref<625x48xf32, #tpu.memory_space<hbm>>
      %dma_wait3A_37 = arith.constant 0 : i32
      %dma_wait3A_38 = tpu.memref_slice %arg11[%mul3A_28, %dma_wait3A_37] : memref<10000x48xf32, #tpu.memory_space<vmem_shared>> -> memref<625x48xf32, #tpu.memory_space<vmem_shared>>
      tpu.wait_dma2 semaphore(%run_scoped3A : memref<!tpu.dma_semaphore, #tpu.memory_space<semaphore_mem>>) src(%dma_wait3A_38 : memref<625x48xf32, #tpu.memory_space<vmem_shared>>) dst(%dma_wait3A_36 : memref<625x48xf32, #tpu.memory_space<hbm>>)
      tpu.yield
    }) : () -> ()
    return
  }
}

#map = affine_map<(d0, d1) -> (0, 0)>
#map1 = affine_map<(d0, d1) -> (0, 0, 0, 0)>
module attributes {stable_mosaic.version = 14 : i64} {
  func.func @k(%arg0: i32, %arg1: i32, %arg2: memref<10000x96xf32, #tpu.memory_space<hbm>>, %arg3: memref<10000x96xf32, #tpu.memory_space<hbm>>, %arg4: memref<2500x128xi32, #tpu.memory_space<hbm>>, %arg5: memref<2500x128xi32, #tpu.memory_space<hbm>>, %arg6: memref<2x16x625x96xf32, #tpu.memory_space<hbm>>, %arg7: memref<128xi32, #tpu.memory_space<vmem>>, %arg8: memref<128xi32, #tpu.memory_space<vmem>>, %arg9: memref<128x96xf32, #tpu.memory_space<vmem>>, %arg10: memref<125x96xf32, #tpu.memory_space<vmem>>, %arg11: memref<10000x96xf32, #tpu.memory_space<vmem_shared>>, %arg12: memref<!tpu.dma_semaphore, #tpu.memory_space<semaphore_mem>>) attributes {dimension_semantics = [#tpu.dimension_semantics<core_parallel>, #tpu.dimension_semantics<subcore_parallel>], iteration_bounds = array<i64: 2, 16>, scalar_prefetch = 0 : i64, scratch_operands = 6 : i64, tpu.core_type = #tpu.core_type<sc_vector_subcore>, window_params = [{transform_indices = #map}, {transform_indices = #map}, {transform_indices = #map}, {transform_indices = #map}, {transform_indices = #map1}]} {
    %scan3A = arith.constant 0 : i32
    %scan3A_0 = arith.constant 0 : i32
    %scan3A_1 = arith.constant 750 : i32
    %scan3A_2 = arith.addi %scan3A_0, %scan3A_1 : i32
    %scan3A_3 = arith.constant 1 : i32
    %scan3A_4 = scf.for %scan3A_29 = %scan3A_0 to %scan3A_2 step %scan3A_3 iter_args(%scan3A_30 = %scan3A) -> (i32)  : i32 {
      %jit3A_31 = arith.constant 6 : i32
      %div3A = arith.divsi %scan3A_29, %jit3A_31 : i32
      %sign3A = arith.constant 0 : i32
      %sign3A_32 = arith.cmpi sgt, %scan3A_29, %sign3A : i32
      %sign3A_33 = arith.extui %sign3A_32 : i1 to i32
      %sign3A_34 = arith.constant 0 : i32
      %sign3A_35 = arith.cmpi slt, %scan3A_29, %sign3A_34 : i32
      %sign3A_36 = arith.extui %sign3A_35 : i1 to i32
      %sign3A_37 = arith.subi %sign3A_33, %sign3A_36 : i32
      %sign3A_38 = arith.constant 0 : i32
      %sign3A_39 = arith.cmpi sgt, %jit3A_31, %sign3A_38 : i32
      %sign3A_40 = arith.extui %sign3A_39 : i1 to i32
      %sign3A_41 = arith.constant 0 : i32
      %sign3A_42 = arith.cmpi slt, %jit3A_31, %sign3A_41 : i32
      %sign3A_43 = arith.extui %sign3A_42 : i1 to i32
      %sign3A_44 = arith.subi %sign3A_40, %sign3A_43 : i32
      %ne3A = arith.cmpi ne, %sign3A_37, %sign3A_44 : i32
      %rem3A = arith.remsi %scan3A_29, %jit3A_31 : i32
      %ne3A_45 = arith.constant 0 : i32
      %ne3A_46 = arith.cmpi ne, %rem3A, %ne3A_45 : i32
      %and3A = arith.andi %ne3A, %ne3A_46 : i1
      %sub3A = arith.constant 1 : i32
      %sub3A_47 = arith.subi %div3A, %sub3A : i32
      %select_n3A_48 = arith.select %and3A, %sub3A_47, %div3A : i32
      %jit3A_49 = arith.constant 6 : i32
      %eq3A = arith.constant 0 : i32
      %eq3A_50 = arith.cmpi eq, %jit3A_49, %eq3A : i32
      %jit3A_51 = arith.constant 1 : i32
      %select_n3A_52 = arith.select %eq3A_50, %jit3A_51, %jit3A_49 : i32
      %rem3A_53 = arith.remsi %scan3A_29, %select_n3A_52 : i32
      %ne3A_54 = arith.constant 0 : i32
      %ne3A_55 = arith.cmpi ne, %rem3A_53, %ne3A_54 : i32
      %lt3A_56 = arith.constant 0 : i32
      %lt3A_57 = arith.cmpi slt, %rem3A_53, %lt3A_56 : i32
      %lt3A_58 = arith.constant 0 : i32
      %lt3A_59 = arith.cmpi slt, %select_n3A_52, %lt3A_58 : i32
      %ne3A_60 = arith.xori %lt3A_57, %lt3A_59 : i1
      %and3A_61 = arith.andi %ne3A_60, %ne3A_55 : i1
      %add3A_62 = arith.addi %rem3A_53, %select_n3A_52 : i32
      %select_n3A_63 = arith.select %and3A_61, %add3A_62, %rem3A_53 : i32
      %mul3A_64 = arith.constant 16 : i32
      %mul3A_65 = arith.muli %select_n3A_63, %mul3A_64 : i32
      %broadcast_in_dim3A = arith.constant 0.000000e+00 : f32
      %broadcast_in_dim3A_66 = vector.broadcast %broadcast_in_dim3A : f32 to vector<16xf32>
      %swap3A = arith.index_cast %select_n3A_48 : i32 to index
      %swap3A_67 = arith.index_cast %mul3A_65 : i32 to index
      %swap3A_68 = tpu.vector_load %arg10[%swap3A, %swap3A_67] {strides = array<i32>} : memref<125x96xf32, #tpu.memory_space<vmem>>, vector<1x16xf32>,
      %swap3A_69 = vector.shape_cast %swap3A_68 : vector<1x16xf32> to vector<16xf32>
      %swap3A_70 = vector.shape_cast %broadcast_in_dim3A_66 : vector<16xf32> to vector<1x16xf32>
      tpu.vector_store %arg10[%swap3A, %swap3A_67], %swap3A_70 {strides = array<i32>} : memref<125x96xf32, #tpu.memory_space<vmem>>, vector<1x16xf32>,
      %scan3A_71 = arith.constant 0 : i32
      scf.yield %scan3A_71 : i32
    }
    %scan3A_5 = arith.constant 750 : i32
    %scan3A_6 = arith.constant 0 : i32
    %scan3A_7 = arith.constant 0 : i32
    %scan3A_8 = arith.constant 5 : i32
    %scan3A_9 = arith.addi %scan3A_7, %scan3A_8 : i32
    %scan3A_10 = arith.constant 1 : i32
    %scan3A_11 = scf.for %scan3A_29 = %scan3A_7 to %scan3A_9 step %scan3A_10 iter_args(%scan3A_30 = %scan3A_6) -> (i32)  : i32 {
      %mul3A_31 = arith.constant 625 : i32
      %mul3A_32 = arith.muli %arg1, %mul3A_31 : i32
      %mul3A_33 = arith.constant 125 : i32
      %mul3A_34 = arith.muli %scan3A_29, %mul3A_33 : i32
      %add3A_35 = arith.addi %mul3A_32, %mul3A_34 : i32
      "tpu.region"() ({
        %run_scoped3A = tpu.sem_alloc : memref<!tpu.dma_semaphore, #tpu.memory_space<semaphore_mem>>
        %dma_start3A = arith.constant 0 : i32
        %dma_start3A_37 = tpu.memref_slice %arg11[%add3A_35, %dma_start3A] : memref<10000x96xf32, #tpu.memory_space<vmem_shared>> -> memref<125x96xf32, #tpu.memory_space<vmem_shared>>
        %dma_start3A_38 = arith.constant 0 : i32
        %dma_start3A_39 = tpu.memref_slice %arg11[%add3A_35, %dma_start3A_38] : memref<10000x96xf32, #tpu.memory_space<vmem_shared>> -> memref<125x96xf32, #tpu.memory_space<vmem_shared>>
        tpu.enqueue_dma source(%arg10 : memref<125x96xf32, #tpu.memory_space<vmem>>) target(%dma_start3A_39 : memref<125x96xf32, #tpu.memory_space<vmem_shared>>) target_semaphore(%run_scoped3A : memref<!tpu.dma_semaphore, #tpu.memory_space<semaphore_mem>>)
        %dma_wait3A = arith.constant 0 : i32
        %dma_wait3A_40 = tpu.memref_slice %arg11[%add3A_35, %dma_wait3A] : memref<10000x96xf32, #tpu.memory_space<vmem_shared>> -> memref<125x96xf32, #tpu.memory_space<vmem_shared>>
        %dma_wait3A_41 = arith.constant 0 : i32
        %dma_wait3A_42 = tpu.memref_slice %arg11[%add3A_35, %dma_wait3A_41] : memref<10000x96xf32, #tpu.memory_space<vmem_shared>> -> memref<125x96xf32, #tpu.memory_space<vmem_shared>>
        tpu.wait_dma2 semaphore(%run_scoped3A : memref<!tpu.dma_semaphore, #tpu.memory_space<semaphore_mem>>) src(%arg10 : memref<125x96xf32, #tpu.memory_space<vmem>>) dst(%dma_wait3A_42 : memref<125x96xf32, #tpu.memory_space<vmem_shared>>)
        tpu.yield
      }) : () -> ()
      %scan3A_36 = arith.constant 0 : i32
      scf.yield %scan3A_36 : i32
    }
    %scan3A_12 = arith.constant 5 : i32
    %barrier3A = arith.constant 0 : index
    tpu.barrier barrier_id(%barrier3A)
    %lt3A = arith.constant 4 : i32
    %lt3A_13 = arith.cmpi slt, %arg1, %lt3A : i32
    %jit3A = arith.constant 1 : i32
    %jit3A_14 = arith.constant 0 : i32
    %select_n3A = arith.select %lt3A_13, %jit3A, %jit3A_14 : i32
    %add3A = arith.constant 156 : i32
    %add3A_15 = arith.addi %add3A, %select_n3A : i32
    %while3A = arith.constant 0 : i32
    %while3A_16 = arith.constant 0 : i32
    %while3A_17 = arith.subi %add3A_15, %while3A : i32
    %while3A_18 = arith.addi %while3A, %while3A_17 : i32
    %while3A_19 = arith.constant 1 : i32
    %while3A_20 = arith.divsi %while3A_17, %while3A_19 : i32
    %while3A_21 = arith.muli %while3A_20, %while3A_19 : i32
    %while3A_22 = arith.addi %while3A, %while3A_21 : i32
    %while3A_23 = arith.constant 1 : i32
    %while3A_24 = scf.for %while3A_29 = %while3A to %while3A_22 step %while3A_23 iter_args(%while3A_30 = %while3A_16) -> (i32)  : i32 {
      %mul3A_31 = arith.constant 16 : i32
      %mul3A_32 = arith.muli %while3A_29, %mul3A_31 : i32
      %add3A_33 = arith.addi %arg1, %mul3A_32 : i32
      "tpu.region"() ({
        %run_scoped3A = tpu.sem_alloc : memref<!tpu.dma_semaphore, #tpu.memory_space<semaphore_mem>>
        %dma_start3A = arith.constant 0 : i32
        %dma_start3A_42 = tpu.memref_slice %arg4[%add3A_33, %dma_start3A] : memref<2500x128xi32, #tpu.memory_space<hbm>> -> memref<1x128xi32, #tpu.memory_space<hbm>>
        %dma_start3A_43 = tpu.memref_squeeze %dma_start3A_42 : memref<1x128xi32, #tpu.memory_space<hbm>> -> memref<128xi32, #tpu.memory_space<hbm>>
        %dma_start3A_44 = arith.constant 0 : i32
        %dma_start3A_45 = tpu.memref_slice %arg4[%add3A_33, %dma_start3A_44] : memref<2500x128xi32, #tpu.memory_space<hbm>> -> memref<1x128xi32, #tpu.memory_space<hbm>>
        %dma_start3A_46 = tpu.memref_squeeze %dma_start3A_45 : memref<1x128xi32, #tpu.memory_space<hbm>> -> memref<128xi32, #tpu.memory_space<hbm>>
        tpu.enqueue_dma source(%dma_start3A_46 : memref<128xi32, #tpu.memory_space<hbm>>) target(%arg7 : memref<128xi32, #tpu.memory_space<vmem>>) target_semaphore(%run_scoped3A : memref<!tpu.dma_semaphore, #tpu.memory_space<semaphore_mem>>)
        %dma_wait3A = arith.constant 0 : i32
        %dma_wait3A_47 = tpu.memref_slice %arg4[%add3A_33, %dma_wait3A] : memref<2500x128xi32, #tpu.memory_space<hbm>> -> memref<1x128xi32, #tpu.memory_space<hbm>>
        %dma_wait3A_48 = tpu.memref_squeeze %dma_wait3A_47 : memref<1x128xi32, #tpu.memory_space<hbm>> -> memref<128xi32, #tpu.memory_space<hbm>>
        %dma_wait3A_49 = arith.constant 0 : i32
        %dma_wait3A_50 = tpu.memref_slice %arg4[%add3A_33, %dma_wait3A_49] : memref<2500x128xi32, #tpu.memory_space<hbm>> -> memref<1x128xi32, #tpu.memory_space<hbm>>
        %dma_wait3A_51 = tpu.memref_squeeze %dma_wait3A_50 : memref<1x128xi32, #tpu.memory_space<hbm>> -> memref<128xi32, #tpu.memory_space<hbm>>
        tpu.wait_dma2 semaphore(%run_scoped3A : memref<!tpu.dma_semaphore, #tpu.memory_space<semaphore_mem>>) src(%dma_wait3A_51 : memref<128xi32, #tpu.memory_space<hbm>>) dst(%arg7 : memref<128xi32, #tpu.memory_space<vmem>>)
        tpu.yield
      }) : () -> ()
      "tpu.region"() ({
        %run_scoped3A = tpu.sem_alloc : memref<!tpu.dma_semaphore, #tpu.memory_space<semaphore_mem>>
        %dma_start3A = arith.constant 0 : i32
        %dma_start3A_42 = tpu.memref_slice %arg5[%add3A_33, %dma_start3A] : memref<2500x128xi32, #tpu.memory_space<hbm>> -> memref<1x128xi32, #tpu.memory_space<hbm>>
        %dma_start3A_43 = tpu.memref_squeeze %dma_start3A_42 : memref<1x128xi32, #tpu.memory_space<hbm>> -> memref<128xi32, #tpu.memory_space<hbm>>
        %dma_start3A_44 = arith.constant 0 : i32
        %dma_start3A_45 = tpu.memref_slice %arg5[%add3A_33, %dma_start3A_44] : memref<2500x128xi32, #tpu.memory_space<hbm>> -> memref<1x128xi32, #tpu.memory_space<hbm>>
        %dma_start3A_46 = tpu.memref_squeeze %dma_start3A_45 : memref<1x128xi32, #tpu.memory_space<hbm>> -> memref<128xi32, #tpu.memory_space<hbm>>
        tpu.enqueue_dma source(%dma_start3A_46 : memref<128xi32, #tpu.memory_space<hbm>>) target(%arg8 : memref<128xi32, #tpu.memory_space<vmem>>) target_semaphore(%run_scoped3A : memref<!tpu.dma_semaphore, #tpu.memory_space<semaphore_mem>>)
        %dma_wait3A = arith.constant 0 : i32
        %dma_wait3A_47 = tpu.memref_slice %arg5[%add3A_33, %dma_wait3A] : memref<2500x128xi32, #tpu.memory_space<hbm>> -> memref<1x128xi32, #tpu.memory_space<hbm>>
        %dma_wait3A_48 = tpu.memref_squeeze %dma_wait3A_47 : memref<1x128xi32, #tpu.memory_space<hbm>> -> memref<128xi32, #tpu.memory_space<hbm>>
        %dma_wait3A_49 = arith.constant 0 : i32
        %dma_wait3A_50 = tpu.memref_slice %arg5[%add3A_33, %dma_wait3A_49] : memref<2500x128xi32, #tpu.memory_space<hbm>> -> memref<1x128xi32, #tpu.memory_space<hbm>>
        %dma_wait3A_51 = tpu.memref_squeeze %dma_wait3A_50 : memref<1x128xi32, #tpu.memory_space<hbm>> -> memref<128xi32, #tpu.memory_space<hbm>>
        tpu.wait_dma2 semaphore(%run_scoped3A : memref<!tpu.dma_semaphore, #tpu.memory_space<semaphore_mem>>) src(%dma_wait3A_51 : memref<128xi32, #tpu.memory_space<hbm>>) dst(%arg8 : memref<128xi32, #tpu.memory_space<vmem>>)
        tpu.yield
      }) : () -> ()
      %eq3A = arith.constant 0 : i32
      %eq3A_34 = arith.cmpi eq, %arg0, %eq3A : i32
      %convert_element_type3A = arith.extui %eq3A_34 : i1 to i32
      %cond3A = arith.constant 0 : i32
      %cond3A_35 = arith.cmpi ne, %convert_element_type3A, %cond3A : i32
      scf.if %cond3A_35 {
        %dma_start3A = arith.constant 0 : i32
        %dma_start3A_42 = arith.constant 0 : i32
        %dma_start3A_43 = tpu.memref_slice %arg2[%dma_start3A, %dma_start3A_42] : memref<10000x96xf32, #tpu.memory_space<hbm>> -> memref<10000x96xf32, #tpu.memory_space<hbm>>
        tpu.enqueue_indirect_dma source(%dma_start3A_43 : memref<10000x96xf32, #tpu.memory_space<hbm>>) target(%arg9 : memref<128x96xf32, #tpu.memory_space<vmem>>) offsets(%arg7 : memref<128xi32, #tpu.memory_space<vmem>>) semaphore(%arg12 : memref<!tpu.dma_semaphore, #tpu.memory_space<semaphore_mem>>)
        %dma_wait3A = arith.constant 0 : i32
        %dma_wait3A_44 = arith.constant 0 : i32
        %dma_wait3A_45 = tpu.memref_slice %arg2[%dma_wait3A, %dma_wait3A_44] : memref<10000x96xf32, #tpu.memory_space<hbm>> -> memref<10000x96xf32, #tpu.memory_space<hbm>>
        tpu.wait_indirect_dma semaphore(%arg12 : memref<!tpu.dma_semaphore, #tpu.memory_space<semaphore_mem>>) src(%dma_wait3A_45 : memref<10000x96xf32, #tpu.memory_space<hbm>>) dst(%arg9 : memref<128x96xf32, #tpu.memory_space<vmem>>)
      } else {
      }
      %eq3A_36 = arith.constant 1 : i32
      %eq3A_37 = arith.cmpi eq, %arg0, %eq3A_36 : i32
      %convert_element_type3A_38 = arith.extui %eq3A_37 : i1 to i32
      %cond3A_39 = arith.constant 0 : i32
      %cond3A_40 = arith.cmpi ne, %convert_element_type3A_38, %cond3A_39 : i32
      scf.if %cond3A_40 {
        %dma_start3A = arith.constant 0 : i32
        %dma_start3A_42 = arith.constant 0 : i32
        %dma_start3A_43 = tpu.memref_slice %arg3[%dma_start3A, %dma_start3A_42] : memref<10000x96xf32, #tpu.memory_space<hbm>> -> memref<10000x96xf32, #tpu.memory_space<hbm>>
        tpu.enqueue_indirect_dma source(%dma_start3A_43 : memref<10000x96xf32, #tpu.memory_space<hbm>>) target(%arg9 : memref<128x96xf32, #tpu.memory_space<vmem>>) offsets(%arg7 : memref<128xi32, #tpu.memory_space<vmem>>) semaphore(%arg12 : memref<!tpu.dma_semaphore, #tpu.memory_space<semaphore_mem>>)
        %dma_wait3A = arith.constant 0 : i32
        %dma_wait3A_44 = arith.constant 0 : i32
        %dma_wait3A_45 = tpu.memref_slice %arg3[%dma_wait3A, %dma_wait3A_44] : memref<10000x96xf32, #tpu.memory_space<hbm>> -> memref<10000x96xf32, #tpu.memory_space<hbm>>
        tpu.wait_indirect_dma semaphore(%arg12 : memref<!tpu.dma_semaphore, #tpu.memory_space<semaphore_mem>>) src(%dma_wait3A_45 : memref<10000x96xf32, #tpu.memory_space<hbm>>) dst(%arg9 : memref<128x96xf32, #tpu.memory_space<vmem>>)
      } else {
      }
      "tpu.region"() ({
        %run_scoped3A = tpu.sem_alloc : memref<!tpu.dma_semaphore, #tpu.memory_space<semaphore_mem>>
        %dma_start3A = arith.constant 0 : i32
        %dma_start3A_42 = arith.constant 0 : i32
        %dma_start3A_43 = tpu.memref_slice %arg11[%dma_start3A, %dma_start3A_42] : memref<10000x96xf32, #tpu.memory_space<vmem_shared>> -> memref<10000x96xf32, #tpu.memory_space<vmem_shared>>
        tpu.enqueue_indirect_dma source(%arg9 : memref<128x96xf32, #tpu.memory_space<vmem>>) target(%dma_start3A_43 : memref<10000x96xf32, #tpu.memory_space<vmem_shared>>) offsets(%arg8 : memref<128xi32, #tpu.memory_space<vmem>>) semaphore(%run_scoped3A : memref<!tpu.dma_semaphore, #tpu.memory_space<semaphore_mem>>) {add = true}
        %dma_wait3A = arith.constant 0 : i32
        %dma_wait3A_44 = arith.constant 0 : i32
        %dma_wait3A_45 = tpu.memref_slice %arg11[%dma_wait3A, %dma_wait3A_44] : memref<10000x96xf32, #tpu.memory_space<vmem_shared>> -> memref<10000x96xf32, #tpu.memory_space<vmem_shared>>
        tpu.wait_indirect_dma semaphore(%run_scoped3A : memref<!tpu.dma_semaphore, #tpu.memory_space<semaphore_mem>>) src(%arg9 : memref<128x96xf32, #tpu.memory_space<vmem>>) dst(%dma_wait3A_45 : memref<10000x96xf32, #tpu.memory_space<vmem_shared>>)
        tpu.yield
      }) : () -> ()
      %while3A_41 = arith.constant 0 : i32
      scf.yield %while3A_41 : i32
    }
    %while3A_25 = arith.constant 1 : i32
    %while3A_26 = scf.for %while3A_29 = %while3A_22 to %while3A_18 step %while3A_25 iter_args(%while3A_30 = %while3A_24) -> (i32)  : i32 {
      %mul3A_31 = arith.constant 16 : i32
      %mul3A_32 = arith.muli %while3A_29, %mul3A_31 : i32
      %add3A_33 = arith.addi %arg1, %mul3A_32 : i32
      "tpu.region"() ({
        %run_scoped3A = tpu.sem_alloc : memref<!tpu.dma_semaphore, #tpu.memory_space<semaphore_mem>>
        %dma_start3A = arith.constant 0 : i32
        %dma_start3A_42 = tpu.memref_slice %arg4[%add3A_33, %dma_start3A] : memref<2500x128xi32, #tpu.memory_space<hbm>> -> memref<1x128xi32, #tpu.memory_space<hbm>>
        %dma_start3A_43 = tpu.memref_squeeze %dma_start3A_42 : memref<1x128xi32, #tpu.memory_space<hbm>> -> memref<128xi32, #tpu.memory_space<hbm>>
        %dma_start3A_44 = arith.constant 0 : i32
        %dma_start3A_45 = tpu.memref_slice %arg4[%add3A_33, %dma_start3A_44] : memref<2500x128xi32, #tpu.memory_space<hbm>> -> memref<1x128xi32, #tpu.memory_space<hbm>>
        %dma_start3A_46 = tpu.memref_squeeze %dma_start3A_45 : memref<1x128xi32, #tpu.memory_space<hbm>> -> memref<128xi32, #tpu.memory_space<hbm>>
        tpu.enqueue_dma source(%dma_start3A_46 : memref<128xi32, #tpu.memory_space<hbm>>) target(%arg7 : memref<128xi32, #tpu.memory_space<vmem>>) target_semaphore(%run_scoped3A : memref<!tpu.dma_semaphore, #tpu.memory_space<semaphore_mem>>)
        %dma_wait3A = arith.constant 0 : i32
        %dma_wait3A_47 = tpu.memref_slice %arg4[%add3A_33, %dma_wait3A] : memref<2500x128xi32, #tpu.memory_space<hbm>> -> memref<1x128xi32, #tpu.memory_space<hbm>>
        %dma_wait3A_48 = tpu.memref_squeeze %dma_wait3A_47 : memref<1x128xi32, #tpu.memory_space<hbm>> -> memref<128xi32, #tpu.memory_space<hbm>>
        %dma_wait3A_49 = arith.constant 0 : i32
        %dma_wait3A_50 = tpu.memref_slice %arg4[%add3A_33, %dma_wait3A_49] : memref<2500x128xi32, #tpu.memory_space<hbm>> -> memref<1x128xi32, #tpu.memory_space<hbm>>
        %dma_wait3A_51 = tpu.memref_squeeze %dma_wait3A_50 : memref<1x128xi32, #tpu.memory_space<hbm>> -> memref<128xi32, #tpu.memory_space<hbm>>
        tpu.wait_dma2 semaphore(%run_scoped3A : memref<!tpu.dma_semaphore, #tpu.memory_space<semaphore_mem>>) src(%dma_wait3A_51 : memref<128xi32, #tpu.memory_space<hbm>>) dst(%arg7 : memref<128xi32, #tpu.memory_space<vmem>>)
        tpu.yield
      }) : () -> ()
      "tpu.region"() ({
        %run_scoped3A = tpu.sem_alloc : memref<!tpu.dma_semaphore, #tpu.memory_space<semaphore_mem>>
        %dma_start3A = arith.constant 0 : i32
        %dma_start3A_42 = tpu.memref_slice %arg5[%add3A_33, %dma_start3A] : memref<2500x128xi32, #tpu.memory_space<hbm>> -> memref<1x128xi32, #tpu.memory_space<hbm>>
        %dma_start3A_43 = tpu.memref_squeeze %dma_start3A_42 : memref<1x128xi32, #tpu.memory_space<hbm>> -> memref<128xi32, #tpu.memory_space<hbm>>
        %dma_start3A_44 = arith.constant 0 : i32
        %dma_start3A_45 = tpu.memref_slice %arg5[%add3A_33, %dma_start3A_44] : memref<2500x128xi32, #tpu.memory_space<hbm>> -> memref<1x128xi32, #tpu.memory_space<hbm>>
        %dma_start3A_46 = tpu.memref_squeeze %dma_start3A_45 : memref<1x128xi32, #tpu.memory_space<hbm>> -> memref<128xi32, #tpu.memory_space<hbm>>
        tpu.enqueue_dma source(%dma_start3A_46 : memref<128xi32, #tpu.memory_space<hbm>>) target(%arg8 : memref<128xi32, #tpu.memory_space<vmem>>) target_semaphore(%run_scoped3A : memref<!tpu.dma_semaphore, #tpu.memory_space<semaphore_mem>>)
        %dma_wait3A = arith.constant 0 : i32
        %dma_wait3A_47 = tpu.memref_slice %arg5[%add3A_33, %dma_wait3A] : memref<2500x128xi32, #tpu.memory_space<hbm>> -> memref<1x128xi32, #tpu.memory_space<hbm>>
        %dma_wait3A_48 = tpu.memref_squeeze %dma_wait3A_47 : memref<1x128xi32, #tpu.memory_space<hbm>> -> memref<128xi32, #tpu.memory_space<hbm>>
        %dma_wait3A_49 = arith.constant 0 : i32
        %dma_wait3A_50 = tpu.memref_slice %arg5[%add3A_33, %dma_wait3A_49] : memref<2500x128xi32, #tpu.memory_space<hbm>> -> memref<1x128xi32, #tpu.memory_space<hbm>>
        %dma_wait3A_51 = tpu.memref_squeeze %dma_wait3A_50 : memref<1x128xi32, #tpu.memory_space<hbm>> -> memref<128xi32, #tpu.memory_space<hbm>>
        tpu.wait_dma2 semaphore(%run_scoped3A : memref<!tpu.dma_semaphore, #tpu.memory_space<semaphore_mem>>) src(%dma_wait3A_51 : memref<128xi32, #tpu.memory_space<hbm>>) dst(%arg8 : memref<128xi32, #tpu.memory_space<vmem>>)
        tpu.yield
      }) : () -> ()
      %eq3A = arith.constant 0 : i32
      %eq3A_34 = arith.cmpi eq, %arg0, %eq3A : i32
      %convert_element_type3A = arith.extui %eq3A_34 : i1 to i32
      %cond3A = arith.constant 0 : i32
      %cond3A_35 = arith.cmpi ne, %convert_element_type3A, %cond3A : i32
      scf.if %cond3A_35 {
        %dma_start3A = arith.constant 0 : i32
        %dma_start3A_42 = arith.constant 0 : i32
        %dma_start3A_43 = tpu.memref_slice %arg2[%dma_start3A, %dma_start3A_42] : memref<10000x96xf32, #tpu.memory_space<hbm>> -> memref<10000x96xf32, #tpu.memory_space<hbm>>
        tpu.enqueue_indirect_dma source(%dma_start3A_43 : memref<10000x96xf32, #tpu.memory_space<hbm>>) target(%arg9 : memref<128x96xf32, #tpu.memory_space<vmem>>) offsets(%arg7 : memref<128xi32, #tpu.memory_space<vmem>>) semaphore(%arg12 : memref<!tpu.dma_semaphore, #tpu.memory_space<semaphore_mem>>)
        %dma_wait3A = arith.constant 0 : i32
        %dma_wait3A_44 = arith.constant 0 : i32
        %dma_wait3A_45 = tpu.memref_slice %arg2[%dma_wait3A, %dma_wait3A_44] : memref<10000x96xf32, #tpu.memory_space<hbm>> -> memref<10000x96xf32, #tpu.memory_space<hbm>>
        tpu.wait_indirect_dma semaphore(%arg12 : memref<!tpu.dma_semaphore, #tpu.memory_space<semaphore_mem>>) src(%dma_wait3A_45 : memref<10000x96xf32, #tpu.memory_space<hbm>>) dst(%arg9 : memref<128x96xf32, #tpu.memory_space<vmem>>)
      } else {
      }
      %eq3A_36 = arith.constant 1 : i32
      %eq3A_37 = arith.cmpi eq, %arg0, %eq3A_36 : i32
      %convert_element_type3A_38 = arith.extui %eq3A_37 : i1 to i32
      %cond3A_39 = arith.constant 0 : i32
      %cond3A_40 = arith.cmpi ne, %convert_element_type3A_38, %cond3A_39 : i32
      scf.if %cond3A_40 {
        %dma_start3A = arith.constant 0 : i32
        %dma_start3A_42 = arith.constant 0 : i32
        %dma_start3A_43 = tpu.memref_slice %arg3[%dma_start3A, %dma_start3A_42] : memref<10000x96xf32, #tpu.memory_space<hbm>> -> memref<10000x96xf32, #tpu.memory_space<hbm>>
        tpu.enqueue_indirect_dma source(%dma_start3A_43 : memref<10000x96xf32, #tpu.memory_space<hbm>>) target(%arg9 : memref<128x96xf32, #tpu.memory_space<vmem>>) offsets(%arg7 : memref<128xi32, #tpu.memory_space<vmem>>) semaphore(%arg12 : memref<!tpu.dma_semaphore, #tpu.memory_space<semaphore_mem>>)
        %dma_wait3A = arith.constant 0 : i32
        %dma_wait3A_44 = arith.constant 0 : i32
        %dma_wait3A_45 = tpu.memref_slice %arg3[%dma_wait3A, %dma_wait3A_44] : memref<10000x96xf32, #tpu.memory_space<hbm>> -> memref<10000x96xf32, #tpu.memory_space<hbm>>
        tpu.wait_indirect_dma semaphore(%arg12 : memref<!tpu.dma_semaphore, #tpu.memory_space<semaphore_mem>>) src(%dma_wait3A_45 : memref<10000x96xf32, #tpu.memory_space<hbm>>) dst(%arg9 : memref<128x96xf32, #tpu.memory_space<vmem>>)
      } else {
      }
      "tpu.region"() ({
        %run_scoped3A = tpu.sem_alloc : memref<!tpu.dma_semaphore, #tpu.memory_space<semaphore_mem>>
        %dma_start3A = arith.constant 0 : i32
        %dma_start3A_42 = arith.constant 0 : i32
        %dma_start3A_43 = tpu.memref_slice %arg11[%dma_start3A, %dma_start3A_42] : memref<10000x96xf32, #tpu.memory_space<vmem_shared>> -> memref<10000x96xf32, #tpu.memory_space<vmem_shared>>
        tpu.enqueue_indirect_dma source(%arg9 : memref<128x96xf32, #tpu.memory_space<vmem>>) target(%dma_start3A_43 : memref<10000x96xf32, #tpu.memory_space<vmem_shared>>) offsets(%arg8 : memref<128xi32, #tpu.memory_space<vmem>>) semaphore(%run_scoped3A : memref<!tpu.dma_semaphore, #tpu.memory_space<semaphore_mem>>) {add = true}
        %dma_wait3A = arith.constant 0 : i32
        %dma_wait3A_44 = arith.constant 0 : i32
        %dma_wait3A_45 = tpu.memref_slice %arg11[%dma_wait3A, %dma_wait3A_44] : memref<10000x96xf32, #tpu.memory_space<vmem_shared>> -> memref<10000x96xf32, #tpu.memory_space<vmem_shared>>
        tpu.wait_indirect_dma semaphore(%run_scoped3A : memref<!tpu.dma_semaphore, #tpu.memory_space<semaphore_mem>>) src(%arg9 : memref<128x96xf32, #tpu.memory_space<vmem>>) dst(%dma_wait3A_45 : memref<10000x96xf32, #tpu.memory_space<vmem_shared>>)
        tpu.yield
      }) : () -> ()
      %while3A_41 = arith.constant 0 : i32
      scf.yield %while3A_41 : i32
    }
    %barrier3A_27 = arith.constant 0 : index
    tpu.barrier barrier_id(%barrier3A_27)
    %mul3A = arith.constant 625 : i32
    %mul3A_28 = arith.muli %arg1, %mul3A : i32
    "tpu.region"() ({
      %run_scoped3A = tpu.sem_alloc : memref<!tpu.dma_semaphore, #tpu.memory_space<semaphore_mem>>
      %dma_start3A = arith.constant 0 : i32
      %dma_start3A_29 = arith.constant 0 : i32
      %dma_start3A_30 = tpu.memref_slice %arg6[%arg0, %arg1, %dma_start3A, %dma_start3A_29] : memref<2x16x625x96xf32, #tpu.memory_space<hbm>> -> memref<1x1x625x96xf32, #tpu.memory_space<hbm>>
      %dma_start3A_31 = tpu.memref_squeeze %dma_start3A_30 : memref<1x1x625x96xf32, #tpu.memory_space<hbm>> -> memref<625x96xf32, #tpu.memory_space<hbm>>
      %dma_start3A_32 = arith.constant 0 : i32
      %dma_start3A_33 = tpu.memref_slice %arg11[%mul3A_28, %dma_start3A_32] : memref<10000x96xf32, #tpu.memory_space<vmem_shared>> -> memref<625x96xf32, #tpu.memory_space<vmem_shared>>
      tpu.enqueue_dma source(%dma_start3A_33 : memref<625x96xf32, #tpu.memory_space<vmem_shared>>) target(%dma_start3A_31 : memref<625x96xf32, #tpu.memory_space<hbm>>) target_semaphore(%run_scoped3A : memref<!tpu.dma_semaphore, #tpu.memory_space<semaphore_mem>>)
      %dma_wait3A = arith.constant 0 : i32
      %dma_wait3A_34 = arith.constant 0 : i32
      %dma_wait3A_35 = tpu.memref_slice %arg6[%arg0, %arg1, %dma_wait3A, %dma_wait3A_34] : memref<2x16x625x96xf32, #tpu.memory_space<hbm>> -> memref<1x1x625x96xf32, #tpu.memory_space<hbm>>
      %dma_wait3A_36 = tpu.memref_squeeze %dma_wait3A_35 : memref<1x1x625x96xf32, #tpu.memory_space<hbm>> -> memref<625x96xf32, #tpu.memory_space<hbm>>
      %dma_wait3A_37 = arith.constant 0 : i32
      %dma_wait3A_38 = tpu.memref_slice %arg11[%mul3A_28, %dma_wait3A_37] : memref<10000x96xf32, #tpu.memory_space<vmem_shared>> -> memref<625x96xf32, #tpu.memory_space<vmem_shared>>
      tpu.wait_dma2 semaphore(%run_scoped3A : memref<!tpu.dma_semaphore, #tpu.memory_space<semaphore_mem>>) src(%dma_wait3A_38 : memref<625x96xf32, #tpu.memory_space<vmem_shared>>) dst(%dma_wait3A_36 : memref<625x96xf32, #tpu.memory_space<hbm>>)
      tpu.yield
    }) : () -> ()
    return
  }
}

#map = affine_map<(d0, d1) -> (0, 0)>
#map1 = affine_map<(d0, d1) -> (0, 0, 0, 0)>
module attributes {stable_mosaic.version = 14 : i64} {
  func.func @k(%arg0: i32, %arg1: i32, %arg2: memref<10000x96xf32, #tpu.memory_space<hbm>>, %arg3: memref<10000x96xf32, #tpu.memory_space<hbm>>, %arg4: memref<2500x128xi32, #tpu.memory_space<hbm>>, %arg5: memref<2500x128xi32, #tpu.memory_space<hbm>>, %arg6: memref<2x16x625x96xf32, #tpu.memory_space<hbm>>, %arg7: memref<128xi32, #tpu.memory_space<vmem>>, %arg8: memref<128xi32, #tpu.memory_space<vmem>>, %arg9: memref<128x96xf32, #tpu.memory_space<vmem>>, %arg10: memref<125x96xf32, #tpu.memory_space<vmem>>, %arg11: memref<10000x96xf32, #tpu.memory_space<vmem_shared>>, %arg12: memref<!tpu.dma_semaphore, #tpu.memory_space<semaphore_mem>>) attributes {dimension_semantics = [#tpu.dimension_semantics<core_parallel>, #tpu.dimension_semantics<subcore_parallel>], iteration_bounds = array<i64: 2, 16>, scalar_prefetch = 0 : i64, scratch_operands = 6 : i64, tpu.core_type = #tpu.core_type<sc_vector_subcore>, window_params = [{transform_indices = #map}, {transform_indices = #map}, {transform_indices = #map}, {transform_indices = #map}, {transform_indices = #map1}]} {
    %scan3A = arith.constant 0 : i32
    %scan3A_0 = arith.constant 0 : i32
    %scan3A_1 = arith.constant 750 : i32
    %scan3A_2 = arith.addi %scan3A_0, %scan3A_1 : i32
    %scan3A_3 = arith.constant 1 : i32
    %scan3A_4 = scf.for %scan3A_29 = %scan3A_0 to %scan3A_2 step %scan3A_3 iter_args(%scan3A_30 = %scan3A) -> (i32)  : i32 {
      %jit3A_31 = arith.constant 6 : i32
      %div3A = arith.divsi %scan3A_29, %jit3A_31 : i32
      %sign3A = arith.constant 0 : i32
      %sign3A_32 = arith.cmpi sgt, %scan3A_29, %sign3A : i32
      %sign3A_33 = arith.extui %sign3A_32 : i1 to i32
      %sign3A_34 = arith.constant 0 : i32
      %sign3A_35 = arith.cmpi slt, %scan3A_29, %sign3A_34 : i32
      %sign3A_36 = arith.extui %sign3A_35 : i1 to i32
      %sign3A_37 = arith.subi %sign3A_33, %sign3A_36 : i32
      %sign3A_38 = arith.constant 0 : i32
      %sign3A_39 = arith.cmpi sgt, %jit3A_31, %sign3A_38 : i32
      %sign3A_40 = arith.extui %sign3A_39 : i1 to i32
      %sign3A_41 = arith.constant 0 : i32
      %sign3A_42 = arith.cmpi slt, %jit3A_31, %sign3A_41 : i32
      %sign3A_43 = arith.extui %sign3A_42 : i1 to i32
      %sign3A_44 = arith.subi %sign3A_40, %sign3A_43 : i32
      %ne3A = arith.cmpi ne, %sign3A_37, %sign3A_44 : i32
      %rem3A = arith.remsi %scan3A_29, %jit3A_31 : i32
      %ne3A_45 = arith.constant 0 : i32
      %ne3A_46 = arith.cmpi ne, %rem3A, %ne3A_45 : i32
      %and3A = arith.andi %ne3A, %ne3A_46 : i1
      %sub3A = arith.constant 1 : i32
      %sub3A_47 = arith.subi %div3A, %sub3A : i32
      %select_n3A_48 = arith.select %and3A, %sub3A_47, %div3A : i32
      %jit3A_49 = arith.constant 6 : i32
      %eq3A = arith.constant 0 : i32
      %eq3A_50 = arith.cmpi eq, %jit3A_49, %eq3A : i32
      %jit3A_51 = arith.constant 1 : i32
      %select_n3A_52 = arith.select %eq3A_50, %jit3A_51, %jit3A_49 : i32
      %rem3A_53 = arith.remsi %scan3A_29, %select_n3A_52 : i32
      %ne3A_54 = arith.constant 0 : i32
      %ne3A_55 = arith.cmpi ne, %rem3A_53, %ne3A_54 : i32
      %lt3A_56 = arith.constant 0 : i32
      %lt3A_57 = arith.cmpi slt, %rem3A_53, %lt3A_56 : i32
      %lt3A_58 = arith.constant 0 : i32
      %lt3A_59 = arith.cmpi slt, %select_n3A_52, %lt3A_58 : i32
      %ne3A_60 = arith.xori %lt3A_57, %lt3A_59 : i1
      %and3A_61 = arith.andi %ne3A_60, %ne3A_55 : i1
      %add3A_62 = arith.addi %rem3A_53, %select_n3A_52 : i32
      %select_n3A_63 = arith.select %and3A_61, %add3A_62, %rem3A_53 : i32
      %mul3A_64 = arith.constant 16 : i32
      %mul3A_65 = arith.muli %select_n3A_63, %mul3A_64 : i32
      %broadcast_in_dim3A = arith.constant 0.000000e+00 : f32
      %broadcast_in_dim3A_66 = vector.broadcast %broadcast_in_dim3A : f32 to vector<16xf32>
      %swap3A = arith.index_cast %select_n3A_48 : i32 to index
      %swap3A_67 = arith.index_cast %mul3A_65 : i32 to index
      %swap3A_68 = tpu.vector_load %arg10[%swap3A, %swap3A_67] {strides = array<i32>} : memref<125x96xf32, #tpu.memory_space<vmem>>, vector<1x16xf32>,
      %swap3A_69 = vector.shape_cast %swap3A_68 : vector<1x16xf32> to vector<16xf32>
      %swap3A_70 = vector.shape_cast %broadcast_in_dim3A_66 : vector<16xf32> to vector<1x16xf32>
      tpu.vector_store %arg10[%swap3A, %swap3A_67], %swap3A_70 {strides = array<i32>} : memref<125x96xf32, #tpu.memory_space<vmem>>, vector<1x16xf32>,
      %scan3A_71 = arith.constant 0 : i32
      scf.yield %scan3A_71 : i32
    }
    %scan3A_5 = arith.constant 750 : i32
    %scan3A_6 = arith.constant 0 : i32
    %scan3A_7 = arith.constant 0 : i32
    %scan3A_8 = arith.constant 5 : i32
    %scan3A_9 = arith.addi %scan3A_7, %scan3A_8 : i32
    %scan3A_10 = arith.constant 1 : i32
    %scan3A_11 = scf.for %scan3A_29 = %scan3A_7 to %scan3A_9 step %scan3A_10 iter_args(%scan3A_30 = %scan3A_6) -> (i32)  : i32 {
      %mul3A_31 = arith.constant 625 : i32
      %mul3A_32 = arith.muli %arg1, %mul3A_31 : i32
      %mul3A_33 = arith.constant 125 : i32
      %mul3A_34 = arith.muli %scan3A_29, %mul3A_33 : i32
      %add3A_35 = arith.addi %mul3A_32, %mul3A_34 : i32
      "tpu.region"() ({
        %run_scoped3A = tpu.sem_alloc : memref<!tpu.dma_semaphore, #tpu.memory_space<semaphore_mem>>
        %dma_start3A = arith.constant 0 : i32
        %dma_start3A_37 = tpu.memref_slice %arg11[%add3A_35, %dma_start3A] : memref<10000x96xf32, #tpu.memory_space<vmem_shared>> -> memref<125x96xf32, #tpu.memory_space<vmem_shared>>
        %dma_start3A_38 = arith.constant 0 : i32
        %dma_start3A_39 = tpu.memref_slice %arg11[%add3A_35, %dma_start3A_38] : memref<10000x96xf32, #tpu.memory_space<vmem_shared>> -> memref<125x96xf32, #tpu.memory_space<vmem_shared>>
        tpu.enqueue_dma source(%arg10 : memref<125x96xf32, #tpu.memory_space<vmem>>) target(%dma_start3A_39 : memref<125x96xf32, #tpu.memory_space<vmem_shared>>) target_semaphore(%run_scoped3A : memref<!tpu.dma_semaphore, #tpu.memory_space<semaphore_mem>>)
        %dma_wait3A = arith.constant 0 : i32
        %dma_wait3A_40 = tpu.memref_slice %arg11[%add3A_35, %dma_wait3A] : memref<10000x96xf32, #tpu.memory_space<vmem_shared>> -> memref<125x96xf32, #tpu.memory_space<vmem_shared>>
        %dma_wait3A_41 = arith.constant 0 : i32
        %dma_wait3A_42 = tpu.memref_slice %arg11[%add3A_35, %dma_wait3A_41] : memref<10000x96xf32, #tpu.memory_space<vmem_shared>> -> memref<125x96xf32, #tpu.memory_space<vmem_shared>>
        tpu.wait_dma2 semaphore(%run_scoped3A : memref<!tpu.dma_semaphore, #tpu.memory_space<semaphore_mem>>) src(%arg10 : memref<125x96xf32, #tpu.memory_space<vmem>>) dst(%dma_wait3A_42 : memref<125x96xf32, #tpu.memory_space<vmem_shared>>)
        tpu.yield
      }) : () -> ()
      %scan3A_36 = arith.constant 0 : i32
      scf.yield %scan3A_36 : i32
    }
    %scan3A_12 = arith.constant 5 : i32
    %barrier3A = arith.constant 0 : index
    tpu.barrier barrier_id(%barrier3A)
    %lt3A = arith.constant 4 : i32
    %lt3A_13 = arith.cmpi slt, %arg1, %lt3A : i32
    %jit3A = arith.constant 1 : i32
    %jit3A_14 = arith.constant 0 : i32
    %select_n3A = arith.select %lt3A_13, %jit3A, %jit3A_14 : i32
    %add3A = arith.constant 156 : i32
    %add3A_15 = arith.addi %add3A, %select_n3A : i32
    %while3A = arith.constant 0 : i32
    %while3A_16 = arith.constant 0 : i32
    %while3A_17 = arith.subi %add3A_15, %while3A : i32
    %while3A_18 = arith.addi %while3A, %while3A_17 : i32
    %while3A_19 = arith.constant 1 : i32
    %while3A_20 = arith.divsi %while3A_17, %while3A_19 : i32
    %while3A_21 = arith.muli %while3A_20, %while3A_19 : i32
    %while3A_22 = arith.addi %while3A, %while3A_21 : i32
    %while3A_23 = arith.constant 1 : i32
    %while3A_24 = scf.for %while3A_29 = %while3A to %while3A_22 step %while3A_23 iter_args(%while3A_30 = %while3A_16) -> (i32)  : i32 {
      %mul3A_31 = arith.constant 16 : i32
      %mul3A_32 = arith.muli %while3A_29, %mul3A_31 : i32
      %add3A_33 = arith.addi %arg1, %mul3A_32 : i32
      "tpu.region"() ({
        %run_scoped3A = tpu.sem_alloc : memref<!tpu.dma_semaphore, #tpu.memory_space<semaphore_mem>>
        %dma_start3A = arith.constant 0 : i32
        %dma_start3A_42 = tpu.memref_slice %arg4[%add3A_33, %dma_start3A] : memref<2500x128xi32, #tpu.memory_space<hbm>> -> memref<1x128xi32, #tpu.memory_space<hbm>>
        %dma_start3A_43 = tpu.memref_squeeze %dma_start3A_42 : memref<1x128xi32, #tpu.memory_space<hbm>> -> memref<128xi32, #tpu.memory_space<hbm>>
        %dma_start3A_44 = arith.constant 0 : i32
        %dma_start3A_45 = tpu.memref_slice %arg4[%add3A_33, %dma_start3A_44] : memref<2500x128xi32, #tpu.memory_space<hbm>> -> memref<1x128xi32, #tpu.memory_space<hbm>>
        %dma_start3A_46 = tpu.memref_squeeze %dma_start3A_45 : memref<1x128xi32, #tpu.memory_space<hbm>> -> memref<128xi32, #tpu.memory_space<hbm>>
        tpu.enqueue_dma source(%dma_start3A_46 : memref<128xi32, #tpu.memory_space<hbm>>) target(%arg7 : memref<128xi32, #tpu.memory_space<vmem>>) target_semaphore(%run_scoped3A : memref<!tpu.dma_semaphore, #tpu.memory_space<semaphore_mem>>)
        %dma_wait3A = arith.constant 0 : i32
        %dma_wait3A_47 = tpu.memref_slice %arg4[%add3A_33, %dma_wait3A] : memref<2500x128xi32, #tpu.memory_space<hbm>> -> memref<1x128xi32, #tpu.memory_space<hbm>>
        %dma_wait3A_48 = tpu.memref_squeeze %dma_wait3A_47 : memref<1x128xi32, #tpu.memory_space<hbm>> -> memref<128xi32, #tpu.memory_space<hbm>>
        %dma_wait3A_49 = arith.constant 0 : i32
        %dma_wait3A_50 = tpu.memref_slice %arg4[%add3A_33, %dma_wait3A_49] : memref<2500x128xi32, #tpu.memory_space<hbm>> -> memref<1x128xi32, #tpu.memory_space<hbm>>
        %dma_wait3A_51 = tpu.memref_squeeze %dma_wait3A_50 : memref<1x128xi32, #tpu.memory_space<hbm>> -> memref<128xi32, #tpu.memory_space<hbm>>
        tpu.wait_dma2 semaphore(%run_scoped3A : memref<!tpu.dma_semaphore, #tpu.memory_space<semaphore_mem>>) src(%dma_wait3A_51 : memref<128xi32, #tpu.memory_space<hbm>>) dst(%arg7 : memref<128xi32, #tpu.memory_space<vmem>>)
        tpu.yield
      }) : () -> ()
      "tpu.region"() ({
        %run_scoped3A = tpu.sem_alloc : memref<!tpu.dma_semaphore, #tpu.memory_space<semaphore_mem>>
        %dma_start3A = arith.constant 0 : i32
        %dma_start3A_42 = tpu.memref_slice %arg5[%add3A_33, %dma_start3A] : memref<2500x128xi32, #tpu.memory_space<hbm>> -> memref<1x128xi32, #tpu.memory_space<hbm>>
        %dma_start3A_43 = tpu.memref_squeeze %dma_start3A_42 : memref<1x128xi32, #tpu.memory_space<hbm>> -> memref<128xi32, #tpu.memory_space<hbm>>
        %dma_start3A_44 = arith.constant 0 : i32
        %dma_start3A_45 = tpu.memref_slice %arg5[%add3A_33, %dma_start3A_44] : memref<2500x128xi32, #tpu.memory_space<hbm>> -> memref<1x128xi32, #tpu.memory_space<hbm>>
        %dma_start3A_46 = tpu.memref_squeeze %dma_start3A_45 : memref<1x128xi32, #tpu.memory_space<hbm>> -> memref<128xi32, #tpu.memory_space<hbm>>
        tpu.enqueue_dma source(%dma_start3A_46 : memref<128xi32, #tpu.memory_space<hbm>>) target(%arg8 : memref<128xi32, #tpu.memory_space<vmem>>) target_semaphore(%run_scoped3A : memref<!tpu.dma_semaphore, #tpu.memory_space<semaphore_mem>>)
        %dma_wait3A = arith.constant 0 : i32
        %dma_wait3A_47 = tpu.memref_slice %arg5[%add3A_33, %dma_wait3A] : memref<2500x128xi32, #tpu.memory_space<hbm>> -> memref<1x128xi32, #tpu.memory_space<hbm>>
        %dma_wait3A_48 = tpu.memref_squeeze %dma_wait3A_47 : memref<1x128xi32, #tpu.memory_space<hbm>> -> memref<128xi32, #tpu.memory_space<hbm>>
        %dma_wait3A_49 = arith.constant 0 : i32
        %dma_wait3A_50 = tpu.memref_slice %arg5[%add3A_33, %dma_wait3A_49] : memref<2500x128xi32, #tpu.memory_space<hbm>> -> memref<1x128xi32, #tpu.memory_space<hbm>>
        %dma_wait3A_51 = tpu.memref_squeeze %dma_wait3A_50 : memref<1x128xi32, #tpu.memory_space<hbm>> -> memref<128xi32, #tpu.memory_space<hbm>>
        tpu.wait_dma2 semaphore(%run_scoped3A : memref<!tpu.dma_semaphore, #tpu.memory_space<semaphore_mem>>) src(%dma_wait3A_51 : memref<128xi32, #tpu.memory_space<hbm>>) dst(%arg8 : memref<128xi32, #tpu.memory_space<vmem>>)
        tpu.yield
      }) : () -> ()
      %eq3A = arith.constant 0 : i32
      %eq3A_34 = arith.cmpi eq, %arg0, %eq3A : i32
      %convert_element_type3A = arith.extui %eq3A_34 : i1 to i32
      %cond3A = arith.constant 0 : i32
      %cond3A_35 = arith.cmpi ne, %convert_element_type3A, %cond3A : i32
      scf.if %cond3A_35 {
        %dma_start3A = arith.constant 0 : i32
        %dma_start3A_42 = arith.constant 0 : i32
        %dma_start3A_43 = tpu.memref_slice %arg2[%dma_start3A, %dma_start3A_42] : memref<10000x96xf32, #tpu.memory_space<hbm>> -> memref<10000x96xf32, #tpu.memory_space<hbm>>
        tpu.enqueue_indirect_dma source(%dma_start3A_43 : memref<10000x96xf32, #tpu.memory_space<hbm>>) target(%arg9 : memref<128x96xf32, #tpu.memory_space<vmem>>) offsets(%arg7 : memref<128xi32, #tpu.memory_space<vmem>>) semaphore(%arg12 : memref<!tpu.dma_semaphore, #tpu.memory_space<semaphore_mem>>)
        %dma_wait3A = arith.constant 0 : i32
        %dma_wait3A_44 = arith.constant 0 : i32
        %dma_wait3A_45 = tpu.memref_slice %arg2[%dma_wait3A, %dma_wait3A_44] : memref<10000x96xf32, #tpu.memory_space<hbm>> -> memref<10000x96xf32, #tpu.memory_space<hbm>>
        tpu.wait_indirect_dma semaphore(%arg12 : memref<!tpu.dma_semaphore, #tpu.memory_space<semaphore_mem>>) src(%dma_wait3A_45 : memref<10000x96xf32, #tpu.memory_space<hbm>>) dst(%arg9 : memref<128x96xf32, #tpu.memory_space<vmem>>)
      } else {
      }
      %eq3A_36 = arith.constant 1 : i32
      %eq3A_37 = arith.cmpi eq, %arg0, %eq3A_36 : i32
      %convert_element_type3A_38 = arith.extui %eq3A_37 : i1 to i32
      %cond3A_39 = arith.constant 0 : i32
      %cond3A_40 = arith.cmpi ne, %convert_element_type3A_38, %cond3A_39 : i32
      scf.if %cond3A_40 {
        %dma_start3A = arith.constant 0 : i32
        %dma_start3A_42 = arith.constant 0 : i32
        %dma_start3A_43 = tpu.memref_slice %arg3[%dma_start3A, %dma_start3A_42] : memref<10000x96xf32, #tpu.memory_space<hbm>> -> memref<10000x96xf32, #tpu.memory_space<hbm>>
        tpu.enqueue_indirect_dma source(%dma_start3A_43 : memref<10000x96xf32, #tpu.memory_space<hbm>>) target(%arg9 : memref<128x96xf32, #tpu.memory_space<vmem>>) offsets(%arg7 : memref<128xi32, #tpu.memory_space<vmem>>) semaphore(%arg12 : memref<!tpu.dma_semaphore, #tpu.memory_space<semaphore_mem>>)
        %dma_wait3A = arith.constant 0 : i32
        %dma_wait3A_44 = arith.constant 0 : i32
        %dma_wait3A_45 = tpu.memref_slice %arg3[%dma_wait3A, %dma_wait3A_44] : memref<10000x96xf32, #tpu.memory_space<hbm>> -> memref<10000x96xf32, #tpu.memory_space<hbm>>
        tpu.wait_indirect_dma semaphore(%arg12 : memref<!tpu.dma_semaphore, #tpu.memory_space<semaphore_mem>>) src(%dma_wait3A_45 : memref<10000x96xf32, #tpu.memory_space<hbm>>) dst(%arg9 : memref<128x96xf32, #tpu.memory_space<vmem>>)
      } else {
      }
      "tpu.region"() ({
        %run_scoped3A = tpu.sem_alloc : memref<!tpu.dma_semaphore, #tpu.memory_space<semaphore_mem>>
        %dma_start3A = arith.constant 0 : i32
        %dma_start3A_42 = arith.constant 0 : i32
        %dma_start3A_43 = tpu.memref_slice %arg11[%dma_start3A, %dma_start3A_42] : memref<10000x96xf32, #tpu.memory_space<vmem_shared>> -> memref<10000x96xf32, #tpu.memory_space<vmem_shared>>
        tpu.enqueue_indirect_dma source(%arg9 : memref<128x96xf32, #tpu.memory_space<vmem>>) target(%dma_start3A_43 : memref<10000x96xf32, #tpu.memory_space<vmem_shared>>) offsets(%arg8 : memref<128xi32, #tpu.memory_space<vmem>>) semaphore(%run_scoped3A : memref<!tpu.dma_semaphore, #tpu.memory_space<semaphore_mem>>) {add = true}
        %dma_wait3A = arith.constant 0 : i32
        %dma_wait3A_44 = arith.constant 0 : i32
        %dma_wait3A_45 = tpu.memref_slice %arg11[%dma_wait3A, %dma_wait3A_44] : memref<10000x96xf32, #tpu.memory_space<vmem_shared>> -> memref<10000x96xf32, #tpu.memory_space<vmem_shared>>
        tpu.wait_indirect_dma semaphore(%run_scoped3A : memref<!tpu.dma_semaphore, #tpu.memory_space<semaphore_mem>>) src(%arg9 : memref<128x96xf32, #tpu.memory_space<vmem>>) dst(%dma_wait3A_45 : memref<10000x96xf32, #tpu.memory_space<vmem_shared>>)
        tpu.yield
      }) : () -> ()
      %while3A_41 = arith.constant 0 : i32
      scf.yield %while3A_41 : i32
    }
    %while3A_25 = arith.constant 1 : i32
    %while3A_26 = scf.for %while3A_29 = %while3A_22 to %while3A_18 step %while3A_25 iter_args(%while3A_30 = %while3A_24) -> (i32)  : i32 {
      %mul3A_31 = arith.constant 16 : i32
      %mul3A_32 = arith.muli %while3A_29, %mul3A_31 : i32
      %add3A_33 = arith.addi %arg1, %mul3A_32 : i32
      "tpu.region"() ({
        %run_scoped3A = tpu.sem_alloc : memref<!tpu.dma_semaphore, #tpu.memory_space<semaphore_mem>>
        %dma_start3A = arith.constant 0 : i32
        %dma_start3A_42 = tpu.memref_slice %arg4[%add3A_33, %dma_start3A] : memref<2500x128xi32, #tpu.memory_space<hbm>> -> memref<1x128xi32, #tpu.memory_space<hbm>>
        %dma_start3A_43 = tpu.memref_squeeze %dma_start3A_42 : memref<1x128xi32, #tpu.memory_space<hbm>> -> memref<128xi32, #tpu.memory_space<hbm>>
        %dma_start3A_44 = arith.constant 0 : i32
        %dma_start3A_45 = tpu.memref_slice %arg4[%add3A_33, %dma_start3A_44] : memref<2500x128xi32, #tpu.memory_space<hbm>> -> memref<1x128xi32, #tpu.memory_space<hbm>>
        %dma_start3A_46 = tpu.memref_squeeze %dma_start3A_45 : memref<1x128xi32, #tpu.memory_space<hbm>> -> memref<128xi32, #tpu.memory_space<hbm>>
        tpu.enqueue_dma source(%dma_start3A_46 : memref<128xi32, #tpu.memory_space<hbm>>) target(%arg7 : memref<128xi32, #tpu.memory_space<vmem>>) target_semaphore(%run_scoped3A : memref<!tpu.dma_semaphore, #tpu.memory_space<semaphore_mem>>)
        %dma_wait3A = arith.constant 0 : i32
        %dma_wait3A_47 = tpu.memref_slice %arg4[%add3A_33, %dma_wait3A] : memref<2500x128xi32, #tpu.memory_space<hbm>> -> memref<1x128xi32, #tpu.memory_space<hbm>>
        %dma_wait3A_48 = tpu.memref_squeeze %dma_wait3A_47 : memref<1x128xi32, #tpu.memory_space<hbm>> -> memref<128xi32, #tpu.memory_space<hbm>>
        %dma_wait3A_49 = arith.constant 0 : i32
        %dma_wait3A_50 = tpu.memref_slice %arg4[%add3A_33, %dma_wait3A_49] : memref<2500x128xi32, #tpu.memory_space<hbm>> -> memref<1x128xi32, #tpu.memory_space<hbm>>
        %dma_wait3A_51 = tpu.memref_squeeze %dma_wait3A_50 : memref<1x128xi32, #tpu.memory_space<hbm>> -> memref<128xi32, #tpu.memory_space<hbm>>
        tpu.wait_dma2 semaphore(%run_scoped3A : memref<!tpu.dma_semaphore, #tpu.memory_space<semaphore_mem>>) src(%dma_wait3A_51 : memref<128xi32, #tpu.memory_space<hbm>>) dst(%arg7 : memref<128xi32, #tpu.memory_space<vmem>>)
        tpu.yield
      }) : () -> ()
      "tpu.region"() ({
        %run_scoped3A = tpu.sem_alloc : memref<!tpu.dma_semaphore, #tpu.memory_space<semaphore_mem>>
        %dma_start3A = arith.constant 0 : i32
        %dma_start3A_42 = tpu.memref_slice %arg5[%add3A_33, %dma_start3A] : memref<2500x128xi32, #tpu.memory_space<hbm>> -> memref<1x128xi32, #tpu.memory_space<hbm>>
        %dma_start3A_43 = tpu.memref_squeeze %dma_start3A_42 : memref<1x128xi32, #tpu.memory_space<hbm>> -> memref<128xi32, #tpu.memory_space<hbm>>
        %dma_start3A_44 = arith.constant 0 : i32
        %dma_start3A_45 = tpu.memref_slice %arg5[%add3A_33, %dma_start3A_44] : memref<2500x128xi32, #tpu.memory_space<hbm>> -> memref<1x128xi32, #tpu.memory_space<hbm>>
        %dma_start3A_46 = tpu.memref_squeeze %dma_start3A_45 : memref<1x128xi32, #tpu.memory_space<hbm>> -> memref<128xi32, #tpu.memory_space<hbm>>
        tpu.enqueue_dma source(%dma_start3A_46 : memref<128xi32, #tpu.memory_space<hbm>>) target(%arg8 : memref<128xi32, #tpu.memory_space<vmem>>) target_semaphore(%run_scoped3A : memref<!tpu.dma_semaphore, #tpu.memory_space<semaphore_mem>>)
        %dma_wait3A = arith.constant 0 : i32
        %dma_wait3A_47 = tpu.memref_slice %arg5[%add3A_33, %dma_wait3A] : memref<2500x128xi32, #tpu.memory_space<hbm>> -> memref<1x128xi32, #tpu.memory_space<hbm>>
        %dma_wait3A_48 = tpu.memref_squeeze %dma_wait3A_47 : memref<1x128xi32, #tpu.memory_space<hbm>> -> memref<128xi32, #tpu.memory_space<hbm>>
        %dma_wait3A_49 = arith.constant 0 : i32
        %dma_wait3A_50 = tpu.memref_slice %arg5[%add3A_33, %dma_wait3A_49] : memref<2500x128xi32, #tpu.memory_space<hbm>> -> memref<1x128xi32, #tpu.memory_space<hbm>>
        %dma_wait3A_51 = tpu.memref_squeeze %dma_wait3A_50 : memref<1x128xi32, #tpu.memory_space<hbm>> -> memref<128xi32, #tpu.memory_space<hbm>>
        tpu.wait_dma2 semaphore(%run_scoped3A : memref<!tpu.dma_semaphore, #tpu.memory_space<semaphore_mem>>) src(%dma_wait3A_51 : memref<128xi32, #tpu.memory_space<hbm>>) dst(%arg8 : memref<128xi32, #tpu.memory_space<vmem>>)
        tpu.yield
      }) : () -> ()
      %eq3A = arith.constant 0 : i32
      %eq3A_34 = arith.cmpi eq, %arg0, %eq3A : i32
      %convert_element_type3A = arith.extui %eq3A_34 : i1 to i32
      %cond3A = arith.constant 0 : i32
      %cond3A_35 = arith.cmpi ne, %convert_element_type3A, %cond3A : i32
      scf.if %cond3A_35 {
        %dma_start3A = arith.constant 0 : i32
        %dma_start3A_42 = arith.constant 0 : i32
        %dma_start3A_43 = tpu.memref_slice %arg2[%dma_start3A, %dma_start3A_42] : memref<10000x96xf32, #tpu.memory_space<hbm>> -> memref<10000x96xf32, #tpu.memory_space<hbm>>
        tpu.enqueue_indirect_dma source(%dma_start3A_43 : memref<10000x96xf32, #tpu.memory_space<hbm>>) target(%arg9 : memref<128x96xf32, #tpu.memory_space<vmem>>) offsets(%arg7 : memref<128xi32, #tpu.memory_space<vmem>>) semaphore(%arg12 : memref<!tpu.dma_semaphore, #tpu.memory_space<semaphore_mem>>)
        %dma_wait3A = arith.constant 0 : i32
        %dma_wait3A_44 = arith.constant 0 : i32
        %dma_wait3A_45 = tpu.memref_slice %arg2[%dma_wait3A, %dma_wait3A_44] : memref<10000x96xf32, #tpu.memory_space<hbm>> -> memref<10000x96xf32, #tpu.memory_space<hbm>>
        tpu.wait_indirect_dma semaphore(%arg12 : memref<!tpu.dma_semaphore, #tpu.memory_space<semaphore_mem>>) src(%dma_wait3A_45 : memref<10000x96xf32, #tpu.memory_space<hbm>>) dst(%arg9 : memref<128x96xf32, #tpu.memory_space<vmem>>)
      } else {
      }
      %eq3A_36 = arith.constant 1 : i32
      %eq3A_37 = arith.cmpi eq, %arg0, %eq3A_36 : i32
      %convert_element_type3A_38 = arith.extui %eq3A_37 : i1 to i32
      %cond3A_39 = arith.constant 0 : i32
      %cond3A_40 = arith.cmpi ne, %convert_element_type3A_38, %cond3A_39 : i32
      scf.if %cond3A_40 {
        %dma_start3A = arith.constant 0 : i32
        %dma_start3A_42 = arith.constant 0 : i32
        %dma_start3A_43 = tpu.memref_slice %arg3[%dma_start3A, %dma_start3A_42] : memref<10000x96xf32, #tpu.memory_space<hbm>> -> memref<10000x96xf32, #tpu.memory_space<hbm>>
        tpu.enqueue_indirect_dma source(%dma_start3A_43 : memref<10000x96xf32, #tpu.memory_space<hbm>>) target(%arg9 : memref<128x96xf32, #tpu.memory_space<vmem>>) offsets(%arg7 : memref<128xi32, #tpu.memory_space<vmem>>) semaphore(%arg12 : memref<!tpu.dma_semaphore, #tpu.memory_space<semaphore_mem>>)
        %dma_wait3A = arith.constant 0 : i32
        %dma_wait3A_44 = arith.constant 0 : i32
        %dma_wait3A_45 = tpu.memref_slice %arg3[%dma_wait3A, %dma_wait3A_44] : memref<10000x96xf32, #tpu.memory_space<hbm>> -> memref<10000x96xf32, #tpu.memory_space<hbm>>
        tpu.wait_indirect_dma semaphore(%arg12 : memref<!tpu.dma_semaphore, #tpu.memory_space<semaphore_mem>>) src(%dma_wait3A_45 : memref<10000x96xf32, #tpu.memory_space<hbm>>) dst(%arg9 : memref<128x96xf32, #tpu.memory_space<vmem>>)
      } else {
      }
      "tpu.region"() ({
        %run_scoped3A = tpu.sem_alloc : memref<!tpu.dma_semaphore, #tpu.memory_space<semaphore_mem>>
        %dma_start3A = arith.constant 0 : i32
        %dma_start3A_42 = arith.constant 0 : i32
        %dma_start3A_43 = tpu.memref_slice %arg11[%dma_start3A, %dma_start3A_42] : memref<10000x96xf32, #tpu.memory_space<vmem_shared>> -> memref<10000x96xf32, #tpu.memory_space<vmem_shared>>
        tpu.enqueue_indirect_dma source(%arg9 : memref<128x96xf32, #tpu.memory_space<vmem>>) target(%dma_start3A_43 : memref<10000x96xf32, #tpu.memory_space<vmem_shared>>) offsets(%arg8 : memref<128xi32, #tpu.memory_space<vmem>>) semaphore(%run_scoped3A : memref<!tpu.dma_semaphore, #tpu.memory_space<semaphore_mem>>) {add = true}
        %dma_wait3A = arith.constant 0 : i32
        %dma_wait3A_44 = arith.constant 0 : i32
        %dma_wait3A_45 = tpu.memref_slice %arg11[%dma_wait3A, %dma_wait3A_44] : memref<10000x96xf32, #tpu.memory_space<vmem_shared>> -> memref<10000x96xf32, #tpu.memory_space<vmem_shared>>
        tpu.wait_indirect_dma semaphore(%run_scoped3A : memref<!tpu.dma_semaphore, #tpu.memory_space<semaphore_mem>>) src(%arg9 : memref<128x96xf32, #tpu.memory_space<vmem>>) dst(%dma_wait3A_45 : memref<10000x96xf32, #tpu.memory_space<vmem_shared>>)
        tpu.yield
      }) : () -> ()
      %while3A_41 = arith.constant 0 : i32
      scf.yield %while3A_41 : i32
    }
    %barrier3A_27 = arith.constant 0 : index
    tpu.barrier barrier_id(%barrier3A_27)
    %mul3A = arith.constant 625 : i32
    %mul3A_28 = arith.muli %arg1, %mul3A : i32
    "tpu.region"() ({
      %run_scoped3A = tpu.sem_alloc : memref<!tpu.dma_semaphore, #tpu.memory_space<semaphore_mem>>
      %dma_start3A = arith.constant 0 : i32
      %dma_start3A_29 = arith.constant 0 : i32
      %dma_start3A_30 = tpu.memref_slice %arg6[%arg0, %arg1, %dma_start3A, %dma_start3A_29] : memref<2x16x625x96xf32, #tpu.memory_space<hbm>> -> memref<1x1x625x96xf32, #tpu.memory_space<hbm>>
      %dma_start3A_31 = tpu.memref_squeeze %dma_start3A_30 : memref<1x1x625x96xf32, #tpu.memory_space<hbm>> -> memref<625x96xf32, #tpu.memory_space<hbm>>
      %dma_start3A_32 = arith.constant 0 : i32
      %dma_start3A_33 = tpu.memref_slice %arg11[%mul3A_28, %dma_start3A_32] : memref<10000x96xf32, #tpu.memory_space<vmem_shared>> -> memref<625x96xf32, #tpu.memory_space<vmem_shared>>
      tpu.enqueue_dma source(%dma_start3A_33 : memref<625x96xf32, #tpu.memory_space<vmem_shared>>) target(%dma_start3A_31 : memref<625x96xf32, #tpu.memory_space<hbm>>) target_semaphore(%run_scoped3A : memref<!tpu.dma_semaphore, #tpu.memory_space<semaphore_mem>>)
      %dma_wait3A = arith.constant 0 : i32
      %dma_wait3A_34 = arith.constant 0 : i32
      %dma_wait3A_35 = tpu.memref_slice %arg6[%arg0, %arg1, %dma_wait3A, %dma_wait3A_34] : memref<2x16x625x96xf32, #tpu.memory_space<hbm>> -> memref<1x1x625x96xf32, #tpu.memory_space<hbm>>
      %dma_wait3A_36 = tpu.memref_squeeze %dma_wait3A_35 : memref<1x1x625x96xf32, #tpu.memory_space<hbm>> -> memref<625x96xf32, #tpu.memory_space<hbm>>
      %dma_wait3A_37 = arith.constant 0 : i32
      %dma_wait3A_38 = tpu.memref_slice %arg11[%mul3A_28, %dma_wait3A_37] : memref<10000x96xf32, #tpu.memory_space<vmem_shared>> -> memref<625x96xf32, #tpu.memory_space<vmem_shared>>
      tpu.wait_dma2 semaphore(%run_scoped3A : memref<!tpu.dma_semaphore, #tpu.memory_space<semaphore_mem>>) src(%dma_wait3A_38 : memref<625x96xf32, #tpu.memory_space<vmem_shared>>) dst(%dma_wait3A_36 : memref<625x96xf32, #tpu.memory_space<hbm>>)
      tpu.yield
    }) : () -> ()
    return
  }
}

module attributes {stable_mosaic.version = 14 : i64} {
  func.func @_conv_pre_body(%arg0: i32, %arg1: memref<2000x3xf32, #tpu.memory_space<vmem>>, %arg2: memref<2000x3xf32, #tpu.memory_space<vmem>>, %arg3: memref<3x48xf32, #tpu.memory_space<vmem>>, %arg4: memref<3x48xf32, #tpu.memory_space<vmem>>, %arg5: memref<3x48xf32, #tpu.memory_space<vmem>>, %arg6: memref<1x48xf32, #tpu.memory_space<vmem>>, %arg7: memref<2000x48xf32, #tpu.memory_space<vmem>>, %arg8: memref<2000x48xf32, #tpu.memory_space<vmem>>, %arg9: memref<2000x48xf32, #tpu.memory_space<vmem>>) attributes {dimension_semantics = [#tpu.dimension_semantics<arbitrary>], iteration_bounds = array<i64: 5>, scalar_prefetch = 0 : i64, scratch_operands = 0 : i64, tpu.core_type = #tpu.core_type<tc>, window_params = [{transform_indices = @transform_0, window_bounds = array<i64: 2000, 3>}, {transform_indices = @transform_1, window_bounds = array<i64: 2000, 3>}, {pipeline_mode = #tpu.pipeline_mode<synchronous>, transform_indices = @transform_2, window_bounds = array<i64: 3, 48>}, {pipeline_mode = #tpu.pipeline_mode<synchronous>, transform_indices = @transform_3, window_bounds = array<i64: 3, 48>}, {pipeline_mode = #tpu.pipeline_mode<synchronous>, transform_indices = @transform_4, window_bounds = array<i64: 3, 48>}, {pipeline_mode = #tpu.pipeline_mode<synchronous>, transform_indices = @transform_5, window_bounds = array<i64: 1, 48>}, {transform_indices = @transform_6, window_bounds = array<i64: 2000, 48>}, {transform_indices = @transform_7, window_bounds = array<i64: 2000, 48>}, {transform_indices = @transform_8, window_bounds = array<i64: 2000, 48>}]} {
    %get3A = arith.constant 0 : index
    %get3A_0 = arith.constant 0 : index
    %get3A_1 = vector.load %arg1[%get3A, %get3A_0] : memref<2000x3xf32, #tpu.memory_space<vmem>>, vector<2000x3xf32>
    %get3A_2 = arith.constant 0 : index
    %get3A_3 = arith.constant 0 : index
    %get3A_4 = vector.load %arg2[%get3A_2, %get3A_3] : memref<2000x3xf32, #tpu.memory_space<vmem>>, vector<2000x3xf32>
    %get3A_5 = arith.constant 0 : index
    %get3A_6 = arith.constant 0 : index
    %get3A_7 = vector.load %arg4[%get3A_5, %get3A_6] : memref<3x48xf32, #tpu.memory_space<vmem>>, vector<3x48xf32>
    %dot_general3A = arith.constant dense<0.000000e+00> : vector<2000x48xf32>
    %dot_general3A_8 = tpu.matmul %get3A_4, %get3A_7, %dot_general3A {dimension_numbers = #tpu.dot_dimension_numbers<[1], [0], [0], [1], [0, 0, 1, 1], [], []>, transpose_lhs_hint = false} : vector<2000x3xf32>, vector<3x48xf32>, vector<2000x48xf32> -> vector<2000x48xf32>
    %get3A_9 = arith.constant 0 : index
    %get3A_10 = arith.constant 0 : index
    %get3A_11 = vector.load %arg3[%get3A_9, %get3A_10] : memref<3x48xf32, #tpu.memory_space<vmem>>, vector<3x48xf32>
    %dot_general3A_12 = arith.constant dense<0.000000e+00> : vector<2000x48xf32>
    %dot_general3A_13 = tpu.matmul %get3A_1, %get3A_11, %dot_general3A_12 {dimension_numbers = #tpu.dot_dimension_numbers<[1], [0], [0], [1], [0, 0, 1, 1], [], []>, transpose_lhs_hint = false} : vector<2000x3xf32>, vector<3x48xf32>, vector<2000x48xf32> -> vector<2000x48xf32>
    %add3A = arith.addf %dot_general3A_13, %dot_general3A_8 : vector<2000x48xf32>
    %get3A_14 = arith.constant 0 : index
    %get3A_15 = arith.constant 0 : index
    %get3A_16 = vector.load %arg5[%get3A_14, %get3A_15] : memref<3x48xf32, #tpu.memory_space<vmem>>, vector<3x48xf32>
    %dot_general3A_17 = arith.constant dense<0.000000e+00> : vector<2000x48xf32>
    %dot_general3A_18 = tpu.matmul %get3A_1, %get3A_16, %dot_general3A_17 {dimension_numbers = #tpu.dot_dimension_numbers<[1], [0], [0], [1], [0, 0, 1, 1], [], []>, transpose_lhs_hint = false} : vector<2000x3xf32>, vector<3x48xf32>, vector<2000x48xf32> -> vector<2000x48xf32>
    %neg3A = arith.constant 0.000000e+00 : f32
    %neg3A_19 = vector.broadcast %neg3A : f32 to vector<2000x48xf32>
    %neg3A_20 = arith.subf %neg3A_19, %add3A : vector<2000x48xf32>
    %jit3A = arith.constant -6.000000e+01 : f32
    %jit3A_21 = arith.constant 6.000000e+01 : f32
    %max3A = vector.broadcast %jit3A : f32 to vector<2000x48xf32>
    %max3A_22 = arith.maximumf %max3A, %neg3A_20 : vector<2000x48xf32>
    %min3A = vector.broadcast %jit3A_21 : f32 to vector<2000x48xf32>
    %min3A_23 = arith.minimumf %min3A, %max3A_22 : vector<2000x48xf32>
    %exp3A = math.exp %min3A_23 : vector<2000x48xf32>
    %swap3A = arith.constant 0 : index
    %swap3A_24 = arith.constant 0 : index
    %swap3A_25 = vector.load %arg7[%swap3A, %swap3A_24] : memref<2000x48xf32, #tpu.memory_space<vmem>>, vector<2000x48xf32>
    tpu.vector_store %arg7[%swap3A, %swap3A_24], %exp3A {strides = array<i32>} : memref<2000x48xf32, #tpu.memory_space<vmem>>, vector<2000x48xf32>,
    %sub3A = arith.subf %dot_general3A_18, %dot_general3A_8 : vector<2000x48xf32>
    %mul3A = arith.mulf %exp3A, %sub3A : vector<2000x48xf32>
    %swap3A_26 = arith.constant 0 : index
    %swap3A_27 = arith.constant 0 : index
    %swap3A_28 = vector.load %arg8[%swap3A_26, %swap3A_27] : memref<2000x48xf32, #tpu.memory_space<vmem>>, vector<2000x48xf32>
    tpu.vector_store %arg8[%swap3A_26, %swap3A_27], %mul3A {strides = array<i32>} : memref<2000x48xf32, #tpu.memory_space<vmem>>, vector<2000x48xf32>,
    %get3A_29 = arith.constant 0 : index
    %get3A_30 = arith.constant 0 : index
    %get3A_31 = vector.load %arg6[%get3A_29, %get3A_30] : memref<1x48xf32, #tpu.memory_space<vmem>>, vector<1x48xf32>
    %add3A_32 = vector.broadcast %get3A_31 : vector<1x48xf32> to vector<2000x48xf32>
    %add3A_33 = arith.addf %dot_general3A_8, %add3A_32 : vector<2000x48xf32>
    %swap3A_34 = arith.constant 0 : index
    %swap3A_35 = arith.constant 0 : index
    %swap3A_36 = vector.load %arg9[%swap3A_34, %swap3A_35] : memref<2000x48xf32, #tpu.memory_space<vmem>>, vector<2000x48xf32>
    tpu.vector_store %arg9[%swap3A_34, %swap3A_35], %add3A_33 {strides = array<i32>} : memref<2000x48xf32, #tpu.memory_space<vmem>>, vector<2000x48xf32>,
    return
  }
  func.func @transform_0(%arg0: i32) -> (i32, i32) {
    %c0_i32 = arith.constant 0 : i32
    %c0_i32_0 = arith.constant 0 : i32
    return %arg0, %c0_i32 : i32, i32
  }
  func.func @transform_1(%arg0: i32) -> (i32, i32) {
    %c0_i32 = arith.constant 0 : i32
    %c0_i32_0 = arith.constant 0 : i32
    return %arg0, %c0_i32 : i32, i32
  }
  func.func @transform_2(%arg0: i32) -> (i32, i32) {
    %c0_i32 = arith.constant 0 : i32
    %c0_i32_0 = arith.constant 0 : i32
    %c0_i32_1 = arith.constant 0 : i32
    return %c0_i32, %c0_i32_0 : i32, i32
  }
  func.func @transform_3(%arg0: i32) -> (i32, i32) {
    %c0_i32 = arith.constant 0 : i32
    %c0_i32_0 = arith.constant 0 : i32
    %c0_i32_1 = arith.constant 0 : i32
    return %c0_i32, %c0_i32_0 : i32, i32
  }
  func.func @transform_4(%arg0: i32) -> (i32, i32) {
    %c0_i32 = arith.constant 0 : i32
    %c0_i32_0 = arith.constant 0 : i32
    %c0_i32_1 = arith.constant 0 : i32
    return %c0_i32, %c0_i32_0 : i32, i32
  }
  func.func @transform_5(%arg0: i32) -> (i32, i32) {
    %c0_i32 = arith.constant 0 : i32
    %c0_i32_0 = arith.constant 0 : i32
    %c0_i32_1 = arith.constant 0 : i32
    return %c0_i32, %c0_i32_0 : i32, i32
  }
  func.func @transform_6(%arg0: i32) -> (i32, i32) {
    %c0_i32 = arith.constant 0 : i32
    %c0_i32_0 = arith.constant 0 : i32
    return %arg0, %c0_i32 : i32, i32
  }
  func.func @transform_7(%arg0: i32) -> (i32, i32) {
    %c0_i32 = arith.constant 0 : i32
    %c0_i32_0 = arith.constant 0 : i32
    return %arg0, %c0_i32 : i32, i32
  }
  func.func @transform_8(%arg0: i32) -> (i32, i32) {
    %c0_i32 = arith.constant 0 : i32
    %c0_i32_0 = arith.constant 0 : i32
    return %arg0, %c0_i32 : i32, i32
  }
}

module attributes {stable_mosaic.version = 14 : i64} {
  func.func @_conv_post_body(%arg0: i32, %arg1: memref<2000x48xf32, #tpu.memory_space<vmem>>, %arg2: memref<2000x48xf32, #tpu.memory_space<vmem>>, %arg3: memref<2000x48xf32, #tpu.memory_space<vmem>>, %arg4: memref<48x48xf32, #tpu.memory_space<vmem>>, %arg5: memref<1x48xf32, #tpu.memory_space<vmem>>, %arg6: memref<48x48xf32, #tpu.memory_space<vmem>>, %arg7: memref<1x48xf32, #tpu.memory_space<vmem>>, %arg8: memref<2000x48xf32, #tpu.memory_space<vmem>>) attributes {dimension_semantics = [#tpu.dimension_semantics<arbitrary>], iteration_bounds = array<i64: 5>, scalar_prefetch = 0 : i64, scratch_operands = 0 : i64, tpu.core_type = #tpu.core_type<tc>, window_params = [{transform_indices = @transform_0, window_bounds = array<i64: 2000, 48>}, {transform_indices = @transform_1, window_bounds = array<i64: 2000, 48>}, {transform_indices = @transform_2, window_bounds = array<i64: 2000, 48>}, {pipeline_mode = #tpu.pipeline_mode<synchronous>, transform_indices = @transform_3, window_bounds = array<i64: 48, 48>}, {pipeline_mode = #tpu.pipeline_mode<synchronous>, transform_indices = @transform_4, window_bounds = array<i64: 1, 48>}, {pipeline_mode = #tpu.pipeline_mode<synchronous>, transform_indices = @transform_5, window_bounds = array<i64: 48, 48>}, {pipeline_mode = #tpu.pipeline_mode<synchronous>, transform_indices = @transform_6, window_bounds = array<i64: 1, 48>}, {transform_indices = @transform_7, window_bounds = array<i64: 2000, 48>}]} {
    %get3A = arith.constant 0 : index
    %get3A_0 = arith.constant 0 : index
    %get3A_1 = vector.load %arg1[%get3A, %get3A_0] : memref<2000x48xf32, #tpu.memory_space<vmem>>, vector<2000x48xf32>
    %get3A_2 = arith.constant 0 : index
    %get3A_3 = arith.constant 0 : index
    %get3A_4 = vector.load %arg2[%get3A_2, %get3A_3] : memref<2000x48xf32, #tpu.memory_space<vmem>>, vector<2000x48xf32>
    %get3A_5 = arith.constant 0 : index
    %get3A_6 = arith.constant 0 : index
    %get3A_7 = vector.load %arg3[%get3A_5, %get3A_6] : memref<2000x48xf32, #tpu.memory_space<vmem>>, vector<2000x48xf32>
    %mul3A = arith.mulf %get3A_7, %get3A_1 : vector<2000x48xf32>
    %add3A = arith.addf %get3A_4, %mul3A : vector<2000x48xf32>
    %add3A_8 = arith.constant 1.000000e-16 : f32
    %add3A_9 = vector.broadcast %add3A_8 : f32 to vector<2000x48xf32>
    %add3A_10 = arith.addf %get3A_1, %add3A_9 : vector<2000x48xf32>
    %div3A = arith.divf %add3A, %add3A_10 : vector<2000x48xf32>
    %get3A_11 = arith.constant 0 : index
    %get3A_12 = arith.constant 0 : index
    %get3A_13 = vector.load %arg4[%get3A_11, %get3A_12] : memref<48x48xf32, #tpu.memory_space<vmem>>, vector<48x48xf32>
    %dot_general3A = arith.constant dense<0.000000e+00> : vector<2000x48xf32>
    %dot_general3A_14 = tpu.matmul %div3A, %get3A_13, %dot_general3A {dimension_numbers = #tpu.dot_dimension_numbers<[1], [0], [0], [1], [0, 0, 1, 1], [], []>, transpose_lhs_hint = false} : vector<2000x48xf32>, vector<48x48xf32>, vector<2000x48xf32> -> vector<2000x48xf32>
    %get3A_15 = arith.constant 0 : index
    %get3A_16 = arith.constant 0 : index
    %get3A_17 = vector.load %arg5[%get3A_15, %get3A_16] : memref<1x48xf32, #tpu.memory_space<vmem>>, vector<1x48xf32>
    %add3A_18 = vector.broadcast %get3A_17 : vector<1x48xf32> to vector<2000x48xf32>
    %add3A_19 = arith.addf %dot_general3A_14, %add3A_18 : vector<2000x48xf32>
    %max3A = arith.constant 0.000000e+00 : f32
    %max3A_20 = vector.broadcast %max3A : f32 to vector<2000x48xf32>
    %max3A_21 = arith.maximumf %add3A_19, %max3A_20 : vector<2000x48xf32>
    %get3A_22 = arith.constant 0 : index
    %get3A_23 = arith.constant 0 : index
    %get3A_24 = vector.load %arg6[%get3A_22, %get3A_23] : memref<48x48xf32, #tpu.memory_space<vmem>>, vector<48x48xf32>
    %dot_general3A_25 = arith.constant dense<0.000000e+00> : vector<2000x48xf32>
    %dot_general3A_26 = tpu.matmul %max3A_21, %get3A_24, %dot_general3A_25 {dimension_numbers = #tpu.dot_dimension_numbers<[1], [0], [0], [1], [0, 0, 1, 1], [], []>, transpose_lhs_hint = false} : vector<2000x48xf32>, vector<48x48xf32>, vector<2000x48xf32> -> vector<2000x48xf32>
    %get3A_27 = arith.constant 0 : index
    %get3A_28 = arith.constant 0 : index
    %get3A_29 = vector.load %arg7[%get3A_27, %get3A_28] : memref<1x48xf32, #tpu.memory_space<vmem>>, vector<1x48xf32>
    %add3A_30 = vector.broadcast %get3A_29 : vector<1x48xf32> to vector<2000x48xf32>
    %add3A_31 = arith.addf %dot_general3A_26, %add3A_30 : vector<2000x48xf32>
    %swap3A = arith.constant 0 : index
    %swap3A_32 = arith.constant 0 : index
    %swap3A_33 = vector.load %arg8[%swap3A, %swap3A_32] : memref<2000x48xf32, #tpu.memory_space<vmem>>, vector<2000x48xf32>
    tpu.vector_store %arg8[%swap3A, %swap3A_32], %add3A_31 {strides = array<i32>} : memref<2000x48xf32, #tpu.memory_space<vmem>>, vector<2000x48xf32>,
    return
  }
  func.func @transform_0(%arg0: i32) -> (i32, i32) {
    %c0_i32 = arith.constant 0 : i32
    %c0_i32_0 = arith.constant 0 : i32
    return %arg0, %c0_i32 : i32, i32
  }
  func.func @transform_1(%arg0: i32) -> (i32, i32) {
    %c0_i32 = arith.constant 0 : i32
    %c0_i32_0 = arith.constant 0 : i32
    return %arg0, %c0_i32 : i32, i32
  }
  func.func @transform_2(%arg0: i32) -> (i32, i32) {
    %c0_i32 = arith.constant 0 : i32
    %c0_i32_0 = arith.constant 0 : i32
    return %arg0, %c0_i32 : i32, i32
  }
  func.func @transform_3(%arg0: i32) -> (i32, i32) {
    %c0_i32 = arith.constant 0 : i32
    %c0_i32_0 = arith.constant 0 : i32
    %c0_i32_1 = arith.constant 0 : i32
    return %c0_i32, %c0_i32_0 : i32, i32
  }
  func.func @transform_4(%arg0: i32) -> (i32, i32) {
    %c0_i32 = arith.constant 0 : i32
    %c0_i32_0 = arith.constant 0 : i32
    %c0_i32_1 = arith.constant 0 : i32
    return %c0_i32, %c0_i32_0 : i32, i32
  }
  func.func @transform_5(%arg0: i32) -> (i32, i32) {
    %c0_i32 = arith.constant 0 : i32
    %c0_i32_0 = arith.constant 0 : i32
    %c0_i32_1 = arith.constant 0 : i32
    return %c0_i32, %c0_i32_0 : i32, i32
  }
  func.func @transform_6(%arg0: i32) -> (i32, i32) {
    %c0_i32 = arith.constant 0 : i32
    %c0_i32_0 = arith.constant 0 : i32
    %c0_i32_1 = arith.constant 0 : i32
    return %c0_i32, %c0_i32_0 : i32, i32
  }
  func.func @transform_7(%arg0: i32) -> (i32, i32) {
    %c0_i32 = arith.constant 0 : i32
    %c0_i32_0 = arith.constant 0 : i32
    return %arg0, %c0_i32 : i32, i32
  }
}

module attributes {stable_mosaic.version = 14 : i64} {
  func.func @_attn_pre_body(%arg0: i32, %arg1: memref<2000x48xf32, #tpu.memory_space<vmem>>, %arg2: memref<2000x3xf32, #tpu.memory_space<vmem>>, %arg3: memref<1x48xf32, #tpu.memory_space<vmem>>, %arg4: memref<1x48xf32, #tpu.memory_space<vmem>>, %arg5: memref<3x32xf32, #tpu.memory_space<vmem>>, %arg6: memref<1x32xf32, #tpu.memory_space<vmem>>, %arg7: memref<32x32xf32, #tpu.memory_space<vmem>>, %arg8: memref<1x32xf32, #tpu.memory_space<vmem>>, %arg9: memref<48x48xf32, #tpu.memory_space<vmem>>, %arg10: memref<32x48xf32, #tpu.memory_space<vmem>>, %arg11: memref<1x48xf32, #tpu.memory_space<vmem>>, %arg12: memref<48x48xf32, #tpu.memory_space<vmem>>, %arg13: memref<1x48xf32, #tpu.memory_space<vmem>>, %arg14: memref<48x48xf32, #tpu.memory_space<vmem>>, %arg15: memref<1x48xf32, #tpu.memory_space<vmem>>, %arg16: memref<48x48xf32, #tpu.memory_space<vmem>>, %arg17: memref<1x48xf32, #tpu.memory_space<vmem>>, %arg18: memref<2000x48xf32, #tpu.memory_space<vmem>>, %arg19: memref<2000x48xf32, #tpu.memory_space<vmem>>, %arg20: memref<2000x48xf32, #tpu.memory_space<vmem>>) attributes {dimension_semantics = [#tpu.dimension_semantics<arbitrary>], iteration_bounds = array<i64: 5>, scalar_prefetch = 0 : i64, scratch_operands = 0 : i64, tpu.core_type = #tpu.core_type<tc>, window_params = [{transform_indices = @transform_0, window_bounds = array<i64: 2000, 48>}, {transform_indices = @transform_1, window_bounds = array<i64: 2000, 3>}, {pipeline_mode = #tpu.pipeline_mode<synchronous>, transform_indices = @transform_2, window_bounds = array<i64: 1, 48>}, {pipeline_mode = #tpu.pipeline_mode<synchronous>, transform_indices = @transform_3, window_bounds = array<i64: 1, 48>}, {pipeline_mode = #tpu.pipeline_mode<synchronous>, transform_indices = @transform_4, window_bounds = array<i64: 3, 32>}, {pipeline_mode = #tpu.pipeline_mode<synchronous>, transform_indices = @transform_5, window_bounds = array<i64: 1, 32>}, {pipeline_mode = #tpu.pipeline_mode<synchronous>, transform_indices = @transform_6, window_bounds = array<i64: 32, 32>}, {pipeline_mode = #tpu.pipeline_mode<synchronous>, transform_indices = @transform_7, window_bounds = array<i64: 1, 32>}, {pipeline_mode = #tpu.pipeline_mode<synchronous>, transform_indices = @transform_8, window_bounds = array<i64: 48, 48>}, {pipeline_mode = #tpu.pipeline_mode<synchronous>, transform_indices = @transform_9, window_bounds = array<i64: 32, 48>}, {pipeline_mode = #tpu.pipeline_mode<synchronous>, transform_indices = @transform_10, window_bounds = array<i64: 1, 48>}, {pipeline_mode = #tpu.pipeline_mode<synchronous>, transform_indices = @transform_11, window_bounds = array<i64: 48, 48>}, {pipeline_mode = #tpu.pipeline_mode<synchronous>, transform_indices = @transform_12, window_bounds = array<i64: 1, 48>}, {pipeline_mode = #tpu.pipeline_mode<synchronous>, transform_indices = @transform_13, window_bounds = array<i64: 48, 48>}, {pipeline_mode = #tpu.pipeline_mode<synchronous>, transform_indices = @transform_14, window_bounds = array<i64: 1, 48>}, {pipeline_mode = #tpu.pipeline_mode<synchronous>, transform_indices = @transform_15, window_bounds = array<i64: 48, 48>}, {pipeline_mode = #tpu.pipeline_mode<synchronous>, transform_indices = @transform_16, window_bounds = array<i64: 1, 48>}, {transform_indices = @transform_17, window_bounds = array<i64: 2000, 48>}, {transform_indices = @transform_18, window_bounds = array<i64: 2000, 48>}, {transform_indices = @transform_19, window_bounds = array<i64: 2000, 48>}]} {
    %get3A = arith.constant 0 : index
    %get3A_0 = arith.constant 0 : index
    %get3A_1 = vector.load %arg1[%get3A, %get3A_0] : memref<2000x48xf32, #tpu.memory_space<vmem>>, vector<2000x48xf32>
    %reduce_sum3A = arith.constant dense<0.000000e+00> : vector<2000xf32>
    %reduce_sum3A_2 = vector.multi_reduction <add>, %get3A_1, %reduce_sum3A [1] : vector<2000x48xf32> to vector<2000xf32>
    %broadcast_in_dim3A = vector.shape_cast %reduce_sum3A_2 : vector<2000xf32> to vector<2000x1xf32>
    %div3A = arith.constant 4.800000e+01 : f32
    %div3A_3 = vector.broadcast %div3A : f32 to vector<2000x1xf32>
    %div3A_4 = arith.divf %broadcast_in_dim3A, %div3A_3 : vector<2000x1xf32>
    %sub3A = vector.broadcast %div3A_4 : vector<2000x1xf32> to vector<2000x48xf32>
    %sub3A_5 = arith.subf %get3A_1, %sub3A : vector<2000x48xf32>
    %integer_pow3A = arith.mulf %sub3A_5, %sub3A_5 : vector<2000x48xf32>
    %reduce_sum3A_6 = arith.constant dense<0.000000e+00> : vector<2000xf32>
    %reduce_sum3A_7 = vector.multi_reduction <add>, %integer_pow3A, %reduce_sum3A_6 [1] : vector<2000x48xf32> to vector<2000xf32>
    %broadcast_in_dim3A_8 = vector.shape_cast %reduce_sum3A_7 : vector<2000xf32> to vector<2000x1xf32>
    %div3A_9 = arith.constant 4.800000e+01 : f32
    %div3A_10 = vector.broadcast %div3A_9 : f32 to vector<2000x1xf32>
    %div3A_11 = arith.divf %broadcast_in_dim3A_8, %div3A_10 : vector<2000x1xf32>
    %sub3A_12 = vector.broadcast %div3A_4 : vector<2000x1xf32> to vector<2000x48xf32>
    %sub3A_13 = arith.subf %get3A_1, %sub3A_12 : vector<2000x48xf32>
    %add3A = arith.constant 9.99999974E-6 : f32
    %add3A_14 = vector.broadcast %add3A : f32 to vector<2000x1xf32>
    %add3A_15 = arith.addf %div3A_11, %add3A_14 : vector<2000x1xf32>
    %rsqrt3A = math.rsqrt %add3A_15 : vector<2000x1xf32>
    %mul3A = vector.broadcast %rsqrt3A : vector<2000x1xf32> to vector<2000x48xf32>
    %mul3A_16 = arith.mulf %sub3A_13, %mul3A : vector<2000x48xf32>
    %get3A_17 = arith.constant 0 : index
    %get3A_18 = arith.constant 0 : index
    %get3A_19 = vector.load %arg3[%get3A_17, %get3A_18] : memref<1x48xf32, #tpu.memory_space<vmem>>, vector<1x48xf32>
    %mul3A_20 = vector.broadcast %get3A_19 : vector<1x48xf32> to vector<2000x48xf32>
    %mul3A_21 = arith.mulf %mul3A_16, %mul3A_20 : vector<2000x48xf32>
    %get3A_22 = arith.constant 0 : index
    %get3A_23 = arith.constant 0 : index
    %get3A_24 = vector.load %arg4[%get3A_22, %get3A_23] : memref<1x48xf32, #tpu.memory_space<vmem>>, vector<1x48xf32>
    %add3A_25 = vector.broadcast %get3A_24 : vector<1x48xf32> to vector<2000x48xf32>
    %add3A_26 = arith.addf %mul3A_21, %add3A_25 : vector<2000x48xf32>
    %get3A_27 = arith.constant 0 : index
    %get3A_28 = arith.constant 0 : index
    %get3A_29 = vector.load %arg2[%get3A_27, %get3A_28] : memref<2000x3xf32, #tpu.memory_space<vmem>>, vector<2000x3xf32>
    %get3A_30 = arith.constant 0 : index
    %get3A_31 = arith.constant 0 : index
    %get3A_32 = vector.load %arg5[%get3A_30, %get3A_31] : memref<3x32xf32, #tpu.memory_space<vmem>>, vector<3x32xf32>
    %dot_general3A = arith.constant dense<0.000000e+00> : vector<2000x32xf32>
    %dot_general3A_33 = tpu.matmul %get3A_29, %get3A_32, %dot_general3A {dimension_numbers = #tpu.dot_dimension_numbers<[1], [0], [0], [1], [0, 0, 1, 1], [], []>, transpose_lhs_hint = false} : vector<2000x3xf32>, vector<3x32xf32>, vector<2000x32xf32> -> vector<2000x32xf32>
    %get3A_34 = arith.constant 0 : index
    %get3A_35 = arith.constant 0 : index
    %get3A_36 = vector.load %arg6[%get3A_34, %get3A_35] : memref<1x32xf32, #tpu.memory_space<vmem>>, vector<1x32xf32>
    %add3A_37 = vector.broadcast %get3A_36 : vector<1x32xf32> to vector<2000x32xf32>
    %add3A_38 = arith.addf %dot_general3A_33, %add3A_37 : vector<2000x32xf32>
    %max3A = arith.constant 0.000000e+00 : f32
    %max3A_39 = vector.broadcast %max3A : f32 to vector<2000x32xf32>
    %max3A_40 = arith.maximumf %add3A_38, %max3A_39 : vector<2000x32xf32>
    %get3A_41 = arith.constant 0 : index
    %get3A_42 = arith.constant 0 : index
    %get3A_43 = vector.load %arg7[%get3A_41, %get3A_42] : memref<32x32xf32, #tpu.memory_space<vmem>>, vector<32x32xf32>
    %dot_general3A_44 = arith.constant dense<0.000000e+00> : vector<2000x32xf32>
    %dot_general3A_45 = tpu.matmul %max3A_40, %get3A_43, %dot_general3A_44 {dimension_numbers = #tpu.dot_dimension_numbers<[1], [0], [0], [1], [0, 0, 1, 1], [], []>, transpose_lhs_hint = false} : vector<2000x32xf32>, vector<32x32xf32>, vector<2000x32xf32> -> vector<2000x32xf32>
    %get3A_46 = arith.constant 0 : index
    %get3A_47 = arith.constant 0 : index
    %get3A_48 = vector.load %arg8[%get3A_46, %get3A_47] : memref<1x32xf32, #tpu.memory_space<vmem>>, vector<1x32xf32>
    %add3A_49 = vector.broadcast %get3A_48 : vector<1x32xf32> to vector<2000x32xf32>
    %add3A_50 = arith.addf %dot_general3A_45, %add3A_49 : vector<2000x32xf32>
    %get3A_51 = arith.constant 0 : index
    %get3A_52 = arith.constant 0 : index
    %get3A_53 = vector.load %arg9[%get3A_51, %get3A_52] : memref<48x48xf32, #tpu.memory_space<vmem>>, vector<48x48xf32>
    %dot_general3A_54 = arith.constant dense<0.000000e+00> : vector<2000x48xf32>
    %dot_general3A_55 = tpu.matmul %add3A_26, %get3A_53, %dot_general3A_54 {dimension_numbers = #tpu.dot_dimension_numbers<[1], [0], [0], [1], [0, 0, 1, 1], [], []>, transpose_lhs_hint = false} : vector<2000x48xf32>, vector<48x48xf32>, vector<2000x48xf32> -> vector<2000x48xf32>
    %get3A_56 = arith.constant 0 : index
    %get3A_57 = arith.constant 0 : index
    %get3A_58 = vector.load %arg10[%get3A_56, %get3A_57] : memref<32x48xf32, #tpu.memory_space<vmem>>, vector<32x48xf32>
    %dot_general3A_59 = arith.constant dense<0.000000e+00> : vector<2000x48xf32>
    %dot_general3A_60 = tpu.matmul %add3A_50, %get3A_58, %dot_general3A_59 {dimension_numbers = #tpu.dot_dimension_numbers<[1], [0], [0], [1], [0, 0, 1, 1], [], []>, transpose_lhs_hint = false} : vector<2000x32xf32>, vector<32x48xf32>, vector<2000x48xf32> -> vector<2000x48xf32>
    %add3A_61 = arith.addf %dot_general3A_55, %dot_general3A_60 : vector<2000x48xf32>
    %get3A_62 = arith.constant 0 : index
    %get3A_63 = arith.constant 0 : index
    %get3A_64 = vector.load %arg11[%get3A_62, %get3A_63] : memref<1x48xf32, #tpu.memory_space<vmem>>, vector<1x48xf32>
    %add3A_65 = vector.broadcast %get3A_64 : vector<1x48xf32> to vector<2000x48xf32>
    %add3A_66 = arith.addf %add3A_61, %add3A_65 : vector<2000x48xf32>
    %get3A_67 = arith.constant 0 : index
    %get3A_68 = arith.constant 0 : index
    %get3A_69 = vector.load %arg12[%get3A_67, %get3A_68] : memref<48x48xf32, #tpu.memory_space<vmem>>, vector<48x48xf32>
    %dot_general3A_70 = arith.constant dense<0.000000e+00> : vector<2000x48xf32>
    %dot_general3A_71 = tpu.matmul %add3A_66, %get3A_69, %dot_general3A_70 {dimension_numbers = #tpu.dot_dimension_numbers<[1], [0], [0], [1], [0, 0, 1, 1], [], []>, transpose_lhs_hint = false} : vector<2000x48xf32>, vector<48x48xf32>, vector<2000x48xf32> -> vector<2000x48xf32>
    %get3A_72 = arith.constant 0 : index
    %get3A_73 = arith.constant 0 : index
    %get3A_74 = vector.load %arg13[%get3A_72, %get3A_73] : memref<1x48xf32, #tpu.memory_space<vmem>>, vector<1x48xf32>
    %add3A_75 = vector.broadcast %get3A_74 : vector<1x48xf32> to vector<2000x48xf32>
    %add3A_76 = arith.addf %dot_general3A_71, %add3A_75 : vector<2000x48xf32>
    %swap3A = arith.constant 0 : index
    %swap3A_77 = arith.constant 0 : index
    %swap3A_78 = vector.load %arg18[%swap3A, %swap3A_77] : memref<2000x48xf32, #tpu.memory_space<vmem>>, vector<2000x48xf32>
    tpu.vector_store %arg18[%swap3A, %swap3A_77], %add3A_76 {strides = array<i32>} : memref<2000x48xf32, #tpu.memory_space<vmem>>, vector<2000x48xf32>,
    %get3A_79 = arith.constant 0 : index
    %get3A_80 = arith.constant 0 : index
    %get3A_81 = vector.load %arg14[%get3A_79, %get3A_80] : memref<48x48xf32, #tpu.memory_space<vmem>>, vector<48x48xf32>
    %dot_general3A_82 = arith.constant dense<0.000000e+00> : vector<2000x48xf32>
    %dot_general3A_83 = tpu.matmul %add3A_66, %get3A_81, %dot_general3A_82 {dimension_numbers = #tpu.dot_dimension_numbers<[1], [0], [0], [1], [0, 0, 1, 1], [], []>, transpose_lhs_hint = false} : vector<2000x48xf32>, vector<48x48xf32>, vector<2000x48xf32> -> vector<2000x48xf32>
    %get3A_84 = arith.constant 0 : index
    %get3A_85 = arith.constant 0 : index
    %get3A_86 = vector.load %arg15[%get3A_84, %get3A_85] : memref<1x48xf32, #tpu.memory_space<vmem>>, vector<1x48xf32>
    %add3A_87 = vector.broadcast %get3A_86 : vector<1x48xf32> to vector<2000x48xf32>
    %add3A_88 = arith.addf %dot_general3A_83, %add3A_87 : vector<2000x48xf32>
    %swap3A_89 = arith.constant 0 : index
    %swap3A_90 = arith.constant 0 : index
    %swap3A_91 = vector.load %arg19[%swap3A_89, %swap3A_90] : memref<2000x48xf32, #tpu.memory_space<vmem>>, vector<2000x48xf32>
    tpu.vector_store %arg19[%swap3A_89, %swap3A_90], %add3A_88 {strides = array<i32>} : memref<2000x48xf32, #tpu.memory_space<vmem>>, vector<2000x48xf32>,
    %get3A_92 = arith.constant 0 : index
    %get3A_93 = arith.constant 0 : index
    %get3A_94 = vector.load %arg16[%get3A_92, %get3A_93] : memref<48x48xf32, #tpu.memory_space<vmem>>, vector<48x48xf32>
    %dot_general3A_95 = arith.constant dense<0.000000e+00> : vector<2000x48xf32>
    %dot_general3A_96 = tpu.matmul %add3A_66, %get3A_94, %dot_general3A_95 {dimension_numbers = #tpu.dot_dimension_numbers<[1], [0], [0], [1], [0, 0, 1, 1], [], []>, transpose_lhs_hint = false} : vector<2000x48xf32>, vector<48x48xf32>, vector<2000x48xf32> -> vector<2000x48xf32>
    %get3A_97 = arith.constant 0 : index
    %get3A_98 = arith.constant 0 : index
    %get3A_99 = vector.load %arg17[%get3A_97, %get3A_98] : memref<1x48xf32, #tpu.memory_space<vmem>>, vector<1x48xf32>
    %add3A_100 = vector.broadcast %get3A_99 : vector<1x48xf32> to vector<2000x48xf32>
    %add3A_101 = arith.addf %dot_general3A_96, %add3A_100 : vector<2000x48xf32>
    %swap3A_102 = arith.constant 0 : index
    %swap3A_103 = arith.constant 0 : index
    %swap3A_104 = vector.load %arg20[%swap3A_102, %swap3A_103] : memref<2000x48xf32, #tpu.memory_space<vmem>>, vector<2000x48xf32>
    tpu.vector_store %arg20[%swap3A_102, %swap3A_103], %add3A_101 {strides = array<i32>} : memref<2000x48xf32, #tpu.memory_space<vmem>>, vector<2000x48xf32>,
    return
  }
  func.func @transform_0(%arg0: i32) -> (i32, i32) {
    %c0_i32 = arith.constant 0 : i32
    %c0_i32_0 = arith.constant 0 : i32
    return %arg0, %c0_i32 : i32, i32
  }
  func.func @transform_1(%arg0: i32) -> (i32, i32) {
    %c0_i32 = arith.constant 0 : i32
    %c0_i32_0 = arith.constant 0 : i32
    return %arg0, %c0_i32 : i32, i32
  }
  func.func @transform_2(%arg0: i32) -> (i32, i32) {
    %c0_i32 = arith.constant 0 : i32
    %c0_i32_0 = arith.constant 0 : i32
    %c0_i32_1 = arith.constant 0 : i32
    return %c0_i32, %c0_i32_0 : i32, i32
  }
  func.func @transform_3(%arg0: i32) -> (i32, i32) {
    %c0_i32 = arith.constant 0 : i32
    %c0_i32_0 = arith.constant 0 : i32
    %c0_i32_1 = arith.constant 0 : i32
    return %c0_i32, %c0_i32_0 : i32, i32
  }
  func.func @transform_4(%arg0: i32) -> (i32, i32) {
    %c0_i32 = arith.constant 0 : i32
    %c0_i32_0 = arith.constant 0 : i32
    %c0_i32_1 = arith.constant 0 : i32
    return %c0_i32, %c0_i32_0 : i32, i32
  }
  func.func @transform_5(%arg0: i32) -> (i32, i32) {
    %c0_i32 = arith.constant 0 : i32
    %c0_i32_0 = arith.constant 0 : i32
    %c0_i32_1 = arith.constant 0 : i32
    return %c0_i32, %c0_i32_0 : i32, i32
  }
  func.func @transform_6(%arg0: i32) -> (i32, i32) {
    %c0_i32 = arith.constant 0 : i32
    %c0_i32_0 = arith.constant 0 : i32
    %c0_i32_1 = arith.constant 0 : i32
    return %c0_i32, %c0_i32_0 : i32, i32
  }
  func.func @transform_7(%arg0: i32) -> (i32, i32) {
    %c0_i32 = arith.constant 0 : i32
    %c0_i32_0 = arith.constant 0 : i32
    %c0_i32_1 = arith.constant 0 : i32
    return %c0_i32, %c0_i32_0 : i32, i32
  }
  func.func @transform_8(%arg0: i32) -> (i32, i32) {
    %c0_i32 = arith.constant 0 : i32
    %c0_i32_0 = arith.constant 0 : i32
    %c0_i32_1 = arith.constant 0 : i32
    return %c0_i32, %c0_i32_0 : i32, i32
  }
  func.func @transform_9(%arg0: i32) -> (i32, i32) {
    %c0_i32 = arith.constant 0 : i32
    %c0_i32_0 = arith.constant 0 : i32
    %c0_i32_1 = arith.constant 0 : i32
    return %c0_i32, %c0_i32_0 : i32, i32
  }
  func.func @transform_10(%arg0: i32) -> (i32, i32) {
    %c0_i32 = arith.constant 0 : i32
    %c0_i32_0 = arith.constant 0 : i32
    %c0_i32_1 = arith.constant 0 : i32
    return %c0_i32, %c0_i32_0 : i32, i32
  }
  func.func @transform_11(%arg0: i32) -> (i32, i32) {
    %c0_i32 = arith.constant 0 : i32
    %c0_i32_0 = arith.constant 0 : i32
    %c0_i32_1 = arith.constant 0 : i32
    return %c0_i32, %c0_i32_0 : i32, i32
  }
  func.func @transform_12(%arg0: i32) -> (i32, i32) {
    %c0_i32 = arith.constant 0 : i32
    %c0_i32_0 = arith.constant 0 : i32
    %c0_i32_1 = arith.constant 0 : i32
    return %c0_i32, %c0_i32_0 : i32, i32
  }
  func.func @transform_13(%arg0: i32) -> (i32, i32) {
    %c0_i32 = arith.constant 0 : i32
    %c0_i32_0 = arith.constant 0 : i32
    %c0_i32_1 = arith.constant 0 : i32
    return %c0_i32, %c0_i32_0 : i32, i32
  }
  func.func @transform_14(%arg0: i32) -> (i32, i32) {
    %c0_i32 = arith.constant 0 : i32
    %c0_i32_0 = arith.constant 0 : i32
    %c0_i32_1 = arith.constant 0 : i32
    return %c0_i32, %c0_i32_0 : i32, i32
  }
  func.func @transform_15(%arg0: i32) -> (i32, i32) {
    %c0_i32 = arith.constant 0 : i32
    %c0_i32_0 = arith.constant 0 : i32
    %c0_i32_1 = arith.constant 0 : i32
    return %c0_i32, %c0_i32_0 : i32, i32
  }
  func.func @transform_16(%arg0: i32) -> (i32, i32) {
    %c0_i32 = arith.constant 0 : i32
    %c0_i32_0 = arith.constant 0 : i32
    %c0_i32_1 = arith.constant 0 : i32
    return %c0_i32, %c0_i32_0 : i32, i32
  }
  func.func @transform_17(%arg0: i32) -> (i32, i32) {
    %c0_i32 = arith.constant 0 : i32
    %c0_i32_0 = arith.constant 0 : i32
    return %arg0, %c0_i32 : i32, i32
  }
  func.func @transform_18(%arg0: i32) -> (i32, i32) {
    %c0_i32 = arith.constant 0 : i32
    %c0_i32_0 = arith.constant 0 : i32
    return %arg0, %c0_i32 : i32, i32
  }
  func.func @transform_19(%arg0: i32) -> (i32, i32) {
    %c0_i32 = arith.constant 0 : i32
    %c0_i32_0 = arith.constant 0 : i32
    return %arg0, %c0_i32 : i32, i32
  }
}

module attributes {stable_mosaic.version = 14 : i64} {
  func.func @_flash_body(%arg0: i32, %arg1: i32, %arg2: memref<1x1000x12xf32, #tpu.memory_space<vmem>>, %arg3: memref<1x10x12x1000xf32, #tpu.memory_space<vmem>>, %arg4: memref<1x10x12x1000xf32, #tpu.memory_space<vmem>>, %arg5: memref<1x1000x12xf32, #tpu.memory_space<vmem>>) attributes {dimension_semantics = [#tpu.dimension_semantics<arbitrary>, #tpu.dimension_semantics<arbitrary>], iteration_bounds = array<i64: 4, 10>, scalar_prefetch = 0 : i64, scratch_operands = 0 : i64, tpu.core_type = #tpu.core_type<tc>, window_params = [{transform_indices = @transform_0, window_bounds = array<i64: 1, 1000, 12>}, {transform_indices = @transform_1, window_bounds = array<i64: 1, 10, 12, 1000>}, {transform_indices = @transform_2, window_bounds = array<i64: 1, 10, 12, 1000>}, {transform_indices = @transform_3, window_bounds = array<i64: 1, 1000, 12>}]} {
    %get3A = arith.constant 0 : index
    %get3A_0 = arith.constant 0 : index
    %get3A_1 = arith.constant 0 : index
    %get3A_2 = vector.load %arg2[%get3A, %get3A_0, %get3A_1] : memref<1x1000x12xf32, #tpu.memory_space<vmem>>, vector<1x1000x12xf32>
    %get3A_3 = vector.shape_cast %get3A_2 : vector<1x1000x12xf32> to vector<1000x12xf32>
    %broadcast_in_dim3A = arith.constant 0xFF800000 : f32
    %broadcast_in_dim3A_4 = vector.broadcast %broadcast_in_dim3A : f32 to vector<1000x1xf32>
    %broadcast_in_dim3A_5 = arith.constant 0.000000e+00 : f32
    %broadcast_in_dim3A_6 = vector.broadcast %broadcast_in_dim3A_5 : f32 to vector<1000x1xf32>
    %broadcast_in_dim3A_7 = arith.constant 0.000000e+00 : f32
    %broadcast_in_dim3A_8 = vector.broadcast %broadcast_in_dim3A_7 : f32 to vector<1000x12xf32>
    %scan3A = arith.constant 0 : i32
    %scan3A_9 = arith.constant 10 : i32
    %scan3A_10 = arith.addi %scan3A, %scan3A_9 : i32
    %scan3A_11 = arith.constant 1 : i32
    %scan3A_12:3 = scf.for %scan3A_20 = %scan3A to %scan3A_10 step %scan3A_11 iter_args(%scan3A_21 = %broadcast_in_dim3A_4, %scan3A_22 = %broadcast_in_dim3A_6, %scan3A_23 = %broadcast_in_dim3A_8) -> (vector<1000x1xf32>, vector<1000x1xf32>, vector<1000x12xf32>)  : i32 {
      %get3A_24 = arith.constant 0 : index
      %get3A_25 = arith.index_cast %scan3A_20 : i32 to index
      %get3A_26 = arith.constant 0 : index
      %get3A_27 = arith.constant 0 : index
      %get3A_28 = vector.load %arg3[%get3A_24, %get3A_25, %get3A_26, %get3A_27] : memref<1x10x12x1000xf32, #tpu.memory_space<vmem>>, vector<1x1x12x1000xf32>
      %get3A_29 = vector.shape_cast %get3A_28 : vector<1x1x12x1000xf32> to vector<12x1000xf32>
      %dot_general3A = arith.constant dense<0.000000e+00> : vector<1000x1000xf32>
      %dot_general3A_30 = tpu.matmul %get3A_3, %get3A_29, %dot_general3A {dimension_numbers = #tpu.dot_dimension_numbers<[1], [0], [0], [1], [0, 0, 1, 1], [], []>, transpose_lhs_hint = false} : vector<1000x12xf32>, vector<12x1000xf32>, vector<1000x1000xf32> -> vector<1000x1000xf32>
      %mul3A = arith.constant 0.288675129 : f32
      %mul3A_31 = vector.broadcast %mul3A : f32 to vector<1000x1000xf32>
      %mul3A_32 = arith.mulf %dot_general3A_30, %mul3A_31 : vector<1000x1000xf32>
      %reduce_max3A = arith.constant dense<0xFF800000> : vector<1000xf32>
      %reduce_max3A_33 = vector.multi_reduction <maximumf>, %mul3A_32, %reduce_max3A [1] : vector<1000x1000xf32> to vector<1000xf32>
      %broadcast_in_dim3A_34 = vector.shape_cast %reduce_max3A_33 : vector<1000xf32> to vector<1000x1xf32>
      %max3A = arith.maximumf %scan3A_21, %broadcast_in_dim3A_34 : vector<1000x1xf32>
      %sub3A = arith.subf %scan3A_21, %max3A : vector<1000x1xf32>
      %exp3A = math.exp %sub3A : vector<1000x1xf32>
      %sub3A_35 = vector.broadcast %max3A : vector<1000x1xf32> to vector<1000x1000xf32>
      %sub3A_36 = arith.subf %mul3A_32, %sub3A_35 : vector<1000x1000xf32>
      %exp3A_37 = math.exp %sub3A_36 : vector<1000x1000xf32>
      %get3A_38 = arith.constant 0 : index
      %get3A_39 = arith.index_cast %scan3A_20 : i32 to index
      %get3A_40 = arith.constant 0 : index
      %get3A_41 = arith.constant 0 : index
      %get3A_42 = vector.load %arg4[%get3A_38, %get3A_39, %get3A_40, %get3A_41] : memref<1x10x12x1000xf32, #tpu.memory_space<vmem>>, vector<1x1x12x1000xf32>
      %get3A_43 = vector.shape_cast %get3A_42 : vector<1x1x12x1000xf32> to vector<12x1000xf32>
      %dot_general3A_44 = arith.constant dense<0.000000e+00> : vector<1000x12xf32>
      %dot_general3A_45 = tpu.matmul %exp3A_37, %get3A_43, %dot_general3A_44 {dimension_numbers = #tpu.dot_dimension_numbers<[1], [1], [0], [0], [0, 0, 1, 0], [], []>, transpose_lhs_hint = false} : vector<1000x1000xf32>, vector<12x1000xf32>, vector<1000x12xf32> -> vector<1000x12xf32>
      %mul3A_46 = arith.mulf %scan3A_22, %exp3A : vector<1000x1xf32>
      %reduce_sum3A = arith.constant dense<0.000000e+00> : vector<1000xf32>
      %reduce_sum3A_47 = vector.multi_reduction <add>, %exp3A_37, %reduce_sum3A [1] : vector<1000x1000xf32> to vector<1000xf32>
      %broadcast_in_dim3A_48 = vector.shape_cast %reduce_sum3A_47 : vector<1000xf32> to vector<1000x1xf32>
      %add3A = arith.addf %mul3A_46, %broadcast_in_dim3A_48 : vector<1000x1xf32>
      %mul3A_49 = vector.broadcast %exp3A : vector<1000x1xf32> to vector<1000x12xf32>
      %mul3A_50 = arith.mulf %scan3A_23, %mul3A_49 : vector<1000x12xf32>
      %add3A_51 = arith.addf %mul3A_50, %dot_general3A_45 : vector<1000x12xf32>
      scf.yield %max3A, %add3A, %add3A_51 : vector<1000x1xf32>, vector<1000x1xf32>, vector<1000x12xf32>
    }
    %scan3A_13 = arith.constant 10 : i32
    %div3A = vector.broadcast %scan3A_12#1 : vector<1000x1xf32> to vector<1000x12xf32>
    %div3A_14 = arith.divf %scan3A_12#2, %div3A : vector<1000x12xf32>
    %swap3A = arith.constant 0 : index
    %swap3A_15 = arith.constant 0 : index
    %swap3A_16 = arith.constant 0 : index
    %swap3A_17 = vector.load %arg5[%swap3A, %swap3A_15, %swap3A_16] : memref<1x1000x12xf32, #tpu.memory_space<vmem>>, vector<1x1000x12xf32>
    %swap3A_18 = vector.shape_cast %swap3A_17 : vector<1x1000x12xf32> to vector<1000x12xf32>
    %swap3A_19 = vector.shape_cast %div3A_14 : vector<1000x12xf32> to vector<1x1000x12xf32>
    tpu.vector_store %arg5[%swap3A, %swap3A_15, %swap3A_16], %swap3A_19 {strides = array<i32>} : memref<1x1000x12xf32, #tpu.memory_space<vmem>>, vector<1x1000x12xf32>,
    return
  }
  func.func @transform_0(%arg0: i32, %arg1: i32) -> (i32, i32, i32) {
    %c0_i32 = arith.constant 0 : i32
    %c0_i32_0 = arith.constant 0 : i32
    return %arg0, %arg1, %c0_i32 : i32, i32, i32
  }
  func.func @transform_1(%arg0: i32, %arg1: i32) -> (i32, i32, i32, i32) {
    %c0_i32 = arith.constant 0 : i32
    %c0_i32_0 = arith.constant 0 : i32
    %c0_i32_1 = arith.constant 0 : i32
    %c0_i32_2 = arith.constant 0 : i32
    return %arg0, %c0_i32, %c0_i32_0, %c0_i32_1 : i32, i32, i32, i32
  }
  func.func @transform_2(%arg0: i32, %arg1: i32) -> (i32, i32, i32, i32) {
    %c0_i32 = arith.constant 0 : i32
    %c0_i32_0 = arith.constant 0 : i32
    %c0_i32_1 = arith.constant 0 : i32
    %c0_i32_2 = arith.constant 0 : i32
    return %arg0, %c0_i32, %c0_i32_0, %c0_i32_1 : i32, i32, i32, i32
  }
  func.func @transform_3(%arg0: i32, %arg1: i32) -> (i32, i32, i32) {
    %c0_i32 = arith.constant 0 : i32
    %c0_i32_0 = arith.constant 0 : i32
    return %arg0, %arg1, %c0_i32 : i32, i32, i32
  }
}

module attributes {stable_mosaic.version = 14 : i64} {
  func.func @_attn_post_body(%arg0: i32, %arg1: memref<2000x48xf32, #tpu.memory_space<vmem>>, %arg2: memref<2000x48xf32, #tpu.memory_space<vmem>>, %arg3: memref<48x48xf32, #tpu.memory_space<vmem>>, %arg4: memref<1x48xf32, #tpu.memory_space<vmem>>, %arg5: memref<1x48xf32, #tpu.memory_space<vmem>>, %arg6: memref<1x48xf32, #tpu.memory_space<vmem>>, %arg7: memref<2000x48xf32, #tpu.memory_space<vmem>>) attributes {dimension_semantics = [#tpu.dimension_semantics<arbitrary>], iteration_bounds = array<i64: 5>, scalar_prefetch = 0 : i64, scratch_operands = 0 : i64, tpu.core_type = #tpu.core_type<tc>, window_params = [{transform_indices = @transform_0, window_bounds = array<i64: 2000, 48>}, {transform_indices = @transform_1, window_bounds = array<i64: 2000, 48>}, {pipeline_mode = #tpu.pipeline_mode<synchronous>, transform_indices = @transform_2, window_bounds = array<i64: 48, 48>}, {pipeline_mode = #tpu.pipeline_mode<synchronous>, transform_indices = @transform_3, window_bounds = array<i64: 1, 48>}, {pipeline_mode = #tpu.pipeline_mode<synchronous>, transform_indices = @transform_4, window_bounds = array<i64: 1, 48>}, {pipeline_mode = #tpu.pipeline_mode<synchronous>, transform_indices = @transform_5, window_bounds = array<i64: 1, 48>}, {transform_indices = @transform_6, window_bounds = array<i64: 2000, 48>}]} {
    %get3A = arith.constant 0 : index
    %get3A_0 = arith.constant 0 : index
    %get3A_1 = vector.load %arg1[%get3A, %get3A_0] : memref<2000x48xf32, #tpu.memory_space<vmem>>, vector<2000x48xf32>
    %get3A_2 = arith.constant 0 : index
    %get3A_3 = arith.constant 0 : index
    %get3A_4 = vector.load %arg3[%get3A_2, %get3A_3] : memref<48x48xf32, #tpu.memory_space<vmem>>, vector<48x48xf32>
    %dot_general3A = arith.constant dense<0.000000e+00> : vector<2000x48xf32>
    %dot_general3A_5 = tpu.matmul %get3A_1, %get3A_4, %dot_general3A {dimension_numbers = #tpu.dot_dimension_numbers<[1], [0], [0], [1], [0, 0, 1, 1], [], []>, transpose_lhs_hint = false} : vector<2000x48xf32>, vector<48x48xf32>, vector<2000x48xf32> -> vector<2000x48xf32>
    %get3A_6 = arith.constant 0 : index
    %get3A_7 = arith.constant 0 : index
    %get3A_8 = vector.load %arg4[%get3A_6, %get3A_7] : memref<1x48xf32, #tpu.memory_space<vmem>>, vector<1x48xf32>
    %add3A = vector.broadcast %get3A_8 : vector<1x48xf32> to vector<2000x48xf32>
    %add3A_9 = arith.addf %dot_general3A_5, %add3A : vector<2000x48xf32>
    %get3A_10 = arith.constant 0 : index
    %get3A_11 = arith.constant 0 : index
    %get3A_12 = vector.load %arg2[%get3A_10, %get3A_11] : memref<2000x48xf32, #tpu.memory_space<vmem>>, vector<2000x48xf32>
    %add3A_13 = arith.addf %add3A_9, %get3A_12 : vector<2000x48xf32>
    %reduce_sum3A = arith.constant dense<0.000000e+00> : vector<2000xf32>
    %reduce_sum3A_14 = vector.multi_reduction <add>, %add3A_13, %reduce_sum3A [1] : vector<2000x48xf32> to vector<2000xf32>
    %broadcast_in_dim3A = vector.shape_cast %reduce_sum3A_14 : vector<2000xf32> to vector<2000x1xf32>
    %div3A = arith.constant 4.800000e+01 : f32
    %div3A_15 = vector.broadcast %div3A : f32 to vector<2000x1xf32>
    %div3A_16 = arith.divf %broadcast_in_dim3A, %div3A_15 : vector<2000x1xf32>
    %sub3A = vector.broadcast %div3A_16 : vector<2000x1xf32> to vector<2000x48xf32>
    %sub3A_17 = arith.subf %add3A_13, %sub3A : vector<2000x48xf32>
    %integer_pow3A = arith.mulf %sub3A_17, %sub3A_17 : vector<2000x48xf32>
    %reduce_sum3A_18 = arith.constant dense<0.000000e+00> : vector<2000xf32>
    %reduce_sum3A_19 = vector.multi_reduction <add>, %integer_pow3A, %reduce_sum3A_18 [1] : vector<2000x48xf32> to vector<2000xf32>
    %broadcast_in_dim3A_20 = vector.shape_cast %reduce_sum3A_19 : vector<2000xf32> to vector<2000x1xf32>
    %div3A_21 = arith.constant 4.800000e+01 : f32
    %div3A_22 = vector.broadcast %div3A_21 : f32 to vector<2000x1xf32>
    %div3A_23 = arith.divf %broadcast_in_dim3A_20, %div3A_22 : vector<2000x1xf32>
    %sub3A_24 = vector.broadcast %div3A_16 : vector<2000x1xf32> to vector<2000x48xf32>
    %sub3A_25 = arith.subf %add3A_13, %sub3A_24 : vector<2000x48xf32>
    %add3A_26 = arith.constant 9.99999974E-6 : f32
    %add3A_27 = vector.broadcast %add3A_26 : f32 to vector<2000x1xf32>
    %add3A_28 = arith.addf %div3A_23, %add3A_27 : vector<2000x1xf32>
    %rsqrt3A = math.rsqrt %add3A_28 : vector<2000x1xf32>
    %mul3A = vector.broadcast %rsqrt3A : vector<2000x1xf32> to vector<2000x48xf32>
    %mul3A_29 = arith.mulf %sub3A_25, %mul3A : vector<2000x48xf32>
    %get3A_30 = arith.constant 0 : index
    %get3A_31 = arith.constant 0 : index
    %get3A_32 = vector.load %arg5[%get3A_30, %get3A_31] : memref<1x48xf32, #tpu.memory_space<vmem>>, vector<1x48xf32>
    %mul3A_33 = vector.broadcast %get3A_32 : vector<1x48xf32> to vector<2000x48xf32>
    %mul3A_34 = arith.mulf %mul3A_29, %mul3A_33 : vector<2000x48xf32>
    %get3A_35 = arith.constant 0 : index
    %get3A_36 = arith.constant 0 : index
    %get3A_37 = vector.load %arg6[%get3A_35, %get3A_36] : memref<1x48xf32, #tpu.memory_space<vmem>>, vector<1x48xf32>
    %add3A_38 = vector.broadcast %get3A_37 : vector<1x48xf32> to vector<2000x48xf32>
    %add3A_39 = arith.addf %mul3A_34, %add3A_38 : vector<2000x48xf32>
    %swap3A = arith.constant 0 : index
    %swap3A_40 = arith.constant 0 : index
    %swap3A_41 = vector.load %arg7[%swap3A, %swap3A_40] : memref<2000x48xf32, #tpu.memory_space<vmem>>, vector<2000x48xf32>
    tpu.vector_store %arg7[%swap3A, %swap3A_40], %add3A_39 {strides = array<i32>} : memref<2000x48xf32, #tpu.memory_space<vmem>>, vector<2000x48xf32>,
    return
  }
  func.func @transform_0(%arg0: i32) -> (i32, i32) {
    %c0_i32 = arith.constant 0 : i32
    %c0_i32_0 = arith.constant 0 : i32
    return %arg0, %c0_i32 : i32, i32
  }
  func.func @transform_1(%arg0: i32) -> (i32, i32) {
    %c0_i32 = arith.constant 0 : i32
    %c0_i32_0 = arith.constant 0 : i32
    return %arg0, %c0_i32 : i32, i32
  }
  func.func @transform_2(%arg0: i32) -> (i32, i32) {
    %c0_i32 = arith.constant 0 : i32
    %c0_i32_0 = arith.constant 0 : i32
    %c0_i32_1 = arith.constant 0 : i32
    return %c0_i32, %c0_i32_0 : i32, i32
  }
  func.func @transform_3(%arg0: i32) -> (i32, i32) {
    %c0_i32 = arith.constant 0 : i32
    %c0_i32_0 = arith.constant 0 : i32
    %c0_i32_1 = arith.constant 0 : i32
    return %c0_i32, %c0_i32_0 : i32, i32
  }
  func.func @transform_4(%arg0: i32) -> (i32, i32) {
    %c0_i32 = arith.constant 0 : i32
    %c0_i32_0 = arith.constant 0 : i32
    %c0_i32_1 = arith.constant 0 : i32
    return %c0_i32, %c0_i32_0 : i32, i32
  }
  func.func @transform_5(%arg0: i32) -> (i32, i32) {
    %c0_i32 = arith.constant 0 : i32
    %c0_i32_0 = arith.constant 0 : i32
    %c0_i32_1 = arith.constant 0 : i32
    return %c0_i32, %c0_i32_0 : i32, i32
  }
  func.func @transform_6(%arg0: i32) -> (i32, i32) {
    %c0_i32 = arith.constant 0 : i32
    %c0_i32_0 = arith.constant 0 : i32
    return %arg0, %c0_i32 : i32, i32
  }
}

module attributes {stable_mosaic.version = 14 : i64} {
  func.func @_conv_pre_body(%arg0: i32, %arg1: memref<2000x48xf32, #tpu.memory_space<vmem>>, %arg2: memref<2000x3xf32, #tpu.memory_space<vmem>>, %arg3: memref<48x96xf32, #tpu.memory_space<vmem>>, %arg4: memref<3x96xf32, #tpu.memory_space<vmem>>, %arg5: memref<48x96xf32, #tpu.memory_space<vmem>>, %arg6: memref<1x96xf32, #tpu.memory_space<vmem>>, %arg7: memref<2000x96xf32, #tpu.memory_space<vmem>>, %arg8: memref<2000x96xf32, #tpu.memory_space<vmem>>, %arg9: memref<2000x96xf32, #tpu.memory_space<vmem>>) attributes {dimension_semantics = [#tpu.dimension_semantics<arbitrary>], iteration_bounds = array<i64: 5>, scalar_prefetch = 0 : i64, scratch_operands = 0 : i64, tpu.core_type = #tpu.core_type<tc>, window_params = [{transform_indices = @transform_0, window_bounds = array<i64: 2000, 48>}, {transform_indices = @transform_1, window_bounds = array<i64: 2000, 3>}, {pipeline_mode = #tpu.pipeline_mode<synchronous>, transform_indices = @transform_2, window_bounds = array<i64: 48, 96>}, {pipeline_mode = #tpu.pipeline_mode<synchronous>, transform_indices = @transform_3, window_bounds = array<i64: 3, 96>}, {pipeline_mode = #tpu.pipeline_mode<synchronous>, transform_indices = @transform_4, window_bounds = array<i64: 48, 96>}, {pipeline_mode = #tpu.pipeline_mode<synchronous>, transform_indices = @transform_5, window_bounds = array<i64: 1, 96>}, {transform_indices = @transform_6, window_bounds = array<i64: 2000, 96>}, {transform_indices = @transform_7, window_bounds = array<i64: 2000, 96>}, {transform_indices = @transform_8, window_bounds = array<i64: 2000, 96>}]} {
    %get3A = arith.constant 0 : index
    %get3A_0 = arith.constant 0 : index
    %get3A_1 = vector.load %arg1[%get3A, %get3A_0] : memref<2000x48xf32, #tpu.memory_space<vmem>>, vector<2000x48xf32>
    %get3A_2 = arith.constant 0 : index
    %get3A_3 = arith.constant 0 : index
    %get3A_4 = vector.load %arg2[%get3A_2, %get3A_3] : memref<2000x3xf32, #tpu.memory_space<vmem>>, vector<2000x3xf32>
    %get3A_5 = arith.constant 0 : index
    %get3A_6 = arith.constant 0 : index
    %get3A_7 = vector.load %arg4[%get3A_5, %get3A_6] : memref<3x96xf32, #tpu.memory_space<vmem>>, vector<3x96xf32>
    %dot_general3A = arith.constant dense<0.000000e+00> : vector<2000x96xf32>
    %dot_general3A_8 = tpu.matmul %get3A_4, %get3A_7, %dot_general3A {dimension_numbers = #tpu.dot_dimension_numbers<[1], [0], [0], [1], [0, 0, 1, 1], [], []>, transpose_lhs_hint = false} : vector<2000x3xf32>, vector<3x96xf32>, vector<2000x96xf32> -> vector<2000x96xf32>
    %get3A_9 = arith.constant 0 : index
    %get3A_10 = arith.constant 0 : index
    %get3A_11 = vector.load %arg3[%get3A_9, %get3A_10] : memref<48x96xf32, #tpu.memory_space<vmem>>, vector<48x96xf32>
    %dot_general3A_12 = arith.constant dense<0.000000e+00> : vector<2000x96xf32>
    %dot_general3A_13 = tpu.matmul %get3A_1, %get3A_11, %dot_general3A_12 {dimension_numbers = #tpu.dot_dimension_numbers<[1], [0], [0], [1], [0, 0, 1, 1], [], []>, transpose_lhs_hint = false} : vector<2000x48xf32>, vector<48x96xf32>, vector<2000x96xf32> -> vector<2000x96xf32>
    %add3A = arith.addf %dot_general3A_13, %dot_general3A_8 : vector<2000x96xf32>
    %get3A_14 = arith.constant 0 : index
    %get3A_15 = arith.constant 0 : index
    %get3A_16 = vector.load %arg5[%get3A_14, %get3A_15] : memref<48x96xf32, #tpu.memory_space<vmem>>, vector<48x96xf32>
    %dot_general3A_17 = arith.constant dense<0.000000e+00> : vector<2000x96xf32>
    %dot_general3A_18 = tpu.matmul %get3A_1, %get3A_16, %dot_general3A_17 {dimension_numbers = #tpu.dot_dimension_numbers<[1], [0], [0], [1], [0, 0, 1, 1], [], []>, transpose_lhs_hint = false} : vector<2000x48xf32>, vector<48x96xf32>, vector<2000x96xf32> -> vector<2000x96xf32>
    %neg3A = arith.constant 0.000000e+00 : f32
    %neg3A_19 = vector.broadcast %neg3A : f32 to vector<2000x96xf32>
    %neg3A_20 = arith.subf %neg3A_19, %add3A : vector<2000x96xf32>
    %jit3A = arith.constant -6.000000e+01 : f32
    %jit3A_21 = arith.constant 6.000000e+01 : f32
    %max3A = vector.broadcast %jit3A : f32 to vector<2000x96xf32>
    %max3A_22 = arith.maximumf %max3A, %neg3A_20 : vector<2000x96xf32>
    %min3A = vector.broadcast %jit3A_21 : f32 to vector<2000x96xf32>
    %min3A_23 = arith.minimumf %min3A, %max3A_22 : vector<2000x96xf32>
    %exp3A = math.exp %min3A_23 : vector<2000x96xf32>
    %swap3A = arith.constant 0 : index
    %swap3A_24 = arith.constant 0 : index
    %swap3A_25 = vector.load %arg7[%swap3A, %swap3A_24] : memref<2000x96xf32, #tpu.memory_space<vmem>>, vector<2000x96xf32>
    tpu.vector_store %arg7[%swap3A, %swap3A_24], %exp3A {strides = array<i32>} : memref<2000x96xf32, #tpu.memory_space<vmem>>, vector<2000x96xf32>,
    %sub3A = arith.subf %dot_general3A_18, %dot_general3A_8 : vector<2000x96xf32>
    %mul3A = arith.mulf %exp3A, %sub3A : vector<2000x96xf32>
    %swap3A_26 = arith.constant 0 : index
    %swap3A_27 = arith.constant 0 : index
    %swap3A_28 = vector.load %arg8[%swap3A_26, %swap3A_27] : memref<2000x96xf32, #tpu.memory_space<vmem>>, vector<2000x96xf32>
    tpu.vector_store %arg8[%swap3A_26, %swap3A_27], %mul3A {strides = array<i32>} : memref<2000x96xf32, #tpu.memory_space<vmem>>, vector<2000x96xf32>,
    %get3A_29 = arith.constant 0 : index
    %get3A_30 = arith.constant 0 : index
    %get3A_31 = vector.load %arg6[%get3A_29, %get3A_30] : memref<1x96xf32, #tpu.memory_space<vmem>>, vector<1x96xf32>
    %add3A_32 = vector.broadcast %get3A_31 : vector<1x96xf32> to vector<2000x96xf32>
    %add3A_33 = arith.addf %dot_general3A_8, %add3A_32 : vector<2000x96xf32>
    %swap3A_34 = arith.constant 0 : index
    %swap3A_35 = arith.constant 0 : index
    %swap3A_36 = vector.load %arg9[%swap3A_34, %swap3A_35] : memref<2000x96xf32, #tpu.memory_space<vmem>>, vector<2000x96xf32>
    tpu.vector_store %arg9[%swap3A_34, %swap3A_35], %add3A_33 {strides = array<i32>} : memref<2000x96xf32, #tpu.memory_space<vmem>>, vector<2000x96xf32>,
    return
  }
  func.func @transform_0(%arg0: i32) -> (i32, i32) {
    %c0_i32 = arith.constant 0 : i32
    %c0_i32_0 = arith.constant 0 : i32
    return %arg0, %c0_i32 : i32, i32
  }
  func.func @transform_1(%arg0: i32) -> (i32, i32) {
    %c0_i32 = arith.constant 0 : i32
    %c0_i32_0 = arith.constant 0 : i32
    return %arg0, %c0_i32 : i32, i32
  }
  func.func @transform_2(%arg0: i32) -> (i32, i32) {
    %c0_i32 = arith.constant 0 : i32
    %c0_i32_0 = arith.constant 0 : i32
    %c0_i32_1 = arith.constant 0 : i32
    return %c0_i32, %c0_i32_0 : i32, i32
  }
  func.func @transform_3(%arg0: i32) -> (i32, i32) {
    %c0_i32 = arith.constant 0 : i32
    %c0_i32_0 = arith.constant 0 : i32
    %c0_i32_1 = arith.constant 0 : i32
    return %c0_i32, %c0_i32_0 : i32, i32
  }
  func.func @transform_4(%arg0: i32) -> (i32, i32) {
    %c0_i32 = arith.constant 0 : i32
    %c0_i32_0 = arith.constant 0 : i32
    %c0_i32_1 = arith.constant 0 : i32
    return %c0_i32, %c0_i32_0 : i32, i32
  }
  func.func @transform_5(%arg0: i32) -> (i32, i32) {
    %c0_i32 = arith.constant 0 : i32
    %c0_i32_0 = arith.constant 0 : i32
    %c0_i32_1 = arith.constant 0 : i32
    return %c0_i32, %c0_i32_0 : i32, i32
  }
  func.func @transform_6(%arg0: i32) -> (i32, i32) {
    %c0_i32 = arith.constant 0 : i32
    %c0_i32_0 = arith.constant 0 : i32
    return %arg0, %c0_i32 : i32, i32
  }
  func.func @transform_7(%arg0: i32) -> (i32, i32) {
    %c0_i32 = arith.constant 0 : i32
    %c0_i32_0 = arith.constant 0 : i32
    return %arg0, %c0_i32 : i32, i32
  }
  func.func @transform_8(%arg0: i32) -> (i32, i32) {
    %c0_i32 = arith.constant 0 : i32
    %c0_i32_0 = arith.constant 0 : i32
    return %arg0, %c0_i32 : i32, i32
  }
}

module attributes {stable_mosaic.version = 14 : i64} {
  func.func @_conv_post_body(%arg0: i32, %arg1: memref<2000x96xf32, #tpu.memory_space<vmem>>, %arg2: memref<2000x96xf32, #tpu.memory_space<vmem>>, %arg3: memref<2000x96xf32, #tpu.memory_space<vmem>>, %arg4: memref<96x96xf32, #tpu.memory_space<vmem>>, %arg5: memref<1x96xf32, #tpu.memory_space<vmem>>, %arg6: memref<96x96xf32, #tpu.memory_space<vmem>>, %arg7: memref<1x96xf32, #tpu.memory_space<vmem>>, %arg8: memref<2000x96xf32, #tpu.memory_space<vmem>>) attributes {dimension_semantics = [#tpu.dimension_semantics<arbitrary>], iteration_bounds = array<i64: 5>, scalar_prefetch = 0 : i64, scratch_operands = 0 : i64, tpu.core_type = #tpu.core_type<tc>, window_params = [{transform_indices = @transform_0, window_bounds = array<i64: 2000, 96>}, {transform_indices = @transform_1, window_bounds = array<i64: 2000, 96>}, {transform_indices = @transform_2, window_bounds = array<i64: 2000, 96>}, {pipeline_mode = #tpu.pipeline_mode<synchronous>, transform_indices = @transform_3, window_bounds = array<i64: 96, 96>}, {pipeline_mode = #tpu.pipeline_mode<synchronous>, transform_indices = @transform_4, window_bounds = array<i64: 1, 96>}, {pipeline_mode = #tpu.pipeline_mode<synchronous>, transform_indices = @transform_5, window_bounds = array<i64: 96, 96>}, {pipeline_mode = #tpu.pipeline_mode<synchronous>, transform_indices = @transform_6, window_bounds = array<i64: 1, 96>}, {transform_indices = @transform_7, window_bounds = array<i64: 2000, 96>}]} {
    %get3A = arith.constant 0 : index
    %get3A_0 = arith.constant 0 : index
    %get3A_1 = vector.load %arg1[%get3A, %get3A_0] : memref<2000x96xf32, #tpu.memory_space<vmem>>, vector<2000x96xf32>
    %get3A_2 = arith.constant 0 : index
    %get3A_3 = arith.constant 0 : index
    %get3A_4 = vector.load %arg2[%get3A_2, %get3A_3] : memref<2000x96xf32, #tpu.memory_space<vmem>>, vector<2000x96xf32>
    %get3A_5 = arith.constant 0 : index
    %get3A_6 = arith.constant 0 : index
    %get3A_7 = vector.load %arg3[%get3A_5, %get3A_6] : memref<2000x96xf32, #tpu.memory_space<vmem>>, vector<2000x96xf32>
    %mul3A = arith.mulf %get3A_7, %get3A_1 : vector<2000x96xf32>
    %add3A = arith.addf %get3A_4, %mul3A : vector<2000x96xf32>
    %add3A_8 = arith.constant 1.000000e-16 : f32
    %add3A_9 = vector.broadcast %add3A_8 : f32 to vector<2000x96xf32>
    %add3A_10 = arith.addf %get3A_1, %add3A_9 : vector<2000x96xf32>
    %div3A = arith.divf %add3A, %add3A_10 : vector<2000x96xf32>
    %get3A_11 = arith.constant 0 : index
    %get3A_12 = arith.constant 0 : index
    %get3A_13 = vector.load %arg4[%get3A_11, %get3A_12] : memref<96x96xf32, #tpu.memory_space<vmem>>, vector<96x96xf32>
    %dot_general3A = arith.constant dense<0.000000e+00> : vector<2000x96xf32>
    %dot_general3A_14 = tpu.matmul %div3A, %get3A_13, %dot_general3A {dimension_numbers = #tpu.dot_dimension_numbers<[1], [0], [0], [1], [0, 0, 1, 1], [], []>, transpose_lhs_hint = false} : vector<2000x96xf32>, vector<96x96xf32>, vector<2000x96xf32> -> vector<2000x96xf32>
    %get3A_15 = arith.constant 0 : index
    %get3A_16 = arith.constant 0 : index
    %get3A_17 = vector.load %arg5[%get3A_15, %get3A_16] : memref<1x96xf32, #tpu.memory_space<vmem>>, vector<1x96xf32>
    %add3A_18 = vector.broadcast %get3A_17 : vector<1x96xf32> to vector<2000x96xf32>
    %add3A_19 = arith.addf %dot_general3A_14, %add3A_18 : vector<2000x96xf32>
    %max3A = arith.constant 0.000000e+00 : f32
    %max3A_20 = vector.broadcast %max3A : f32 to vector<2000x96xf32>
    %max3A_21 = arith.maximumf %add3A_19, %max3A_20 : vector<2000x96xf32>
    %get3A_22 = arith.constant 0 : index
    %get3A_23 = arith.constant 0 : index
    %get3A_24 = vector.load %arg6[%get3A_22, %get3A_23] : memref<96x96xf32, #tpu.memory_space<vmem>>, vector<96x96xf32>
    %dot_general3A_25 = arith.constant dense<0.000000e+00> : vector<2000x96xf32>
    %dot_general3A_26 = tpu.matmul %max3A_21, %get3A_24, %dot_general3A_25 {dimension_numbers = #tpu.dot_dimension_numbers<[1], [0], [0], [1], [0, 0, 1, 1], [], []>, transpose_lhs_hint = false} : vector<2000x96xf32>, vector<96x96xf32>, vector<2000x96xf32> -> vector<2000x96xf32>
    %get3A_27 = arith.constant 0 : index
    %get3A_28 = arith.constant 0 : index
    %get3A_29 = vector.load %arg7[%get3A_27, %get3A_28] : memref<1x96xf32, #tpu.memory_space<vmem>>, vector<1x96xf32>
    %add3A_30 = vector.broadcast %get3A_29 : vector<1x96xf32> to vector<2000x96xf32>
    %add3A_31 = arith.addf %dot_general3A_26, %add3A_30 : vector<2000x96xf32>
    %swap3A = arith.constant 0 : index
    %swap3A_32 = arith.constant 0 : index
    %swap3A_33 = vector.load %arg8[%swap3A, %swap3A_32] : memref<2000x96xf32, #tpu.memory_space<vmem>>, vector<2000x96xf32>
    tpu.vector_store %arg8[%swap3A, %swap3A_32], %add3A_31 {strides = array<i32>} : memref<2000x96xf32, #tpu.memory_space<vmem>>, vector<2000x96xf32>,
    return
  }
  func.func @transform_0(%arg0: i32) -> (i32, i32) {
    %c0_i32 = arith.constant 0 : i32
    %c0_i32_0 = arith.constant 0 : i32
    return %arg0, %c0_i32 : i32, i32
  }
  func.func @transform_1(%arg0: i32) -> (i32, i32) {
    %c0_i32 = arith.constant 0 : i32
    %c0_i32_0 = arith.constant 0 : i32
    return %arg0, %c0_i32 : i32, i32
  }
  func.func @transform_2(%arg0: i32) -> (i32, i32) {
    %c0_i32 = arith.constant 0 : i32
    %c0_i32_0 = arith.constant 0 : i32
    return %arg0, %c0_i32 : i32, i32
  }
  func.func @transform_3(%arg0: i32) -> (i32, i32) {
    %c0_i32 = arith.constant 0 : i32
    %c0_i32_0 = arith.constant 0 : i32
    %c0_i32_1 = arith.constant 0 : i32
    return %c0_i32, %c0_i32_0 : i32, i32
  }
  func.func @transform_4(%arg0: i32) -> (i32, i32) {
    %c0_i32 = arith.constant 0 : i32
    %c0_i32_0 = arith.constant 0 : i32
    %c0_i32_1 = arith.constant 0 : i32
    return %c0_i32, %c0_i32_0 : i32, i32
  }
  func.func @transform_5(%arg0: i32) -> (i32, i32) {
    %c0_i32 = arith.constant 0 : i32
    %c0_i32_0 = arith.constant 0 : i32
    %c0_i32_1 = arith.constant 0 : i32
    return %c0_i32, %c0_i32_0 : i32, i32
  }
  func.func @transform_6(%arg0: i32) -> (i32, i32) {
    %c0_i32 = arith.constant 0 : i32
    %c0_i32_0 = arith.constant 0 : i32
    %c0_i32_1 = arith.constant 0 : i32
    return %c0_i32, %c0_i32_0 : i32, i32
  }
  func.func @transform_7(%arg0: i32) -> (i32, i32) {
    %c0_i32 = arith.constant 0 : i32
    %c0_i32_0 = arith.constant 0 : i32
    return %arg0, %c0_i32 : i32, i32
  }
}

module attributes {stable_mosaic.version = 14 : i64} {
  func.func @_conv_pre_body(%arg0: i32, %arg1: memref<2000x96xf32, #tpu.memory_space<vmem>>, %arg2: memref<2000x3xf32, #tpu.memory_space<vmem>>, %arg3: memref<96x192xf32, #tpu.memory_space<vmem>>, %arg4: memref<3x192xf32, #tpu.memory_space<vmem>>, %arg5: memref<96x192xf32, #tpu.memory_space<vmem>>, %arg6: memref<1x192xf32, #tpu.memory_space<vmem>>, %arg7: memref<2000x192xf32, #tpu.memory_space<vmem>>, %arg8: memref<2000x192xf32, #tpu.memory_space<vmem>>, %arg9: memref<2000x192xf32, #tpu.memory_space<vmem>>) attributes {dimension_semantics = [#tpu.dimension_semantics<arbitrary>], iteration_bounds = array<i64: 5>, scalar_prefetch = 0 : i64, scratch_operands = 0 : i64, tpu.core_type = #tpu.core_type<tc>, window_params = [{transform_indices = @transform_0, window_bounds = array<i64: 2000, 96>}, {transform_indices = @transform_1, window_bounds = array<i64: 2000, 3>}, {pipeline_mode = #tpu.pipeline_mode<synchronous>, transform_indices = @transform_2, window_bounds = array<i64: 96, 192>}, {pipeline_mode = #tpu.pipeline_mode<synchronous>, transform_indices = @transform_3, window_bounds = array<i64: 3, 192>}, {pipeline_mode = #tpu.pipeline_mode<synchronous>, transform_indices = @transform_4, window_bounds = array<i64: 96, 192>}, {pipeline_mode = #tpu.pipeline_mode<synchronous>, transform_indices = @transform_5, window_bounds = array<i64: 1, 192>}, {transform_indices = @transform_6, window_bounds = array<i64: 2000, 192>}, {transform_indices = @transform_7, window_bounds = array<i64: 2000, 192>}, {transform_indices = @transform_8, window_bounds = array<i64: 2000, 192>}]} {
    %get3A = arith.constant 0 : index
    %get3A_0 = arith.constant 0 : index
    %get3A_1 = vector.load %arg1[%get3A, %get3A_0] : memref<2000x96xf32, #tpu.memory_space<vmem>>, vector<2000x96xf32>
    %get3A_2 = arith.constant 0 : index
    %get3A_3 = arith.constant 0 : index
    %get3A_4 = vector.load %arg2[%get3A_2, %get3A_3] : memref<2000x3xf32, #tpu.memory_space<vmem>>, vector<2000x3xf32>
    %get3A_5 = arith.constant 0 : index
    %get3A_6 = arith.constant 0 : index
    %get3A_7 = vector.load %arg4[%get3A_5, %get3A_6] : memref<3x192xf32, #tpu.memory_space<vmem>>, vector<3x192xf32>
    %dot_general3A = arith.constant dense<0.000000e+00> : vector<2000x192xf32>
    %dot_general3A_8 = tpu.matmul %get3A_4, %get3A_7, %dot_general3A {dimension_numbers = #tpu.dot_dimension_numbers<[1], [0], [0], [1], [0, 0, 1, 1], [], []>, transpose_lhs_hint = false} : vector<2000x3xf32>, vector<3x192xf32>, vector<2000x192xf32> -> vector<2000x192xf32>
    %get3A_9 = arith.constant 0 : index
    %get3A_10 = arith.constant 0 : index
    %get3A_11 = vector.load %arg3[%get3A_9, %get3A_10] : memref<96x192xf32, #tpu.memory_space<vmem>>, vector<96x192xf32>
    %dot_general3A_12 = arith.constant dense<0.000000e+00> : vector<2000x192xf32>
    %dot_general3A_13 = tpu.matmul %get3A_1, %get3A_11, %dot_general3A_12 {dimension_numbers = #tpu.dot_dimension_numbers<[1], [0], [0], [1], [0, 0, 1, 1], [], []>, transpose_lhs_hint = false} : vector<2000x96xf32>, vector<96x192xf32>, vector<2000x192xf32> -> vector<2000x192xf32>
    %add3A = arith.addf %dot_general3A_13, %dot_general3A_8 : vector<2000x192xf32>
    %get3A_14 = arith.constant 0 : index
    %get3A_15 = arith.constant 0 : index
    %get3A_16 = vector.load %arg5[%get3A_14, %get3A_15] : memref<96x192xf32, #tpu.memory_space<vmem>>, vector<96x192xf32>
    %dot_general3A_17 = arith.constant dense<0.000000e+00> : vector<2000x192xf32>
    %dot_general3A_18 = tpu.matmul %get3A_1, %get3A_16, %dot_general3A_17 {dimension_numbers = #tpu.dot_dimension_numbers<[1], [0], [0], [1], [0, 0, 1, 1], [], []>, transpose_lhs_hint = false} : vector<2000x96xf32>, vector<96x192xf32>, vector<2000x192xf32> -> vector<2000x192xf32>
    %neg3A = arith.constant 0.000000e+00 : f32
    %neg3A_19 = vector.broadcast %neg3A : f32 to vector<2000x192xf32>
    %neg3A_20 = arith.subf %neg3A_19, %add3A : vector<2000x192xf32>
    %jit3A = arith.constant -6.000000e+01 : f32
    %jit3A_21 = arith.constant 6.000000e+01 : f32
    %max3A = vector.broadcast %jit3A : f32 to vector<2000x192xf32>
    %max3A_22 = arith.maximumf %max3A, %neg3A_20 : vector<2000x192xf32>
    %min3A = vector.broadcast %jit3A_21 : f32 to vector<2000x192xf32>
    %min3A_23 = arith.minimumf %min3A, %max3A_22 : vector<2000x192xf32>
    %exp3A = math.exp %min3A_23 : vector<2000x192xf32>
    %swap3A = arith.constant 0 : index
    %swap3A_24 = arith.constant 0 : index
    %swap3A_25 = vector.load %arg7[%swap3A, %swap3A_24] : memref<2000x192xf32, #tpu.memory_space<vmem>>, vector<2000x192xf32>
    tpu.vector_store %arg7[%swap3A, %swap3A_24], %exp3A {strides = array<i32>} : memref<2000x192xf32, #tpu.memory_space<vmem>>, vector<2000x192xf32>,
    %sub3A = arith.subf %dot_general3A_18, %dot_general3A_8 : vector<2000x192xf32>
    %mul3A = arith.mulf %exp3A, %sub3A : vector<2000x192xf32>
    %swap3A_26 = arith.constant 0 : index
    %swap3A_27 = arith.constant 0 : index
    %swap3A_28 = vector.load %arg8[%swap3A_26, %swap3A_27] : memref<2000x192xf32, #tpu.memory_space<vmem>>, vector<2000x192xf32>
    tpu.vector_store %arg8[%swap3A_26, %swap3A_27], %mul3A {strides = array<i32>} : memref<2000x192xf32, #tpu.memory_space<vmem>>, vector<2000x192xf32>,
    %get3A_29 = arith.constant 0 : index
    %get3A_30 = arith.constant 0 : index
    %get3A_31 = vector.load %arg6[%get3A_29, %get3A_30] : memref<1x192xf32, #tpu.memory_space<vmem>>, vector<1x192xf32>
    %add3A_32 = vector.broadcast %get3A_31 : vector<1x192xf32> to vector<2000x192xf32>
    %add3A_33 = arith.addf %dot_general3A_8, %add3A_32 : vector<2000x192xf32>
    %swap3A_34 = arith.constant 0 : index
    %swap3A_35 = arith.constant 0 : index
    %swap3A_36 = vector.load %arg9[%swap3A_34, %swap3A_35] : memref<2000x192xf32, #tpu.memory_space<vmem>>, vector<2000x192xf32>
    tpu.vector_store %arg9[%swap3A_34, %swap3A_35], %add3A_33 {strides = array<i32>} : memref<2000x192xf32, #tpu.memory_space<vmem>>, vector<2000x192xf32>,
    return
  }
  func.func @transform_0(%arg0: i32) -> (i32, i32) {
    %c0_i32 = arith.constant 0 : i32
    %c0_i32_0 = arith.constant 0 : i32
    return %arg0, %c0_i32 : i32, i32
  }
  func.func @transform_1(%arg0: i32) -> (i32, i32) {
    %c0_i32 = arith.constant 0 : i32
    %c0_i32_0 = arith.constant 0 : i32
    return %arg0, %c0_i32 : i32, i32
  }
  func.func @transform_2(%arg0: i32) -> (i32, i32) {
    %c0_i32 = arith.constant 0 : i32
    %c0_i32_0 = arith.constant 0 : i32
    %c0_i32_1 = arith.constant 0 : i32
    return %c0_i32, %c0_i32_0 : i32, i32
  }
  func.func @transform_3(%arg0: i32) -> (i32, i32) {
    %c0_i32 = arith.constant 0 : i32
    %c0_i32_0 = arith.constant 0 : i32
    %c0_i32_1 = arith.constant 0 : i32
    return %c0_i32, %c0_i32_0 : i32, i32
  }
  func.func @transform_4(%arg0: i32) -> (i32, i32) {
    %c0_i32 = arith.constant 0 : i32
    %c0_i32_0 = arith.constant 0 : i32
    %c0_i32_1 = arith.constant 0 : i32
    return %c0_i32, %c0_i32_0 : i32, i32
  }
  func.func @transform_5(%arg0: i32) -> (i32, i32) {
    %c0_i32 = arith.constant 0 : i32
    %c0_i32_0 = arith.constant 0 : i32
    %c0_i32_1 = arith.constant 0 : i32
    return %c0_i32, %c0_i32_0 : i32, i32
  }
  func.func @transform_6(%arg0: i32) -> (i32, i32) {
    %c0_i32 = arith.constant 0 : i32
    %c0_i32_0 = arith.constant 0 : i32
    return %arg0, %c0_i32 : i32, i32
  }
  func.func @transform_7(%arg0: i32) -> (i32, i32) {
    %c0_i32 = arith.constant 0 : i32
    %c0_i32_0 = arith.constant 0 : i32
    return %arg0, %c0_i32 : i32, i32
  }
  func.func @transform_8(%arg0: i32) -> (i32, i32) {
    %c0_i32 = arith.constant 0 : i32
    %c0_i32_0 = arith.constant 0 : i32
    return %arg0, %c0_i32 : i32, i32
  }
}

module attributes {stable_mosaic.version = 14 : i64} {
  func.func @_conv_post_body(%arg0: i32, %arg1: memref<2000x192xf32, #tpu.memory_space<vmem>>, %arg2: memref<2000x192xf32, #tpu.memory_space<vmem>>, %arg3: memref<2000x192xf32, #tpu.memory_space<vmem>>, %arg4: memref<192x192xf32, #tpu.memory_space<vmem>>, %arg5: memref<1x192xf32, #tpu.memory_space<vmem>>, %arg6: memref<192x192xf32, #tpu.memory_space<vmem>>, %arg7: memref<1x192xf32, #tpu.memory_space<vmem>>, %arg8: memref<2000x192xf32, #tpu.memory_space<vmem>>) attributes {dimension_semantics = [#tpu.dimension_semantics<arbitrary>], iteration_bounds = array<i64: 5>, scalar_prefetch = 0 : i64, scratch_operands = 0 : i64, tpu.core_type = #tpu.core_type<tc>, window_params = [{transform_indices = @transform_0, window_bounds = array<i64: 2000, 192>}, {transform_indices = @transform_1, window_bounds = array<i64: 2000, 192>}, {transform_indices = @transform_2, window_bounds = array<i64: 2000, 192>}, {pipeline_mode = #tpu.pipeline_mode<synchronous>, transform_indices = @transform_3, window_bounds = array<i64: 192, 192>}, {pipeline_mode = #tpu.pipeline_mode<synchronous>, transform_indices = @transform_4, window_bounds = array<i64: 1, 192>}, {pipeline_mode = #tpu.pipeline_mode<synchronous>, transform_indices = @transform_5, window_bounds = array<i64: 192, 192>}, {pipeline_mode = #tpu.pipeline_mode<synchronous>, transform_indices = @transform_6, window_bounds = array<i64: 1, 192>}, {transform_indices = @transform_7, window_bounds = array<i64: 2000, 192>}]} {
    %get3A = arith.constant 0 : index
    %get3A_0 = arith.constant 0 : index
    %get3A_1 = vector.load %arg1[%get3A, %get3A_0] : memref<2000x192xf32, #tpu.memory_space<vmem>>, vector<2000x192xf32>
    %get3A_2 = arith.constant 0 : index
    %get3A_3 = arith.constant 0 : index
    %get3A_4 = vector.load %arg2[%get3A_2, %get3A_3] : memref<2000x192xf32, #tpu.memory_space<vmem>>, vector<2000x192xf32>
    %get3A_5 = arith.constant 0 : index
    %get3A_6 = arith.constant 0 : index
    %get3A_7 = vector.load %arg3[%get3A_5, %get3A_6] : memref<2000x192xf32, #tpu.memory_space<vmem>>, vector<2000x192xf32>
    %mul3A = arith.mulf %get3A_7, %get3A_1 : vector<2000x192xf32>
    %add3A = arith.addf %get3A_4, %mul3A : vector<2000x192xf32>
    %add3A_8 = arith.constant 1.000000e-16 : f32
    %add3A_9 = vector.broadcast %add3A_8 : f32 to vector<2000x192xf32>
    %add3A_10 = arith.addf %get3A_1, %add3A_9 : vector<2000x192xf32>
    %div3A = arith.divf %add3A, %add3A_10 : vector<2000x192xf32>
    %get3A_11 = arith.constant 0 : index
    %get3A_12 = arith.constant 0 : index
    %get3A_13 = vector.load %arg4[%get3A_11, %get3A_12] : memref<192x192xf32, #tpu.memory_space<vmem>>, vector<192x192xf32>
    %dot_general3A = arith.constant dense<0.000000e+00> : vector<2000x192xf32>
    %dot_general3A_14 = tpu.matmul %div3A, %get3A_13, %dot_general3A {dimension_numbers = #tpu.dot_dimension_numbers<[1], [0], [0], [1], [0, 0, 1, 1], [], []>, transpose_lhs_hint = false} : vector<2000x192xf32>, vector<192x192xf32>, vector<2000x192xf32> -> vector<2000x192xf32>
    %get3A_15 = arith.constant 0 : index
    %get3A_16 = arith.constant 0 : index
    %get3A_17 = vector.load %arg5[%get3A_15, %get3A_16] : memref<1x192xf32, #tpu.memory_space<vmem>>, vector<1x192xf32>
    %add3A_18 = vector.broadcast %get3A_17 : vector<1x192xf32> to vector<2000x192xf32>
    %add3A_19 = arith.addf %dot_general3A_14, %add3A_18 : vector<2000x192xf32>
    %max3A = arith.constant 0.000000e+00 : f32
    %max3A_20 = vector.broadcast %max3A : f32 to vector<2000x192xf32>
    %max3A_21 = arith.maximumf %add3A_19, %max3A_20 : vector<2000x192xf32>
    %get3A_22 = arith.constant 0 : index
    %get3A_23 = arith.constant 0 : index
    %get3A_24 = vector.load %arg6[%get3A_22, %get3A_23] : memref<192x192xf32, #tpu.memory_space<vmem>>, vector<192x192xf32>
    %dot_general3A_25 = arith.constant dense<0.000000e+00> : vector<2000x192xf32>
    %dot_general3A_26 = tpu.matmul %max3A_21, %get3A_24, %dot_general3A_25 {dimension_numbers = #tpu.dot_dimension_numbers<[1], [0], [0], [1], [0, 0, 1, 1], [], []>, transpose_lhs_hint = false} : vector<2000x192xf32>, vector<192x192xf32>, vector<2000x192xf32> -> vector<2000x192xf32>
    %get3A_27 = arith.constant 0 : index
    %get3A_28 = arith.constant 0 : index
    %get3A_29 = vector.load %arg7[%get3A_27, %get3A_28] : memref<1x192xf32, #tpu.memory_space<vmem>>, vector<1x192xf32>
    %add3A_30 = vector.broadcast %get3A_29 : vector<1x192xf32> to vector<2000x192xf32>
    %add3A_31 = arith.addf %dot_general3A_26, %add3A_30 : vector<2000x192xf32>
    %swap3A = arith.constant 0 : index
    %swap3A_32 = arith.constant 0 : index
    %swap3A_33 = vector.load %arg8[%swap3A, %swap3A_32] : memref<2000x192xf32, #tpu.memory_space<vmem>>, vector<2000x192xf32>
    tpu.vector_store %arg8[%swap3A, %swap3A_32], %add3A_31 {strides = array<i32>} : memref<2000x192xf32, #tpu.memory_space<vmem>>, vector<2000x192xf32>,
    return
  }
  func.func @transform_0(%arg0: i32) -> (i32, i32) {
    %c0_i32 = arith.constant 0 : i32
    %c0_i32_0 = arith.constant 0 : i32
    return %arg0, %c0_i32 : i32, i32
  }
  func.func @transform_1(%arg0: i32) -> (i32, i32) {
    %c0_i32 = arith.constant 0 : i32
    %c0_i32_0 = arith.constant 0 : i32
    return %arg0, %c0_i32 : i32, i32
  }
  func.func @transform_2(%arg0: i32) -> (i32, i32) {
    %c0_i32 = arith.constant 0 : i32
    %c0_i32_0 = arith.constant 0 : i32
    return %arg0, %c0_i32 : i32, i32
  }
  func.func @transform_3(%arg0: i32) -> (i32, i32) {
    %c0_i32 = arith.constant 0 : i32
    %c0_i32_0 = arith.constant 0 : i32
    %c0_i32_1 = arith.constant 0 : i32
    return %c0_i32, %c0_i32_0 : i32, i32
  }
  func.func @transform_4(%arg0: i32) -> (i32, i32) {
    %c0_i32 = arith.constant 0 : i32
    %c0_i32_0 = arith.constant 0 : i32
    %c0_i32_1 = arith.constant 0 : i32
    return %c0_i32, %c0_i32_0 : i32, i32
  }
  func.func @transform_5(%arg0: i32) -> (i32, i32) {
    %c0_i32 = arith.constant 0 : i32
    %c0_i32_0 = arith.constant 0 : i32
    %c0_i32_1 = arith.constant 0 : i32
    return %c0_i32, %c0_i32_0 : i32, i32
  }
  func.func @transform_6(%arg0: i32) -> (i32, i32) {
    %c0_i32 = arith.constant 0 : i32
    %c0_i32_0 = arith.constant 0 : i32
    %c0_i32_1 = arith.constant 0 : i32
    return %c0_i32, %c0_i32_0 : i32, i32
  }
  func.func @transform_7(%arg0: i32) -> (i32, i32) {
    %c0_i32 = arith.constant 0 : i32
    %c0_i32_0 = arith.constant 0 : i32
    return %arg0, %c0_i32 : i32, i32
  }
}

module attributes {stable_mosaic.version = 14 : i64} {
  func.func @_attn_pre_body(%arg0: i32, %arg1: memref<2000x96xf32, #tpu.memory_space<vmem>>, %arg2: memref<2000x3xf32, #tpu.memory_space<vmem>>, %arg3: memref<1x96xf32, #tpu.memory_space<vmem>>, %arg4: memref<1x96xf32, #tpu.memory_space<vmem>>, %arg5: memref<3x32xf32, #tpu.memory_space<vmem>>, %arg6: memref<1x32xf32, #tpu.memory_space<vmem>>, %arg7: memref<32x32xf32, #tpu.memory_space<vmem>>, %arg8: memref<1x32xf32, #tpu.memory_space<vmem>>, %arg9: memref<96x96xf32, #tpu.memory_space<vmem>>, %arg10: memref<32x96xf32, #tpu.memory_space<vmem>>, %arg11: memref<1x96xf32, #tpu.memory_space<vmem>>, %arg12: memref<96x96xf32, #tpu.memory_space<vmem>>, %arg13: memref<1x96xf32, #tpu.memory_space<vmem>>, %arg14: memref<96x96xf32, #tpu.memory_space<vmem>>, %arg15: memref<1x96xf32, #tpu.memory_space<vmem>>, %arg16: memref<96x96xf32, #tpu.memory_space<vmem>>, %arg17: memref<1x96xf32, #tpu.memory_space<vmem>>, %arg18: memref<2000x96xf32, #tpu.memory_space<vmem>>, %arg19: memref<2000x96xf32, #tpu.memory_space<vmem>>, %arg20: memref<2000x96xf32, #tpu.memory_space<vmem>>) attributes {dimension_semantics = [#tpu.dimension_semantics<arbitrary>], iteration_bounds = array<i64: 10>, scalar_prefetch = 0 : i64, scratch_operands = 0 : i64, tpu.core_type = #tpu.core_type<tc>, window_params = [{transform_indices = @transform_0, window_bounds = array<i64: 2000, 96>}, {transform_indices = @transform_1, window_bounds = array<i64: 2000, 3>}, {pipeline_mode = #tpu.pipeline_mode<synchronous>, transform_indices = @transform_2, window_bounds = array<i64: 1, 96>}, {pipeline_mode = #tpu.pipeline_mode<synchronous>, transform_indices = @transform_3, window_bounds = array<i64: 1, 96>}, {pipeline_mode = #tpu.pipeline_mode<synchronous>, transform_indices = @transform_4, window_bounds = array<i64: 3, 32>}, {pipeline_mode = #tpu.pipeline_mode<synchronous>, transform_indices = @transform_5, window_bounds = array<i64: 1, 32>}, {pipeline_mode = #tpu.pipeline_mode<synchronous>, transform_indices = @transform_6, window_bounds = array<i64: 32, 32>}, {pipeline_mode = #tpu.pipeline_mode<synchronous>, transform_indices = @transform_7, window_bounds = array<i64: 1, 32>}, {pipeline_mode = #tpu.pipeline_mode<synchronous>, transform_indices = @transform_8, window_bounds = array<i64: 96, 96>}, {pipeline_mode = #tpu.pipeline_mode<synchronous>, transform_indices = @transform_9, window_bounds = array<i64: 32, 96>}, {pipeline_mode = #tpu.pipeline_mode<synchronous>, transform_indices = @transform_10, window_bounds = array<i64: 1, 96>}, {pipeline_mode = #tpu.pipeline_mode<synchronous>, transform_indices = @transform_11, window_bounds = array<i64: 96, 96>}, {pipeline_mode = #tpu.pipeline_mode<synchronous>, transform_indices = @transform_12, window_bounds = array<i64: 1, 96>}, {pipeline_mode = #tpu.pipeline_mode<synchronous>, transform_indices = @transform_13, window_bounds = array<i64: 96, 96>}, {pipeline_mode = #tpu.pipeline_mode<synchronous>, transform_indices = @transform_14, window_bounds = array<i64: 1, 96>}, {pipeline_mode = #tpu.pipeline_mode<synchronous>, transform_indices = @transform_15, window_bounds = array<i64: 96, 96>}, {pipeline_mode = #tpu.pipeline_mode<synchronous>, transform_indices = @transform_16, window_bounds = array<i64: 1, 96>}, {transform_indices = @transform_17, window_bounds = array<i64: 2000, 96>}, {transform_indices = @transform_18, window_bounds = array<i64: 2000, 96>}, {transform_indices = @transform_19, window_bounds = array<i64: 2000, 96>}]} {
    %get3A = arith.constant 0 : index
    %get3A_0 = arith.constant 0 : index
    %get3A_1 = vector.load %arg1[%get3A, %get3A_0] : memref<2000x96xf32, #tpu.memory_space<vmem>>, vector<2000x96xf32>
    %reduce_sum3A = arith.constant dense<0.000000e+00> : vector<2000xf32>
    %reduce_sum3A_2 = vector.multi_reduction <add>, %get3A_1, %reduce_sum3A [1] : vector<2000x96xf32> to vector<2000xf32>
    %broadcast_in_dim3A = vector.shape_cast %reduce_sum3A_2 : vector<2000xf32> to vector<2000x1xf32>
    %div3A = arith.constant 9.600000e+01 : f32
    %div3A_3 = vector.broadcast %div3A : f32 to vector<2000x1xf32>
    %div3A_4 = arith.divf %broadcast_in_dim3A, %div3A_3 : vector<2000x1xf32>
    %sub3A = vector.broadcast %div3A_4 : vector<2000x1xf32> to vector<2000x96xf32>
    %sub3A_5 = arith.subf %get3A_1, %sub3A : vector<2000x96xf32>
    %integer_pow3A = arith.mulf %sub3A_5, %sub3A_5 : vector<2000x96xf32>
    %reduce_sum3A_6 = arith.constant dense<0.000000e+00> : vector<2000xf32>
    %reduce_sum3A_7 = vector.multi_reduction <add>, %integer_pow3A, %reduce_sum3A_6 [1] : vector<2000x96xf32> to vector<2000xf32>
    %broadcast_in_dim3A_8 = vector.shape_cast %reduce_sum3A_7 : vector<2000xf32> to vector<2000x1xf32>
    %div3A_9 = arith.constant 9.600000e+01 : f32
    %div3A_10 = vector.broadcast %div3A_9 : f32 to vector<2000x1xf32>
    %div3A_11 = arith.divf %broadcast_in_dim3A_8, %div3A_10 : vector<2000x1xf32>
    %sub3A_12 = vector.broadcast %div3A_4 : vector<2000x1xf32> to vector<2000x96xf32>
    %sub3A_13 = arith.subf %get3A_1, %sub3A_12 : vector<2000x96xf32>
    %add3A = arith.constant 9.99999974E-6 : f32
    %add3A_14 = vector.broadcast %add3A : f32 to vector<2000x1xf32>
    %add3A_15 = arith.addf %div3A_11, %add3A_14 : vector<2000x1xf32>
    %rsqrt3A = math.rsqrt %add3A_15 : vector<2000x1xf32>
    %mul3A = vector.broadcast %rsqrt3A : vector<2000x1xf32> to vector<2000x96xf32>
    %mul3A_16 = arith.mulf %sub3A_13, %mul3A : vector<2000x96xf32>
    %get3A_17 = arith.constant 0 : index
    %get3A_18 = arith.constant 0 : index
    %get3A_19 = vector.load %arg3[%get3A_17, %get3A_18] : memref<1x96xf32, #tpu.memory_space<vmem>>, vector<1x96xf32>
    %mul3A_20 = vector.broadcast %get3A_19 : vector<1x96xf32> to vector<2000x96xf32>
    %mul3A_21 = arith.mulf %mul3A_16, %mul3A_20 : vector<2000x96xf32>
    %get3A_22 = arith.constant 0 : index
    %get3A_23 = arith.constant 0 : index
    %get3A_24 = vector.load %arg4[%get3A_22, %get3A_23] : memref<1x96xf32, #tpu.memory_space<vmem>>, vector<1x96xf32>
    %add3A_25 = vector.broadcast %get3A_24 : vector<1x96xf32> to vector<2000x96xf32>
    %add3A_26 = arith.addf %mul3A_21, %add3A_25 : vector<2000x96xf32>
    %get3A_27 = arith.constant 0 : index
    %get3A_28 = arith.constant 0 : index
    %get3A_29 = vector.load %arg2[%get3A_27, %get3A_28] : memref<2000x3xf32, #tpu.memory_space<vmem>>, vector<2000x3xf32>
    %get3A_30 = arith.constant 0 : index
    %get3A_31 = arith.constant 0 : index
    %get3A_32 = vector.load %arg5[%get3A_30, %get3A_31] : memref<3x32xf32, #tpu.memory_space<vmem>>, vector<3x32xf32>
    %dot_general3A = arith.constant dense<0.000000e+00> : vector<2000x32xf32>
    %dot_general3A_33 = tpu.matmul %get3A_29, %get3A_32, %dot_general3A {dimension_numbers = #tpu.dot_dimension_numbers<[1], [0], [0], [1], [0, 0, 1, 1], [], []>, transpose_lhs_hint = false} : vector<2000x3xf32>, vector<3x32xf32>, vector<2000x32xf32> -> vector<2000x32xf32>
    %get3A_34 = arith.constant 0 : index
    %get3A_35 = arith.constant 0 : index
    %get3A_36 = vector.load %arg6[%get3A_34, %get3A_35] : memref<1x32xf32, #tpu.memory_space<vmem>>, vector<1x32xf32>
    %add3A_37 = vector.broadcast %get3A_36 : vector<1x32xf32> to vector<2000x32xf32>
    %add3A_38 = arith.addf %dot_general3A_33, %add3A_37 : vector<2000x32xf32>
    %max3A = arith.constant 0.000000e+00 : f32
    %max3A_39 = vector.broadcast %max3A : f32 to vector<2000x32xf32>
    %max3A_40 = arith.maximumf %add3A_38, %max3A_39 : vector<2000x32xf32>
    %get3A_41 = arith.constant 0 : index
    %get3A_42 = arith.constant 0 : index
    %get3A_43 = vector.load %arg7[%get3A_41, %get3A_42] : memref<32x32xf32, #tpu.memory_space<vmem>>, vector<32x32xf32>
    %dot_general3A_44 = arith.constant dense<0.000000e+00> : vector<2000x32xf32>
    %dot_general3A_45 = tpu.matmul %max3A_40, %get3A_43, %dot_general3A_44 {dimension_numbers = #tpu.dot_dimension_numbers<[1], [0], [0], [1], [0, 0, 1, 1], [], []>, transpose_lhs_hint = false} : vector<2000x32xf32>, vector<32x32xf32>, vector<2000x32xf32> -> vector<2000x32xf32>
    %get3A_46 = arith.constant 0 : index
    %get3A_47 = arith.constant 0 : index
    %get3A_48 = vector.load %arg8[%get3A_46, %get3A_47] : memref<1x32xf32, #tpu.memory_space<vmem>>, vector<1x32xf32>
    %add3A_49 = vector.broadcast %get3A_48 : vector<1x32xf32> to vector<2000x32xf32>
    %add3A_50 = arith.addf %dot_general3A_45, %add3A_49 : vector<2000x32xf32>
    %get3A_51 = arith.constant 0 : index
    %get3A_52 = arith.constant 0 : index
    %get3A_53 = vector.load %arg9[%get3A_51, %get3A_52] : memref<96x96xf32, #tpu.memory_space<vmem>>, vector<96x96xf32>
    %dot_general3A_54 = arith.constant dense<0.000000e+00> : vector<2000x96xf32>
    %dot_general3A_55 = tpu.matmul %add3A_26, %get3A_53, %dot_general3A_54 {dimension_numbers = #tpu.dot_dimension_numbers<[1], [0], [0], [1], [0, 0, 1, 1], [], []>, transpose_lhs_hint = false} : vector<2000x96xf32>, vector<96x96xf32>, vector<2000x96xf32> -> vector<2000x96xf32>
    %get3A_56 = arith.constant 0 : index
    %get3A_57 = arith.constant 0 : index
    %get3A_58 = vector.load %arg10[%get3A_56, %get3A_57] : memref<32x96xf32, #tpu.memory_space<vmem>>, vector<32x96xf32>
    %dot_general3A_59 = arith.constant dense<0.000000e+00> : vector<2000x96xf32>
    %dot_general3A_60 = tpu.matmul %add3A_50, %get3A_58, %dot_general3A_59 {dimension_numbers = #tpu.dot_dimension_numbers<[1], [0], [0], [1], [0, 0, 1, 1], [], []>, transpose_lhs_hint = false} : vector<2000x32xf32>, vector<32x96xf32>, vector<2000x96xf32> -> vector<2000x96xf32>
    %add3A_61 = arith.addf %dot_general3A_55, %dot_general3A_60 : vector<2000x96xf32>
    %get3A_62 = arith.constant 0 : index
    %get3A_63 = arith.constant 0 : index
    %get3A_64 = vector.load %arg11[%get3A_62, %get3A_63] : memref<1x96xf32, #tpu.memory_space<vmem>>, vector<1x96xf32>
    %add3A_65 = vector.broadcast %get3A_64 : vector<1x96xf32> to vector<2000x96xf32>
    %add3A_66 = arith.addf %add3A_61, %add3A_65 : vector<2000x96xf32>
    %get3A_67 = arith.constant 0 : index
    %get3A_68 = arith.constant 0 : index
    %get3A_69 = vector.load %arg12[%get3A_67, %get3A_68] : memref<96x96xf32, #tpu.memory_space<vmem>>, vector<96x96xf32>
    %dot_general3A_70 = arith.constant dense<0.000000e+00> : vector<2000x96xf32>
    %dot_general3A_71 = tpu.matmul %add3A_66, %get3A_69, %dot_general3A_70 {dimension_numbers = #tpu.dot_dimension_numbers<[1], [0], [0], [1], [0, 0, 1, 1], [], []>, transpose_lhs_hint = false} : vector<2000x96xf32>, vector<96x96xf32>, vector<2000x96xf32> -> vector<2000x96xf32>
    %get3A_72 = arith.constant 0 : index
    %get3A_73 = arith.constant 0 : index
    %get3A_74 = vector.load %arg13[%get3A_72, %get3A_73] : memref<1x96xf32, #tpu.memory_space<vmem>>, vector<1x96xf32>
    %add3A_75 = vector.broadcast %get3A_74 : vector<1x96xf32> to vector<2000x96xf32>
    %add3A_76 = arith.addf %dot_general3A_71, %add3A_75 : vector<2000x96xf32>
    %swap3A = arith.constant 0 : index
    %swap3A_77 = arith.constant 0 : index
    %swap3A_78 = vector.load %arg18[%swap3A, %swap3A_77] : memref<2000x96xf32, #tpu.memory_space<vmem>>, vector<2000x96xf32>
    tpu.vector_store %arg18[%swap3A, %swap3A_77], %add3A_76 {strides = array<i32>} : memref<2000x96xf32, #tpu.memory_space<vmem>>, vector<2000x96xf32>,
    %get3A_79 = arith.constant 0 : index
    %get3A_80 = arith.constant 0 : index
    %get3A_81 = vector.load %arg14[%get3A_79, %get3A_80] : memref<96x96xf32, #tpu.memory_space<vmem>>, vector<96x96xf32>
    %dot_general3A_82 = arith.constant dense<0.000000e+00> : vector<2000x96xf32>
    %dot_general3A_83 = tpu.matmul %add3A_66, %get3A_81, %dot_general3A_82 {dimension_numbers = #tpu.dot_dimension_numbers<[1], [0], [0], [1], [0, 0, 1, 1], [], []>, transpose_lhs_hint = false} : vector<2000x96xf32>, vector<96x96xf32>, vector<2000x96xf32> -> vector<2000x96xf32>
    %get3A_84 = arith.constant 0 : index
    %get3A_85 = arith.constant 0 : index
    %get3A_86 = vector.load %arg15[%get3A_84, %get3A_85] : memref<1x96xf32, #tpu.memory_space<vmem>>, vector<1x96xf32>
    %add3A_87 = vector.broadcast %get3A_86 : vector<1x96xf32> to vector<2000x96xf32>
    %add3A_88 = arith.addf %dot_general3A_83, %add3A_87 : vector<2000x96xf32>
    %swap3A_89 = arith.constant 0 : index
    %swap3A_90 = arith.constant 0 : index
    %swap3A_91 = vector.load %arg19[%swap3A_89, %swap3A_90] : memref<2000x96xf32, #tpu.memory_space<vmem>>, vector<2000x96xf32>
    tpu.vector_store %arg19[%swap3A_89, %swap3A_90], %add3A_88 {strides = array<i32>} : memref<2000x96xf32, #tpu.memory_space<vmem>>, vector<2000x96xf32>,
    %get3A_92 = arith.constant 0 : index
    %get3A_93 = arith.constant 0 : index
    %get3A_94 = vector.load %arg16[%get3A_92, %get3A_93] : memref<96x96xf32, #tpu.memory_space<vmem>>, vector<96x96xf32>
    %dot_general3A_95 = arith.constant dense<0.000000e+00> : vector<2000x96xf32>
    %dot_general3A_96 = tpu.matmul %add3A_66, %get3A_94, %dot_general3A_95 {dimension_numbers = #tpu.dot_dimension_numbers<[1], [0], [0], [1], [0, 0, 1, 1], [], []>, transpose_lhs_hint = false} : vector<2000x96xf32>, vector<96x96xf32>, vector<2000x96xf32> -> vector<2000x96xf32>
    %get3A_97 = arith.constant 0 : index
    %get3A_98 = arith.constant 0 : index
    %get3A_99 = vector.load %arg17[%get3A_97, %get3A_98] : memref<1x96xf32, #tpu.memory_space<vmem>>, vector<1x96xf32>
    %add3A_100 = vector.broadcast %get3A_99 : vector<1x96xf32> to vector<2000x96xf32>
    %add3A_101 = arith.addf %dot_general3A_96, %add3A_100 : vector<2000x96xf32>
    %swap3A_102 = arith.constant 0 : index
    %swap3A_103 = arith.constant 0 : index
    %swap3A_104 = vector.load %arg20[%swap3A_102, %swap3A_103] : memref<2000x96xf32, #tpu.memory_space<vmem>>, vector<2000x96xf32>
    tpu.vector_store %arg20[%swap3A_102, %swap3A_103], %add3A_101 {strides = array<i32>} : memref<2000x96xf32, #tpu.memory_space<vmem>>, vector<2000x96xf32>,
    return
  }
  func.func @transform_0(%arg0: i32) -> (i32, i32) {
    %c0_i32 = arith.constant 0 : i32
    %c0_i32_0 = arith.constant 0 : i32
    return %arg0, %c0_i32 : i32, i32
  }
  func.func @transform_1(%arg0: i32) -> (i32, i32) {
    %c0_i32 = arith.constant 0 : i32
    %c0_i32_0 = arith.constant 0 : i32
    return %arg0, %c0_i32 : i32, i32
  }
  func.func @transform_2(%arg0: i32) -> (i32, i32) {
    %c0_i32 = arith.constant 0 : i32
    %c0_i32_0 = arith.constant 0 : i32
    %c0_i32_1 = arith.constant 0 : i32
    return %c0_i32, %c0_i32_0 : i32, i32
  }
  func.func @transform_3(%arg0: i32) -> (i32, i32) {
    %c0_i32 = arith.constant 0 : i32
    %c0_i32_0 = arith.constant 0 : i32
    %c0_i32_1 = arith.constant 0 : i32
    return %c0_i32, %c0_i32_0 : i32, i32
  }
  func.func @transform_4(%arg0: i32) -> (i32, i32) {
    %c0_i32 = arith.constant 0 : i32
    %c0_i32_0 = arith.constant 0 : i32
    %c0_i32_1 = arith.constant 0 : i32
    return %c0_i32, %c0_i32_0 : i32, i32
  }
  func.func @transform_5(%arg0: i32) -> (i32, i32) {
    %c0_i32 = arith.constant 0 : i32
    %c0_i32_0 = arith.constant 0 : i32
    %c0_i32_1 = arith.constant 0 : i32
    return %c0_i32, %c0_i32_0 : i32, i32
  }
  func.func @transform_6(%arg0: i32) -> (i32, i32) {
    %c0_i32 = arith.constant 0 : i32
    %c0_i32_0 = arith.constant 0 : i32
    %c0_i32_1 = arith.constant 0 : i32
    return %c0_i32, %c0_i32_0 : i32, i32
  }
  func.func @transform_7(%arg0: i32) -> (i32, i32) {
    %c0_i32 = arith.constant 0 : i32
    %c0_i32_0 = arith.constant 0 : i32
    %c0_i32_1 = arith.constant 0 : i32
    return %c0_i32, %c0_i32_0 : i32, i32
  }
  func.func @transform_8(%arg0: i32) -> (i32, i32) {
    %c0_i32 = arith.constant 0 : i32
    %c0_i32_0 = arith.constant 0 : i32
    %c0_i32_1 = arith.constant 0 : i32
    return %c0_i32, %c0_i32_0 : i32, i32
  }
  func.func @transform_9(%arg0: i32) -> (i32, i32) {
    %c0_i32 = arith.constant 0 : i32
    %c0_i32_0 = arith.constant 0 : i32
    %c0_i32_1 = arith.constant 0 : i32
    return %c0_i32, %c0_i32_0 : i32, i32
  }
  func.func @transform_10(%arg0: i32) -> (i32, i32) {
    %c0_i32 = arith.constant 0 : i32
    %c0_i32_0 = arith.constant 0 : i32
    %c0_i32_1 = arith.constant 0 : i32
    return %c0_i32, %c0_i32_0 : i32, i32
  }
  func.func @transform_11(%arg0: i32) -> (i32, i32) {
    %c0_i32 = arith.constant 0 : i32
    %c0_i32_0 = arith.constant 0 : i32
    %c0_i32_1 = arith.constant 0 : i32
    return %c0_i32, %c0_i32_0 : i32, i32
  }
  func.func @transform_12(%arg0: i32) -> (i32, i32) {
    %c0_i32 = arith.constant 0 : i32
    %c0_i32_0 = arith.constant 0 : i32
    %c0_i32_1 = arith.constant 0 : i32
    return %c0_i32, %c0_i32_0 : i32, i32
  }
  func.func @transform_13(%arg0: i32) -> (i32, i32) {
    %c0_i32 = arith.constant 0 : i32
    %c0_i32_0 = arith.constant 0 : i32
    %c0_i32_1 = arith.constant 0 : i32
    return %c0_i32, %c0_i32_0 : i32, i32
  }
  func.func @transform_14(%arg0: i32) -> (i32, i32) {
    %c0_i32 = arith.constant 0 : i32
    %c0_i32_0 = arith.constant 0 : i32
    %c0_i32_1 = arith.constant 0 : i32
    return %c0_i32, %c0_i32_0 : i32, i32
  }
  func.func @transform_15(%arg0: i32) -> (i32, i32) {
    %c0_i32 = arith.constant 0 : i32
    %c0_i32_0 = arith.constant 0 : i32
    %c0_i32_1 = arith.constant 0 : i32
    return %c0_i32, %c0_i32_0 : i32, i32
  }
  func.func @transform_16(%arg0: i32) -> (i32, i32) {
    %c0_i32 = arith.constant 0 : i32
    %c0_i32_0 = arith.constant 0 : i32
    %c0_i32_1 = arith.constant 0 : i32
    return %c0_i32, %c0_i32_0 : i32, i32
  }
  func.func @transform_17(%arg0: i32) -> (i32, i32) {
    %c0_i32 = arith.constant 0 : i32
    %c0_i32_0 = arith.constant 0 : i32
    return %arg0, %c0_i32 : i32, i32
  }
  func.func @transform_18(%arg0: i32) -> (i32, i32) {
    %c0_i32 = arith.constant 0 : i32
    %c0_i32_0 = arith.constant 0 : i32
    return %arg0, %c0_i32 : i32, i32
  }
  func.func @transform_19(%arg0: i32) -> (i32, i32) {
    %c0_i32 = arith.constant 0 : i32
    %c0_i32_0 = arith.constant 0 : i32
    return %arg0, %c0_i32 : i32, i32
  }
}

module attributes {stable_mosaic.version = 14 : i64} {
  func.func @_flash_body(%arg0: i32, %arg1: i32, %arg2: memref<1x1000x48xf32, #tpu.memory_space<vmem>>, %arg3: memref<1x20x48x1000xf32, #tpu.memory_space<vmem>>, %arg4: memref<1x20x48x1000xf32, #tpu.memory_space<vmem>>, %arg5: memref<1x1000x48xf32, #tpu.memory_space<vmem>>) attributes {dimension_semantics = [#tpu.dimension_semantics<arbitrary>, #tpu.dimension_semantics<arbitrary>], iteration_bounds = array<i64: 2, 20>, scalar_prefetch = 0 : i64, scratch_operands = 0 : i64, tpu.core_type = #tpu.core_type<tc>, window_params = [{transform_indices = @transform_0, window_bounds = array<i64: 1, 1000, 48>}, {transform_indices = @transform_1, window_bounds = array<i64: 1, 20, 48, 1000>}, {transform_indices = @transform_2, window_bounds = array<i64: 1, 20, 48, 1000>}, {transform_indices = @transform_3, window_bounds = array<i64: 1, 1000, 48>}]} {
    %get3A = arith.constant 0 : index
    %get3A_0 = arith.constant 0 : index
    %get3A_1 = arith.constant 0 : index
    %get3A_2 = vector.load %arg2[%get3A, %get3A_0, %get3A_1] : memref<1x1000x48xf32, #tpu.memory_space<vmem>>, vector<1x1000x48xf32>
    %get3A_3 = vector.shape_cast %get3A_2 : vector<1x1000x48xf32> to vector<1000x48xf32>
    %broadcast_in_dim3A = arith.constant 0xFF800000 : f32
    %broadcast_in_dim3A_4 = vector.broadcast %broadcast_in_dim3A : f32 to vector<1000x1xf32>
    %broadcast_in_dim3A_5 = arith.constant 0.000000e+00 : f32
    %broadcast_in_dim3A_6 = vector.broadcast %broadcast_in_dim3A_5 : f32 to vector<1000x1xf32>
    %broadcast_in_dim3A_7 = arith.constant 0.000000e+00 : f32
    %broadcast_in_dim3A_8 = vector.broadcast %broadcast_in_dim3A_7 : f32 to vector<1000x48xf32>
    %scan3A = arith.constant 0 : i32
    %scan3A_9 = arith.constant 20 : i32
    %scan3A_10 = arith.addi %scan3A, %scan3A_9 : i32
    %scan3A_11 = arith.constant 1 : i32
    %scan3A_12:3 = scf.for %scan3A_20 = %scan3A to %scan3A_10 step %scan3A_11 iter_args(%scan3A_21 = %broadcast_in_dim3A_4, %scan3A_22 = %broadcast_in_dim3A_6, %scan3A_23 = %broadcast_in_dim3A_8) -> (vector<1000x1xf32>, vector<1000x1xf32>, vector<1000x48xf32>)  : i32 {
      %get3A_24 = arith.constant 0 : index
      %get3A_25 = arith.index_cast %scan3A_20 : i32 to index
      %get3A_26 = arith.constant 0 : index
      %get3A_27 = arith.constant 0 : index
      %get3A_28 = vector.load %arg3[%get3A_24, %get3A_25, %get3A_26, %get3A_27] : memref<1x20x48x1000xf32, #tpu.memory_space<vmem>>, vector<1x1x48x1000xf32>
      %get3A_29 = vector.shape_cast %get3A_28 : vector<1x1x48x1000xf32> to vector<48x1000xf32>
      %dot_general3A = arith.constant dense<0.000000e+00> : vector<1000x1000xf32>
      %dot_general3A_30 = tpu.matmul %get3A_3, %get3A_29, %dot_general3A {dimension_numbers = #tpu.dot_dimension_numbers<[1], [0], [0], [1], [0, 0, 1, 1], [], []>, transpose_lhs_hint = false} : vector<1000x48xf32>, vector<48x1000xf32>, vector<1000x1000xf32> -> vector<1000x1000xf32>
      %mul3A = arith.constant 0.144337565 : f32
      %mul3A_31 = vector.broadcast %mul3A : f32 to vector<1000x1000xf32>
      %mul3A_32 = arith.mulf %dot_general3A_30, %mul3A_31 : vector<1000x1000xf32>
      %reduce_max3A = arith.constant dense<0xFF800000> : vector<1000xf32>
      %reduce_max3A_33 = vector.multi_reduction <maximumf>, %mul3A_32, %reduce_max3A [1] : vector<1000x1000xf32> to vector<1000xf32>
      %broadcast_in_dim3A_34 = vector.shape_cast %reduce_max3A_33 : vector<1000xf32> to vector<1000x1xf32>
      %max3A = arith.maximumf %scan3A_21, %broadcast_in_dim3A_34 : vector<1000x1xf32>
      %sub3A = arith.subf %scan3A_21, %max3A : vector<1000x1xf32>
      %exp3A = math.exp %sub3A : vector<1000x1xf32>
      %sub3A_35 = vector.broadcast %max3A : vector<1000x1xf32> to vector<1000x1000xf32>
      %sub3A_36 = arith.subf %mul3A_32, %sub3A_35 : vector<1000x1000xf32>
      %exp3A_37 = math.exp %sub3A_36 : vector<1000x1000xf32>
      %get3A_38 = arith.constant 0 : index
      %get3A_39 = arith.index_cast %scan3A_20 : i32 to index
      %get3A_40 = arith.constant 0 : index
      %get3A_41 = arith.constant 0 : index
      %get3A_42 = vector.load %arg4[%get3A_38, %get3A_39, %get3A_40, %get3A_41] : memref<1x20x48x1000xf32, #tpu.memory_space<vmem>>, vector<1x1x48x1000xf32>
      %get3A_43 = vector.shape_cast %get3A_42 : vector<1x1x48x1000xf32> to vector<48x1000xf32>
      %dot_general3A_44 = arith.constant dense<0.000000e+00> : vector<1000x48xf32>
      %dot_general3A_45 = tpu.matmul %exp3A_37, %get3A_43, %dot_general3A_44 {dimension_numbers = #tpu.dot_dimension_numbers<[1], [1], [0], [0], [0, 0, 1, 0], [], []>, transpose_lhs_hint = false} : vector<1000x1000xf32>, vector<48x1000xf32>, vector<1000x48xf32> -> vector<1000x48xf32>
      %mul3A_46 = arith.mulf %scan3A_22, %exp3A : vector<1000x1xf32>
      %reduce_sum3A = arith.constant dense<0.000000e+00> : vector<1000xf32>
      %reduce_sum3A_47 = vector.multi_reduction <add>, %exp3A_37, %reduce_sum3A [1] : vector<1000x1000xf32> to vector<1000xf32>
      %broadcast_in_dim3A_48 = vector.shape_cast %reduce_sum3A_47 : vector<1000xf32> to vector<1000x1xf32>
      %add3A = arith.addf %mul3A_46, %broadcast_in_dim3A_48 : vector<1000x1xf32>
      %mul3A_49 = vector.broadcast %exp3A : vector<1000x1xf32> to vector<1000x48xf32>
      %mul3A_50 = arith.mulf %scan3A_23, %mul3A_49 : vector<1000x48xf32>
      %add3A_51 = arith.addf %mul3A_50, %dot_general3A_45 : vector<1000x48xf32>
      scf.yield %max3A, %add3A, %add3A_51 : vector<1000x1xf32>, vector<1000x1xf32>, vector<1000x48xf32>
    }
    %scan3A_13 = arith.constant 20 : i32
    %div3A = vector.broadcast %scan3A_12#1 : vector<1000x1xf32> to vector<1000x48xf32>
    %div3A_14 = arith.divf %scan3A_12#2, %div3A : vector<1000x48xf32>
    %swap3A = arith.constant 0 : index
    %swap3A_15 = arith.constant 0 : index
    %swap3A_16 = arith.constant 0 : index
    %swap3A_17 = vector.load %arg5[%swap3A, %swap3A_15, %swap3A_16] : memref<1x1000x48xf32, #tpu.memory_space<vmem>>, vector<1x1000x48xf32>
    %swap3A_18 = vector.shape_cast %swap3A_17 : vector<1x1000x48xf32> to vector<1000x48xf32>
    %swap3A_19 = vector.shape_cast %div3A_14 : vector<1000x48xf32> to vector<1x1000x48xf32>
    tpu.vector_store %arg5[%swap3A, %swap3A_15, %swap3A_16], %swap3A_19 {strides = array<i32>} : memref<1x1000x48xf32, #tpu.memory_space<vmem>>, vector<1x1000x48xf32>,
    return
  }
  func.func @transform_0(%arg0: i32, %arg1: i32) -> (i32, i32, i32) {
    %c0_i32 = arith.constant 0 : i32
    %c0_i32_0 = arith.constant 0 : i32
    return %arg0, %arg1, %c0_i32 : i32, i32, i32
  }
  func.func @transform_1(%arg0: i32, %arg1: i32) -> (i32, i32, i32, i32) {
    %c0_i32 = arith.constant 0 : i32
    %c0_i32_0 = arith.constant 0 : i32
    %c0_i32_1 = arith.constant 0 : i32
    %c0_i32_2 = arith.constant 0 : i32
    return %arg0, %c0_i32, %c0_i32_0, %c0_i32_1 : i32, i32, i32, i32
  }
  func.func @transform_2(%arg0: i32, %arg1: i32) -> (i32, i32, i32, i32) {
    %c0_i32 = arith.constant 0 : i32
    %c0_i32_0 = arith.constant 0 : i32
    %c0_i32_1 = arith.constant 0 : i32
    %c0_i32_2 = arith.constant 0 : i32
    return %arg0, %c0_i32, %c0_i32_0, %c0_i32_1 : i32, i32, i32, i32
  }
  func.func @transform_3(%arg0: i32, %arg1: i32) -> (i32, i32, i32) {
    %c0_i32 = arith.constant 0 : i32
    %c0_i32_0 = arith.constant 0 : i32
    return %arg0, %arg1, %c0_i32 : i32, i32, i32
  }
}

module attributes {stable_mosaic.version = 14 : i64} {
  func.func @_attn_post_body(%arg0: i32, %arg1: memref<2000x96xf32, #tpu.memory_space<vmem>>, %arg2: memref<2000x96xf32, #tpu.memory_space<vmem>>, %arg3: memref<96x96xf32, #tpu.memory_space<vmem>>, %arg4: memref<1x96xf32, #tpu.memory_space<vmem>>, %arg5: memref<1x96xf32, #tpu.memory_space<vmem>>, %arg6: memref<1x96xf32, #tpu.memory_space<vmem>>, %arg7: memref<2000x96xf32, #tpu.memory_space<vmem>>) attributes {dimension_semantics = [#tpu.dimension_semantics<arbitrary>], iteration_bounds = array<i64: 10>, scalar_prefetch = 0 : i64, scratch_operands = 0 : i64, tpu.core_type = #tpu.core_type<tc>, window_params = [{transform_indices = @transform_0, window_bounds = array<i64: 2000, 96>}, {transform_indices = @transform_1, window_bounds = array<i64: 2000, 96>}, {pipeline_mode = #tpu.pipeline_mode<synchronous>, transform_indices = @transform_2, window_bounds = array<i64: 96, 96>}, {pipeline_mode = #tpu.pipeline_mode<synchronous>, transform_indices = @transform_3, window_bounds = array<i64: 1, 96>}, {pipeline_mode = #tpu.pipeline_mode<synchronous>, transform_indices = @transform_4, window_bounds = array<i64: 1, 96>}, {pipeline_mode = #tpu.pipeline_mode<synchronous>, transform_indices = @transform_5, window_bounds = array<i64: 1, 96>}, {transform_indices = @transform_6, window_bounds = array<i64: 2000, 96>}]} {
    %get3A = arith.constant 0 : index
    %get3A_0 = arith.constant 0 : index
    %get3A_1 = vector.load %arg1[%get3A, %get3A_0] : memref<2000x96xf32, #tpu.memory_space<vmem>>, vector<2000x96xf32>
    %get3A_2 = arith.constant 0 : index
    %get3A_3 = arith.constant 0 : index
    %get3A_4 = vector.load %arg3[%get3A_2, %get3A_3] : memref<96x96xf32, #tpu.memory_space<vmem>>, vector<96x96xf32>
    %dot_general3A = arith.constant dense<0.000000e+00> : vector<2000x96xf32>
    %dot_general3A_5 = tpu.matmul %get3A_1, %get3A_4, %dot_general3A {dimension_numbers = #tpu.dot_dimension_numbers<[1], [0], [0], [1], [0, 0, 1, 1], [], []>, transpose_lhs_hint = false} : vector<2000x96xf32>, vector<96x96xf32>, vector<2000x96xf32> -> vector<2000x96xf32>
    %get3A_6 = arith.constant 0 : index
    %get3A_7 = arith.constant 0 : index
    %get3A_8 = vector.load %arg4[%get3A_6, %get3A_7] : memref<1x96xf32, #tpu.memory_space<vmem>>, vector<1x96xf32>
    %add3A = vector.broadcast %get3A_8 : vector<1x96xf32> to vector<2000x96xf32>
    %add3A_9 = arith.addf %dot_general3A_5, %add3A : vector<2000x96xf32>
    %get3A_10 = arith.constant 0 : index
    %get3A_11 = arith.constant 0 : index
    %get3A_12 = vector.load %arg2[%get3A_10, %get3A_11] : memref<2000x96xf32, #tpu.memory_space<vmem>>, vector<2000x96xf32>
    %add3A_13 = arith.addf %add3A_9, %get3A_12 : vector<2000x96xf32>
    %reduce_sum3A = arith.constant dense<0.000000e+00> : vector<2000xf32>
    %reduce_sum3A_14 = vector.multi_reduction <add>, %add3A_13, %reduce_sum3A [1] : vector<2000x96xf32> to vector<2000xf32>
    %broadcast_in_dim3A = vector.shape_cast %reduce_sum3A_14 : vector<2000xf32> to vector<2000x1xf32>
    %div3A = arith.constant 9.600000e+01 : f32
    %div3A_15 = vector.broadcast %div3A : f32 to vector<2000x1xf32>
    %div3A_16 = arith.divf %broadcast_in_dim3A, %div3A_15 : vector<2000x1xf32>
    %sub3A = vector.broadcast %div3A_16 : vector<2000x1xf32> to vector<2000x96xf32>
    %sub3A_17 = arith.subf %add3A_13, %sub3A : vector<2000x96xf32>
    %integer_pow3A = arith.mulf %sub3A_17, %sub3A_17 : vector<2000x96xf32>
    %reduce_sum3A_18 = arith.constant dense<0.000000e+00> : vector<2000xf32>
    %reduce_sum3A_19 = vector.multi_reduction <add>, %integer_pow3A, %reduce_sum3A_18 [1] : vector<2000x96xf32> to vector<2000xf32>
    %broadcast_in_dim3A_20 = vector.shape_cast %reduce_sum3A_19 : vector<2000xf32> to vector<2000x1xf32>
    %div3A_21 = arith.constant 9.600000e+01 : f32
    %div3A_22 = vector.broadcast %div3A_21 : f32 to vector<2000x1xf32>
    %div3A_23 = arith.divf %broadcast_in_dim3A_20, %div3A_22 : vector<2000x1xf32>
    %sub3A_24 = vector.broadcast %div3A_16 : vector<2000x1xf32> to vector<2000x96xf32>
    %sub3A_25 = arith.subf %add3A_13, %sub3A_24 : vector<2000x96xf32>
    %add3A_26 = arith.constant 9.99999974E-6 : f32
    %add3A_27 = vector.broadcast %add3A_26 : f32 to vector<2000x1xf32>
    %add3A_28 = arith.addf %div3A_23, %add3A_27 : vector<2000x1xf32>
    %rsqrt3A = math.rsqrt %add3A_28 : vector<2000x1xf32>
    %mul3A = vector.broadcast %rsqrt3A : vector<2000x1xf32> to vector<2000x96xf32>
    %mul3A_29 = arith.mulf %sub3A_25, %mul3A : vector<2000x96xf32>
    %get3A_30 = arith.constant 0 : index
    %get3A_31 = arith.constant 0 : index
    %get3A_32 = vector.load %arg5[%get3A_30, %get3A_31] : memref<1x96xf32, #tpu.memory_space<vmem>>, vector<1x96xf32>
    %mul3A_33 = vector.broadcast %get3A_32 : vector<1x96xf32> to vector<2000x96xf32>
    %mul3A_34 = arith.mulf %mul3A_29, %mul3A_33 : vector<2000x96xf32>
    %get3A_35 = arith.constant 0 : index
    %get3A_36 = arith.constant 0 : index
    %get3A_37 = vector.load %arg6[%get3A_35, %get3A_36] : memref<1x96xf32, #tpu.memory_space<vmem>>, vector<1x96xf32>
    %add3A_38 = vector.broadcast %get3A_37 : vector<1x96xf32> to vector<2000x96xf32>
    %add3A_39 = arith.addf %mul3A_34, %add3A_38 : vector<2000x96xf32>
    %swap3A = arith.constant 0 : index
    %swap3A_40 = arith.constant 0 : index
    %swap3A_41 = vector.load %arg7[%swap3A, %swap3A_40] : memref<2000x96xf32, #tpu.memory_space<vmem>>, vector<2000x96xf32>
    tpu.vector_store %arg7[%swap3A, %swap3A_40], %add3A_39 {strides = array<i32>} : memref<2000x96xf32, #tpu.memory_space<vmem>>, vector<2000x96xf32>,
    return
  }
  func.func @transform_0(%arg0: i32) -> (i32, i32) {
    %c0_i32 = arith.constant 0 : i32
    %c0_i32_0 = arith.constant 0 : i32
    return %arg0, %c0_i32 : i32, i32
  }
  func.func @transform_1(%arg0: i32) -> (i32, i32) {
    %c0_i32 = arith.constant 0 : i32
    %c0_i32_0 = arith.constant 0 : i32
    return %arg0, %c0_i32 : i32, i32
  }
  func.func @transform_2(%arg0: i32) -> (i32, i32) {
    %c0_i32 = arith.constant 0 : i32
    %c0_i32_0 = arith.constant 0 : i32
    %c0_i32_1 = arith.constant 0 : i32
    return %c0_i32, %c0_i32_0 : i32, i32
  }
  func.func @transform_3(%arg0: i32) -> (i32, i32) {
    %c0_i32 = arith.constant 0 : i32
    %c0_i32_0 = arith.constant 0 : i32
    %c0_i32_1 = arith.constant 0 : i32
    return %c0_i32, %c0_i32_0 : i32, i32
  }
  func.func @transform_4(%arg0: i32) -> (i32, i32) {
    %c0_i32 = arith.constant 0 : i32
    %c0_i32_0 = arith.constant 0 : i32
    %c0_i32_1 = arith.constant 0 : i32
    return %c0_i32, %c0_i32_0 : i32, i32
  }
  func.func @transform_5(%arg0: i32) -> (i32, i32) {
    %c0_i32 = arith.constant 0 : i32
    %c0_i32_0 = arith.constant 0 : i32
    %c0_i32_1 = arith.constant 0 : i32
    return %c0_i32, %c0_i32_0 : i32, i32
  }
  func.func @transform_6(%arg0: i32) -> (i32, i32) {
    %c0_i32 = arith.constant 0 : i32
    %c0_i32_0 = arith.constant 0 : i32
    return %arg0, %c0_i32 : i32, i32
  }
}

</mosaic_0001>

<sc_bundles>
// kernel: kernel.18.cloned.1.call-start
scs
__scs_entry_jumppad:
0x0: {  	(pc) =	sbr.rel $0x88, $3  }
0x1: {  	(tag) =	ssettag $0x0;
	lr =	simm.s32 $0x1  }
0x2: {  	[smem:$0x3F46] =	sst lr;
	_ =	strace $0xD0000000  }
0x3: {  	_ = 	snop  }
0x4: {  	_ = 	snop  }
0x5: {  	_ = 	snop  }
0x6: {  	_ = 	snop  }
0x7: {  	_ = 	snop  }
__scs_overlays_trampoline_lowered:
0x8: {  	[smem:$0x3F55] =	sst s0  }
0x9: {  	[smem:$0x3F56] =	sst s1  }
0xa: {  	[smem:$0x3F57] =	sst s2  }
0xb: {  	[smem:$0x3F58] =	sst s3  }
0xc: {  	[smem:$0x3F59] =	sst s4  }
0xd: {  	[smem:$0x3F5A] =	sst s5  }
0xe: {  	[smem:$0x3F5B] =	sst s6  }
0xf: {  	[smem:$0x3F5C] =	sst s7  }
0x10: {  	[smem:$0x3F5D] =	sst s8  }
0x11: {  	[smem:$0x3F5E] =	sst s9;
	s0 =	simm.s32 @!p0 $0x0  }
0x12: {  	s1 =	sld [smem:$0x3F44];
	s0 =	simm.s32 @p0 $0x1  }
0x13: {  	[smem:$0x3F5F] =	sst s0;
	s0 =	simm.s32 @!p1 $0x0  }
0x14: {  	s2 =	sld [smem:$0x3F43];
	s0 =	simm.s32 @p1 $0x1  }
0x15: {  	[smem:$0x3F60] =	sst s0;
	s0 =	simm.s32 @!p2 $0x0  }
0x16: {  	s3 =	sld [smem:$0x3FDB];
	s0 =	simm.s32 @p2 $0x1  }
0x17: {  	s4 =	simm.s32 $0x1BF5;
	[smem:$0x3F62] =	sst s0  }
0x18: {  	s0 =	sld [smem:$0x3F45];
	_ =	swait.ge [sflag:s4], $0x0  }
0x19: {  	s7 =	sld [smem:$0x3F46]  }
0x1a: {  	s8 =	sadd.s32 $0xFFFFE003, lr  }
0x1b: {  	s9 =	sadd.s32 $0xFFFFFEF7, lr;
	s5 =	simm.s32 $0xFFFFFFFF;
	p2 =	slt.u32 s8, $0xFFFFF086  }
0x1c: {  	p1 =	slt.u32 s9, $0xF7A;
	s5 =	simm.s32 @!p2 $0x0  }
0x1d: {  	s5 =	simm.s32 @p1 $0x1;
	p0 =	seq.s32 s7, s2  }
0x1e: {  	s7 =	smul.u32 @!p0 $0xF7A, s2;
	p2 =	seq.s32 @!p0 s5, $0x0  }
0x1f: {  	s9 =	smul.u32 $0xF7A, s1;
	s8 =	simm.s32 @!p0 $0x1BF5;
	p2 =	por !p2, p0  }
0x20: {  	[sflag:s8] =	ssyncset.s32 @!p0 $0xFFFFF086;
	s6 =	sadd.s32 @!p0 s3, s7;
	s7 =	simm.s32 @!p0 $0x108  }
0x21: {  	s3 =	sadd.s32 s3, s9;
	s6 =	sadd.s32 @!p0 $0x88, s6;
	s7 =	simm.s32 @p2 $0x1082  }
0x22: {  	[simem:s7], [sflag:s8] =	dma.local @!p0 [hbm:s6], $0xF7A  }
0x23: {  	s9 =	sor.u32 $0xD0000000, s2;
	s6 =	simm.s32 $0x108;
	_ =	swait.ge @!p0 [sflag:s8], $0x0  }
0x24: {  	s3 =	sadd.s32 $0x88, s3;
	s6 =	simm.s32 @!p1 $0x1082;
	[sflag:s4] =	ssyncset.s32 $0xFFFFF086  }
0x25: {  	[simem:s6], [sflag:s4] =	dma.local [hbm:s3], $0xF7A  }
0x26: {  	[smem:$0x3F46] =	sst s1;
	(tag) =	ssettag s2;
	_ =	strace s9  }
0x27: {  	s1 =	sld [smem:$0x3F56]  }
0x28: {  	s2 =	sld [smem:$0x3F57]  }
0x29: {  	s4 =	sld [smem:$0x3F59]  }
0x2a: {  	p0 =	seq.s32 s5, $0x0;
	s5 =	sld [smem:$0x3F5A]  }
0x2b: {  	s6 =	sld [smem:$0x3F5B]  }
0x2c: {  	s7 =	sld [smem:$0x3F5C]  }
0x2d: {  	s3 =	simm.s32 $0x108;
	s8 =	sld [smem:$0x3F5D]  }
0x2e: {  	s3 =	simm.s32 @!p0 $0x1082;
	s9 =	sld [smem:$0x3F5E]  }
0x2f: {  	lr =	sadd.s32 s0, s3;
	s0 =	sld [smem:$0x3F55]  }
0x30: {  	s3 =	sld [smem:$0x3F58]  }
0x31: {  	[smem:$0x3F61] =	sst s10  }
0x32: {  	s10 =	sld [smem:$0x3F5F];
	_ =	sdelay $0x3  }
0x33: {  	p0 =	seq.s32 s10, $0x1;
	s10 =	sld [smem:$0x3F61];
	_ =	sdelay $0x3  }
0x34: {  	[smem:$0x3F61] =	sst s10  }
0x35: {  	s10 =	sld [smem:$0x3F60];
	_ =	sdelay $0x3  }
0x36: {  	p1 =	seq.s32 s10, $0x1;
	s10 =	sld [smem:$0x3F61];
	_ =	sdelay $0x3  }
0x37: {  	[smem:$0x3F61] =	sst s10  }
0x38: {  	s10 =	sld [smem:$0x3F62]  }
0x39: {  	_ = 	snop;
	(pc) =	sbr.ind lr, $3  }
0x3a: {  	_ = 	snop  }
0x3b: {  	_ = 	snop  }
0x3c: {  	p2 =	seq.s32 s10, $0x1;
	s10 =	sld [smem:$0x3F61]  }
0x3d: {  	_ =	shalt  }
0x3e: {  	_ =	shalt  }
0x3f: {  	_ =	shalt  }
0x40: {  	_ =	shalt  }
0x41: {  	_ =	shalt  }
0x42: {  	_ =	shalt  }
0x43: {  	_ =	shalt  }
0x44: {  	_ =	shalt  }
0x45: {  	_ =	shalt  }
0x46: {  	_ =	shalt  }
0x47: {  	_ =	shalt  }
0x48: {  	_ =	shalt  }
0x49: {  	_ =	shalt  }
0x4a: {  	_ =	shalt  }
0x4b: {  	_ =	shalt  }
0x4c: {  	_ =	shalt  }
0x4d: {  	_ =	shalt  }
0x4e: {  	_ =	shalt  }
0x4f: {  	_ =	shalt  }
0x50: {  	_ =	shalt  }
0x51: {  	_ =	shalt  }
0x52: {  	_ =	shalt  }
0x53: {  	_ =	shalt  }
0x54: {  	_ =	shalt  }
0x55: {  	_ =	shalt  }
0x56: {  	_ =	shalt  }
0x57: {  	_ =	shalt  }
0x58: {  	_ =	shalt  }
0x59: {  	_ =	shalt  }
0x5a: {  	_ =	shalt  }
0x5b: {  	_ =	shalt  }
0x5c: {  	_ =	shalt  }
0x5d: {  	_ =	shalt  }
0x5e: {  	_ =	shalt  }
0x5f: {  	_ =	shalt  }
0x60: {  	_ =	shalt  }
0x61: {  	_ =	shalt  }
0x62: {  	_ =	shalt  }
0x63: {  	_ =	shalt  }
0x64: {  	_ =	shalt  }
0x65: {  	_ =	shalt  }
0x66: {  	_ =	shalt  }
0x67: {  	_ =	shalt  }
0x68: {  	_ =	shalt  }
0x69: {  	_ =	shalt  }
0x6a: {  	_ =	shalt  }
0x6b: {  	_ =	shalt  }
0x6c: {  	_ =	shalt  }
0x6d: {  	_ =	shalt  }
0x6e: {  	_ =	shalt  }
0x6f: {  	_ =	shalt  }
0x70: {  	_ =	shalt  }
0x71: {  	_ =	shalt  }
0x72: {  	_ =	shalt  }
0x73: {  	_ =	shalt  }
0x74: {  	_ =	shalt  }
0x75: {  	_ =	shalt  }
0x76: {  	_ =	shalt  }
0x77: {  	_ =	shalt  }
0x78: {  	_ =	shalt  }
0x79: {  	_ =	shalt  }
0x7a: {  	_ =	shalt  }
0x7b: {  	_ =	shalt  }
0x7c: {  	_ =	shalt  }
0x7d: {  	_ =	shalt  }
0x7e: {  	_ =	shalt  }
0x7f: {  	_ =	shalt  }
0x80: {  	_ =	shalt  }
0x81: {  	_ =	shalt  }
0x82: {  	_ =	shalt  }
0x83: {  	_ =	shalt  }
0x84: {  	_ =	shalt  }
0x85: {  	_ =	shalt  }
0x86: {  	_ =	shalt  }
0x87: {  	_ =	shalt  }
.Lfunc_end0:
.L_simem_size_0:
called_computation_lowered:
.L_overlay_start_0:
0x88: {  	s2 =	sld [smem:$0x3FD9]  }
0x89: {  	s3 =	sld [smem:$0x3FFE];
	_ =	sdelay $0x1  }
0x8a: {  	s1 =	srdreg.scid  }
0x8b: {  	s0 =	sand.u32 $0x1, s1  }
0x8c: {  	s17 =	sshll.u32 s0, $0xA;
	s2 =	sadd.s32 s3, s2  }
0x8d: {  	s2 =	sadd.s32 s2, s17  }
0x8e: {  	[smem:$0x3F6D] =	sst s2  }
0x8f: {  	_ = 	snop  }
0x90: {  	s2 =	sld [smem:$0x3FD0];
	(tm) =	ssettm $0x1  }
0x91: {  	s18 =	sld [smem:$0x3FFB];
	_ =	sdelay $0x3  }
0x92: {  	_ =	strace s18  }
0x93: {  	s3 =	sld [smem:$0x3FFC];
	_ =	sdelay $0x3  }
0x94: {  	_ =	strace s3  }
0x95: {  	s3 =	sld [smem:$0x3FFD];
	_ =	sdelay $0x3  }
0x96: {  	_ =	strace s3  }
0x97: {  	_ =	strace $0x8FFFFFFF  }
0x98: {  	s19 =	sld [smem:$0x3FDB];
	_ =	sdelay $0x1  }
0x99: {  	s4 =	simm.s32 $_scs_section_size  }
0x9a: {  	s5 =	simm.s32 $_size__tile_overlayer_lowered;
	s6 =	simm.s32 $_tile_overlayer_lowered  }
0x9b: {  	s22 =	simm.s32 $0x1BFF;
	s21 =	sshll.u32 s6, $0x1;
	s3 =	sadd.s32 s4, s19  }
0x9c: {  	s7 =	simm.s32 $0x0;
	s20 =	sshll.u32 s5, $0x1;
	s5 =	sadd.s32 s21, s3  }
0x9d: {  	[timem:s7], [sflag:s22] =	dma.local [hbm:s5], s20  }
0x9e: {  	_ =	swait.ge [sflag:s22], s20  }
0x9f: {  	s4 =	ssub.s32 $0x0, s20;
	[sflag:s22] =	ssyncset.done $0x0  }
0xa0: {  	[sflag:s22] =	ssyncadd.s32 s4;
	_ =	sdelay $0x1  }
0xa1: {  	s23 =	simm.s32 $0x1B8B  }
0xa2: {  	_ =	swait.ge [sflag:s23], $0x1  }
0xa3: {  	[sflag:s23] =	ssyncset.done $0x0  }
0xa4: {  	s25 =	simm.s32 $0x1B8E;
	s24 =	sld [smem:$0x3FFE];
	[sflag:s23] =	ssyncadd.s32 $0xFFFFFFFF  }
0xa5: {  	s26 =	simm.s32 $execute0_lowered;
	[smem:$0x3FD2] =	sst s25  }
0xa6: {  	s5 =	sshll.u32 s26, $0x1;
	_ =	strace $0x80000046;
	[dreg:$0x1] =	wrdreg $0xFFFFFFFF  }
0xa7: {  	s28 =	simm.s32 $_size_execute0_lowered;
	s3 =	sadd.s32 s3, s5;
	[dreg:$0x0] =	wrdreg $0x0  }
0xa8: {  	s5 =	sshll.u32 s28, $0x1;
	[dreg:$0x2] =	wrdreg s3  }
0xa9: {  	[dreg:$0x3] =	wrdreg s5  }
0xaa: {  	[dreg:$0x4] =	wrdreg $0xC0  }
0xab: {  	_ =	task [dreg:s7], $0x5FFFF  }
0xac: {  	[dreg:$0x1] =	wrdreg $0xFFFFFFFF  }
0xad: {  	[dreg:$0x0] =	wrdreg $0x60  }
0xae: {  	[dreg:$0x2] =	wrdreg s24  }
0xaf: {  	[dreg:$0x3] =	wrdreg s2  }
0xb0: {  	[dreg:$0x4] =	wrdreg $0x30700  }
0xb1: {  	[dreg:$0x5] =	wrdreg $0x9  }
0xb2: {  	_ =	task.clear_ibuf [dreg:s7], $0x6FFFF;
	_ =	strace $0x90000046  }
0xb3: {  	s29 =	simm.s32 $0x9;
	_ =	strace $0x80000048  }
0xb4: {  	_ =	swait.ge [sflag:s29], $0x1  }
0xb5: {  	[sflag:s29] =	ssyncadd.s32 $0xFFFFFFFF  }
0xb6: {  	_ =	strace $0x90000048  }
0xb7: {  	_ =	sfence  }
0xb8: {  	s30 =	sld [smem:$0x0];
	_ =	sdelay $0x2  }
0xb9: {  	s31 =	sshll.u32 s1, $0xD;
	s1 =	sshrl.u32 s1, $0x2  }
0xba: {  	s3 =	sand.u32 $0x4000, s31;
	s1 =	sadd.s32 s1, s30  }
0xbb: {  	s0 =	sor.u32 s3, s0;
	s1 =	sshll.u32 s1, $0x11  }
0xbc: {  	s0 =	sor.u32 s1, s0  }
0xbd: {  	s0 =	sadd.s32 $0x8F2B, s0  }
0xbe: {  	[sflag:s0] =	ssyncadd.remote.s32 $0x1  }
0xbf: {  	_ =	sfence.sel $0xFFFF  }
0xc0: {  	[dreg:$0x0] =	wrdreg $0xFFFFFFFF;
	(pc) =	sbr.abs _section_cstart, $3  }
0xc1: {  	[dreg:$0x1] =	wrdreg $0xFFFFFFFF  }
0xc2: {  	_ =	task.clear_ibuf [dreg:s7], $0x2FFFF;
	_ =	strace $0x9FFFFFFF  }
0xc3: {  	(tm) =	ssettm $0x7FFFFFFF  }
tec
execute0_lowered:
.L_overlay_start_1:
0x0: {  	(tag) =	ssettag $0x1  }
0x1: {  	s12 =	rddreg [dreg:$0x0]  }
0x2: {  	s5 =	rddreg [dreg:$0x1]  }
0x3: {  	s1 =	rddreg [dreg:$0x2]  }
0x4: {  	s0 =	rddreg [dreg:$0x3]  }
0x5: {  	s3 =	simm.s32 $0x0;
	s4 =	srdreg.scid;
	s2 =	stileid.u32  }
0x6: {  	s13 =	simm.s32 $0x37C00;
	s15 =	simm.s32 $0x1900;
	s16 =	simm.s32 $0x2  }
0x7: {  	s17 =	simm.s32 $0x80;
	s18 =	simm.s32 $0x100;
	s19 =	simm.s32 $0x1  }
0x8: {  	s20 =	simm.s32 $0x0;
	[smem:$0x7FF] =	sst s3;
	s6 =	sand.u32 $0x1, s4  }
0x9: {  	s29 =	sshll.u32 s2, $0x4;
	s10 =	smul.u32 $0x7530, s2;
	p0 =	slt.u32 s2, $0x4  }
0xa: {  	s4 =	simm.s32 $0x9D;
	s11 =	smul.u32 $0x1D4C0, s2;
	_ =	strace $0x80000047  }
0xb: {  	s7 =	ssub.s32 $0x2, s6;
	s8 =	smul.u32 $0x75300, s6;
	s14 =	sadd.s32 s29, s12  }
0xc: {  	s4 =	simm.s32 @!p0 $0x9C;
	p0 =	seq.s32 s6, $0x1;
	s9 =	sshrl.u32 s7, $0x1  }
0xd: {  	s31 =	sshrl.u32 s11, $0x2;
	s13 =	simm.s32 @!p0 $0x46800;
	s7 =	ssub.s32 s7, s9  }
0xe: {  	s8 =	sadd.s32 s10, s8;
	s6 =	sadd.s32 s31, s1;
	s12 =	sadd.s32 s13, s12  }
0xf: {  	s13 =	sadd.s32 $0x55400, s14;
	s14 =	sadd.s32 $0x5F200, s14;
	s30 =	sshrl.u32 s8, $0x3  }
0x10: {  	s7 =	smax.u32 s7, $0x1;
	s8 =	sadd.s32 $0x1770, s6;
	s9 =	sadd.s32 $0x2EE0, s6  }
0x11: {  	v0 =	vimm.f32 $0.0e+00;
	s10 =	sadd.s32 $0x4650, s6;
	s11 =	sadd.s32 $0x5DC0, s6;
	s5 =	sadd.s32 s5, s30  }
.LBB2_1:
0x12: {  	s21 =	smul.u32 $0xAAAB, s3;
	_ =	sdelay $0x1  }
0x13: {  	s22 =	sshrl.u32 s21, $0x11  }
0x14: {  	s23 =	simm.s32 $0x0;
	s21 =	simm.s32 $0x1;
	s24 =	smul.u32 $0x3, s22  }
.LBB2_2:
0x15: {  	s25 =	smul.u32 $0xAAAB, s21  }
0x16: {  	s26 =	smov.u32 s21;
	s22 =	smul.u32 $0xC0, s22;
	p0 =	sne.s32 s21, $0x176  }
.Ltmp0:
0x17: {  	s23 =	ssub.s32 s23, s24;
	(pc) =	sbr.rel @p0 .LBB2_2-.Ltmp0, $4  }
0x18: {  	s21 =	sadd.s32 $0x1, s21;
	s23 =	sand.u32 $0xFFFF, s23  }
0x19: {  	s24 =	sshrl.u32 s22, $0x2;
	s28 =	sshll.u32 s23, $0x4;
	s23 =	smov.u32 s26  }
0x1a: {  	s22 =	sshrl.u32 s25, $0x11;
	s25 =	sadd.s32 s28, s24  }
0x1b: {  	s24 =	smul.u32 $0x3, s22;
	[tilespmem:s25+$0x1900] =	vst v0  }
0x1c: {  	_ = 	snop  }
0x1d: {  	s22 =	smul.u32 $0xC0, s22;
	s21 =	ssub.s32 s23, s24  }
0x1e: {  	s21 =	sand.u32 $0xFFFF, s21  }
0x1f: {  	s22 =	sshrl.u32 s22, $0x2;
	s21 =	sshll.u32 s21, $0x4  }
0x20: {  	s21 =	sadd.s32 s21, s22  }
0x21: {  	[tilespmem:s21+$0x1900] =	vst v0  }
0x22: {  	[spmem:s6] =	stream.linear.scatter [tilespmem:s15], [sflag:$0x2], $0x1770, $0x38;
	[tilespmem:$0xA5A0] =	vst v63  }
0x23: {  	_ =	swait.ge [sflag:s16], $0x1770  }
0x24: {  	[sflag:s16] =	ssyncset.done $0x0  }
0x25: {  	[sflag:s16] =	ssyncadd.s32 $0xFFFFE890  }
0x26: {  	[spmem:s8] =	stream.linear.scatter [tilespmem:s15], [sflag:$0x2], $0x1770, $0x38;
	[tilespmem:$0xA5A0] =	vst v63  }
0x27: {  	_ =	swait.ge [sflag:s16], $0x1770  }
0x28: {  	[sflag:s16] =	ssyncset.done $0x0  }
0x29: {  	[sflag:s16] =	ssyncadd.s32 $0xFFFFE890  }
0x2a: {  	[spmem:s9] =	stream.linear.scatter [tilespmem:s15], [sflag:$0x2], $0x1770, $0x38;
	[tilespmem:$0xA5A0] =	vst v63  }
0x2b: {  	_ =	swait.ge [sflag:s16], $0x1770  }
0x2c: {  	[sflag:s16] =	ssyncset.done $0x0  }
0x2d: {  	[sflag:s16] =	ssyncadd.s32 $0xFFFFE890  }
0x2e: {  	[spmem:s10] =	stream.linear.scatter [tilespmem:s15], [sflag:$0x2], $0x1770, $0x38;
	[tilespmem:$0xA5A0] =	vst v63  }
0x2f: {  	_ =	swait.ge [sflag:s16], $0x1770  }
0x30: {  	[sflag:s16] =	ssyncset.done $0x0  }
0x31: {  	[sflag:s16] =	ssyncadd.s32 $0xFFFFE890  }
0x32: {  	[spmem:s11] =	stream.linear.scatter [tilespmem:s15], [sflag:$0x2], $0x1770, $0x38;
	[tilespmem:$0xA5A0] =	vst v63  }
0x33: {  	_ =	swait.ge [sflag:s16], $0x1770  }
0x34: {  	[sflag:s16] =	ssyncset.done $0x0  }
0x35: {  	[sflag:s16] =	ssyncadd.s32 $0xFFFFE890  }
0x36: {  	[bflag:$0x0] =	sbarrier.arrive $0xFFFF  }
0x37: {  	[tilespmem:s3], [sflag:$0x2] =	stream.linear.gather [hbm4b:s14+s3], $0x80, $0x38;
	[tilespmem:$0xA5A0] =	vst v63  }
0x38: {  	_ =	swait.ge [sflag:s16], $0x80  }
0x39: {  	[sflag:s16] =	ssyncset.done $0x0  }
0x3a: {  	[sflag:s16] =	ssyncadd.s32 $0xFFFFFF80  }
0x3b: {  	[tilespmem:s17], [sflag:$0x2] =	stream.linear.gather [hbm4b:s13+s3], $0x80, $0x38;
	[tilespmem:$0xA5A0] =	vst v63  }
0x3c: {  	_ =	swait.ge [sflag:s16], $0x80  }
0x3d: {  	[sflag:s16] =	ssyncset.done $0x0  }
0x3e: {  	[sflag:s16] =	ssyncadd.s32 $0xFFFFFF80  }
0x3f: {  	[tilespmem:s18], [sflag:$0x1] =	stream.indirect.gather [hbm4b:s12+s17], $0x30, s3, s17, $0xb8;
	[tilespmem:$0xA5A0] =	vst v63  }
0x40: {  	p0 =	sne.s32 s4, $0x1;
	_ =	swait.ge [sflag:s19], $0x1800  }
.Ltmp1:
0x41: {  	[sflag:s19] =	ssyncset.done $0x0;
	(pc) =	sbr.rel @!p0 .LBB2_5-.Ltmp1, $4  }
0x42: {  	[sflag:s19] =	ssyncadd.s32 $0xFFFFE800  }
0x43: {  	[spmem:s1] =	stream.indirect.scatter.add.f32 [tilespmem:s18], [sflag:$0x2], $0x30, s17, s17, $0xb8;
	[tilespmem:$0xA5A0] =	vst v63  }
0x44: {  	s23 =	smov.u32 s14;
	_ =	swait.ge [sflag:s16], $0x1800  }
0x45: {  	s22 =	smov.u32 s13;
	s21 =	sadd.s32 $0xFFFFFFFF, s4;
	[sflag:s16] =	ssyncset.done $0x0  }
.LBB2_4:
0x46: {  	[sflag:s16] =	ssyncadd.s32 $0xFFFFE800;
	s22 =	sadd.s32 $0x100, s22;
	s23 =	sadd.s32 $0x100, s23  }
0x47: {  	[tilespmem:s3], [sflag:$0x2] =	stream.linear.gather [hbm4b:s23+s3], $0x80, $0x38;
	[tilespmem:$0xA5A0] =	vst v63  }
0x48: {  	p0 =	sne.s32 s21, $0x1;
	s21 =	sadd.s32 $0xFFFFFFFF, s21;
	_ =	swait.ge [sflag:s16], $0x80  }
0x49: {  	[sflag:s16] =	ssyncset.done $0x0  }
0x4a: {  	[sflag:s16] =	ssyncadd.s32 $0xFFFFFF80  }
0x4b: {  	[tilespmem:s17], [sflag:$0x2] =	stream.linear.gather [hbm4b:s22+s3], $0x80, $0x38;
	[tilespmem:$0xA5A0] =	vst v63  }
0x4c: {  	_ =	swait.ge [sflag:s16], $0x80  }
0x4d: {  	[sflag:s16] =	ssyncset.done $0x0  }
0x4e: {  	[sflag:s16] =	ssyncadd.s32 $0xFFFFFF80  }
0x4f: {  	[tilespmem:s18], [sflag:$0x1] =	stream.indirect.gather [hbm4b:s12+s17], $0x30, s3, s17, $0xb8;
	[tilespmem:$0xA5A0] =	vst v63  }
0x50: {  	_ =	swait.ge [sflag:s19], $0x1800  }
.Ltmp2:
0x51: {  	[sflag:s19] =	ssyncset.done $0x0;
	(pc) =	sbr.rel @p0 .LBB2_4-.Ltmp2, $4  }
0x52: {  	[sflag:s19] =	ssyncadd.s32 $0xFFFFE800  }
0x53: {  	[spmem:s1] =	stream.indirect.scatter.add.f32 [tilespmem:s18], [sflag:$0x2], $0x30, s17, s17, $0xb8;
	[tilespmem:$0xA5A0] =	vst v63  }
0x54: {  	_ =	swait.ge [sflag:s16], $0x1800  }
0x55: {  	[sflag:s16] =	ssyncset.done $0x0  }
.LBB2_5:
0x56: {  	[sflag:s16] =	ssyncadd.s32 $0xFFFFE800;
	s20 =	sadd.s32 $0x1, s20  }
0x57: {  	s21 =	sshll.u32 s2, $0x6;
	s22 =	sshrl.u32 s6, $0x3;
	p0 =	sne.s32 s20, s7  }
.Ltmp3:
0x58: {  	[bflag:$0x0] =	sbarrier.arrive $0xFFFF;
	s21 =	sor.u32 $0x1C02, s21;
	(pc) =	sbr.rel @p0 .LBB2_1-.Ltmp3, $4  }
0x59: {  	[hbm:s5], [sflag:s21] =	dma.local [spmem:s22], $0xEA6  }
0x5a: {  	_ =	swait.ge [sflag:s16], $0xEA6  }
0x5b: {  	[sflag:s16] =	ssyncset.done $0x0  }
0x5c: {  	[sflag:s16] =	ssyncadd.s32 $0xFFFFF15A  }
0x5d: {  	_ =	sfence.sel $0x180000  }
0x5e: {  	[bflag:$0x0] =	sbarrier.arrive $0xFFFF  }
0x5f: {  	p0 =	sne.s32 s2, $0x0;
	_ =	strace $0x90000047  }
0x60: {  	s0 =	sadd.s32 @!p0 $0x100000, s0;
	[bflag:$0x2] =	sbarrier.arrive $0xFFFF  }
0x61: {  	[sflag:s0] =	ssyncadd.tile.s32 @!p0 $0x1;
	_ =	shalt  }
.Lfunc_end2:
_tile_overlayer_lowered:
.L_overlay_start_2:
0x62: {  	(tag) =	ssettag $0x2  }
0x63: {  	s0 =	rddreg [dreg:$0x0];
	s2 =	stileid.u32  }
0x64: {  	s1 =	rddreg [dreg:$0x1];
	p0 =	sne.s32 s2, $0x0  }
0x65: {  	s3 =	rddreg [dreg:$0x2];
	[bflag:$0x3] =	sbarrier.arrive $0xFFFF;
	s2 =	simm.s32 @!p0 $0x1C02  }
0x66: {  	[timem:s3], [sflag:s2] =	dma.local @!p0 [hbm:s0], s1  }
0x67: {  	s0 =	simm.s32 @!p0 $0x2  }
0x68: {  	_ =	swait.ge @!p0 [sflag:s0], s1  }
0x69: {  	s1 =	ssub.s32 @!p0 $0x0, s1;
	[sflag:s0] =	ssyncset.done @!p0 $0x0  }
0x6a: {  	[sflag:s0] =	ssyncadd.s32 @!p0 s1  }
0x6b: {  	[bflag:$0x3] =	sbarrier.arrive $0xFFFF  }
0x6c: {  	_ =	shalt  }

// kernel: kernel.21.cloned.1.call-start
scs
__scs_entry_jumppad:
0x0: {  	(pc) =	sbr.rel $0x88, $3  }
0x1: {  	(tag) =	ssettag $0x0;
	lr =	simm.s32 $0x1  }
0x2: {  	[smem:$0x3F46] =	sst lr;
	_ =	strace $0xD0000000  }
0x3: {  	_ = 	snop  }
0x4: {  	_ = 	snop  }
0x5: {  	_ = 	snop  }
0x6: {  	_ = 	snop  }
0x7: {  	_ = 	snop  }
__scs_overlays_trampoline_lowered:
0x8: {  	[smem:$0x3F55] =	sst s0  }
0x9: {  	[smem:$0x3F56] =	sst s1  }
0xa: {  	[smem:$0x3F57] =	sst s2  }
0xb: {  	[smem:$0x3F58] =	sst s3  }
0xc: {  	[smem:$0x3F59] =	sst s4  }
0xd: {  	[smem:$0x3F5A] =	sst s5  }
0xe: {  	[smem:$0x3F5B] =	sst s6  }
0xf: {  	[smem:$0x3F5C] =	sst s7  }
0x10: {  	[smem:$0x3F5D] =	sst s8  }
0x11: {  	[smem:$0x3F5E] =	sst s9;
	s0 =	simm.s32 @!p0 $0x0  }
0x12: {  	s1 =	sld [smem:$0x3F44];
	s0 =	simm.s32 @p0 $0x1  }
0x13: {  	[smem:$0x3F5F] =	sst s0;
	s0 =	simm.s32 @!p1 $0x0  }
0x14: {  	s2 =	sld [smem:$0x3F43];
	s0 =	simm.s32 @p1 $0x1  }
0x15: {  	[smem:$0x3F60] =	sst s0;
	s0 =	simm.s32 @!p2 $0x0  }
0x16: {  	s3 =	sld [smem:$0x3FDB];
	s0 =	simm.s32 @p2 $0x1  }
0x17: {  	s4 =	simm.s32 $0x1BF5;
	[smem:$0x3F62] =	sst s0  }
0x18: {  	s0 =	sld [smem:$0x3F45];
	_ =	swait.ge [sflag:s4], $0x0  }
0x19: {  	s7 =	sld [smem:$0x3F46]  }
0x1a: {  	s8 =	sadd.s32 $0xFFFFE003, lr  }
0x1b: {  	s9 =	sadd.s32 $0xFFFFFEF7, lr;
	s5 =	simm.s32 $0xFFFFFFFF;
	p2 =	slt.u32 s8, $0xFFFFF086  }
0x1c: {  	p1 =	slt.u32 s9, $0xF7A;
	s5 =	simm.s32 @!p2 $0x0  }
0x1d: {  	s5 =	simm.s32 @p1 $0x1;
	p0 =	seq.s32 s7, s2  }
0x1e: {  	s7 =	smul.u32 @!p0 $0xF7A, s2;
	p2 =	seq.s32 @!p0 s5, $0x0  }
0x1f: {  	s9 =	smul.u32 $0xF7A, s1;
	s8 =	simm.s32 @!p0 $0x1BF5;
	p2 =	por !p2, p0  }
0x20: {  	[sflag:s8] =	ssyncset.s32 @!p0 $0xFFFFF086;
	s6 =	sadd.s32 @!p0 s3, s7;
	s7 =	simm.s32 @!p0 $0x108  }
0x21: {  	s3 =	sadd.s32 s3, s9;
	s6 =	sadd.s32 @!p0 $0x88, s6;
	s7 =	simm.s32 @p2 $0x1082  }
0x22: {  	[simem:s7], [sflag:s8] =	dma.local @!p0 [hbm:s6], $0xF7A  }
0x23: {  	s9 =	sor.u32 $0xD0000000, s2;
	s6 =	simm.s32 $0x108;
	_ =	swait.ge @!p0 [sflag:s8], $0x0  }
0x24: {  	s3 =	sadd.s32 $0x88, s3;
	s6 =	simm.s32 @!p1 $0x1082;
	[sflag:s4] =	ssyncset.s32 $0xFFFFF086  }
0x25: {  	[simem:s6], [sflag:s4] =	dma.local [hbm:s3], $0xF7A  }
0x26: {  	[smem:$0x3F46] =	sst s1;
	(tag) =	ssettag s2;
	_ =	strace s9  }
0x27: {  	s1 =	sld [smem:$0x3F56]  }
0x28: {  	s2 =	sld [smem:$0x3F57]  }
0x29: {  	s4 =	sld [smem:$0x3F59]  }
0x2a: {  	p0 =	seq.s32 s5, $0x0;
	s5 =	sld [smem:$0x3F5A]  }
0x2b: {  	s6 =	sld [smem:$0x3F5B]  }
0x2c: {  	s7 =	sld [smem:$0x3F5C]  }
0x2d: {  	s3 =	simm.s32 $0x108;
	s8 =	sld [smem:$0x3F5D]  }
0x2e: {  	s3 =	simm.s32 @!p0 $0x1082;
	s9 =	sld [smem:$0x3F5E]  }
0x2f: {  	lr =	sadd.s32 s0, s3;
	s0 =	sld [smem:$0x3F55]  }
0x30: {  	s3 =	sld [smem:$0x3F58]  }
0x31: {  	[smem:$0x3F61] =	sst s10  }
0x32: {  	s10 =	sld [smem:$0x3F5F];
	_ =	sdelay $0x3  }
0x33: {  	p0 =	seq.s32 s10, $0x1;
	s10 =	sld [smem:$0x3F61];
	_ =	sdelay $0x3  }
0x34: {  	[smem:$0x3F61] =	sst s10  }
0x35: {  	s10 =	sld [smem:$0x3F60];
	_ =	sdelay $0x3  }
0x36: {  	p1 =	seq.s32 s10, $0x1;
	s10 =	sld [smem:$0x3F61];
	_ =	sdelay $0x3  }
0x37: {  	[smem:$0x3F61] =	sst s10  }
0x38: {  	s10 =	sld [smem:$0x3F62]  }
0x39: {  	_ = 	snop;
	(pc) =	sbr.ind lr, $3  }
0x3a: {  	_ = 	snop  }
0x3b: {  	_ = 	snop  }
0x3c: {  	p2 =	seq.s32 s10, $0x1;
	s10 =	sld [smem:$0x3F61]  }
0x3d: {  	_ =	shalt  }
0x3e: {  	_ =	shalt  }
0x3f: {  	_ =	shalt  }
0x40: {  	_ =	shalt  }
0x41: {  	_ =	shalt  }
0x42: {  	_ =	shalt  }
0x43: {  	_ =	shalt  }
0x44: {  	_ =	shalt  }
0x45: {  	_ =	shalt  }
0x46: {  	_ =	shalt  }
0x47: {  	_ =	shalt  }
0x48: {  	_ =	shalt  }
0x49: {  	_ =	shalt  }
0x4a: {  	_ =	shalt  }
0x4b: {  	_ =	shalt  }
0x4c: {  	_ =	shalt  }
0x4d: {  	_ =	shalt  }
0x4e: {  	_ =	shalt  }
0x4f: {  	_ =	shalt  }
0x50: {  	_ =	shalt  }
0x51: {  	_ =	shalt  }
0x52: {  	_ =	shalt  }
0x53: {  	_ =	shalt  }
0x54: {  	_ =	shalt  }
0x55: {  	_ =	shalt  }
0x56: {  	_ =	shalt  }
0x57: {  	_ =	shalt  }
0x58: {  	_ =	shalt  }
0x59: {  	_ =	shalt  }
0x5a: {  	_ =	shalt  }
0x5b: {  	_ =	shalt  }
0x5c: {  	_ =	shalt  }
0x5d: {  	_ =	shalt  }
0x5e: {  	_ =	shalt  }
0x5f: {  	_ =	shalt  }
0x60: {  	_ =	shalt  }
0x61: {  	_ =	shalt  }
0x62: {  	_ =	shalt  }
0x63: {  	_ =	shalt  }
0x64: {  	_ =	shalt  }
0x65: {  	_ =	shalt  }
0x66: {  	_ =	shalt  }
0x67: {  	_ =	shalt  }
0x68: {  	_ =	shalt  }
0x69: {  	_ =	shalt  }
0x6a: {  	_ =	shalt  }
0x6b: {  	_ =	shalt  }
0x6c: {  	_ =	shalt  }
0x6d: {  	_ =	shalt  }
0x6e: {  	_ =	shalt  }
0x6f: {  	_ =	shalt  }
0x70: {  	_ =	shalt  }
0x71: {  	_ =	shalt  }
0x72: {  	_ =	shalt  }
0x73: {  	_ =	shalt  }
0x74: {  	_ =	shalt  }
0x75: {  	_ =	shalt  }
0x76: {  	_ =	shalt  }
0x77: {  	_ =	shalt  }
0x78: {  	_ =	shalt  }
0x79: {  	_ =	shalt  }
0x7a: {  	_ =	shalt  }
0x7b: {  	_ =	shalt  }
0x7c: {  	_ =	shalt  }
0x7d: {  	_ =	shalt  }
0x7e: {  	_ =	shalt  }
0x7f: {  	_ =	shalt  }
0x80: {  	_ =	shalt  }
0x81: {  	_ =	shalt  }
0x82: {  	_ =	shalt  }
0x83: {  	_ =	shalt  }
0x84: {  	_ =	shalt  }
0x85: {  	_ =	shalt  }
0x86: {  	_ =	shalt  }
0x87: {  	_ =	shalt  }
.Lfunc_end0:
.L_simem_size_0:
called_computation.1_lowered:
.L_overlay_start_0:
0x88: {  	s2 =	sld [smem:$0x3FD9]  }
0x89: {  	s3 =	sld [smem:$0x3FFE];
	_ =	sdelay $0x1  }
0x8a: {  	s1 =	srdreg.scid  }
0x8b: {  	s0 =	sand.u32 $0x1, s1  }
0x8c: {  	s17 =	sshll.u32 s0, $0xA;
	s2 =	sadd.s32 s3, s2  }
0x8d: {  	s2 =	sadd.s32 s2, s17  }
0x8e: {  	[smem:$0x3F6D] =	sst s2  }
0x8f: {  	_ = 	snop  }
0x90: {  	s2 =	sld [smem:$0x3FD0];
	(tm) =	ssettm $0x1  }
0x91: {  	s18 =	sld [smem:$0x3FFB];
	_ =	sdelay $0x3  }
0x92: {  	_ =	strace s18  }
0x93: {  	s3 =	sld [smem:$0x3FFC];
	_ =	sdelay $0x3  }
0x94: {  	_ =	strace s3  }
0x95: {  	s3 =	sld [smem:$0x3FFD];
	_ =	sdelay $0x3  }
0x96: {  	_ =	strace s3  }
0x97: {  	_ =	strace $0x8FFFFFFF  }
0x98: {  	s19 =	sld [smem:$0x3FDB];
	_ =	sdelay $0x1  }
0x99: {  	s4 =	simm.s32 $_scs_section_size  }
0x9a: {  	s5 =	simm.s32 $_size__tile_overlayer_lowered;
	s6 =	simm.s32 $_tile_overlayer_lowered  }
0x9b: {  	s22 =	simm.s32 $0x1BFF;
	s21 =	sshll.u32 s6, $0x1;
	s3 =	sadd.s32 s4, s19  }
0x9c: {  	s7 =	simm.s32 $0x0;
	s20 =	sshll.u32 s5, $0x1;
	s5 =	sadd.s32 s21, s3  }
0x9d: {  	[timem:s7], [sflag:s22] =	dma.local [hbm:s5], s20  }
0x9e: {  	_ =	swait.ge [sflag:s22], s20  }
0x9f: {  	s4 =	ssub.s32 $0x0, s20;
	[sflag:s22] =	ssyncset.done $0x0  }
0xa0: {  	[sflag:s22] =	ssyncadd.s32 s4;
	_ =	sdelay $0x1  }
0xa1: {  	s23 =	simm.s32 $0x1B8B  }
0xa2: {  	_ =	swait.ge [sflag:s23], $0x1  }
0xa3: {  	[sflag:s23] =	ssyncset.done $0x0  }
0xa4: {  	s25 =	simm.s32 $0x1B8E;
	s24 =	sld [smem:$0x3FFE];
	[sflag:s23] =	ssyncadd.s32 $0xFFFFFFFF  }
0xa5: {  	s26 =	simm.s32 $execute0_lowered;
	[smem:$0x3FD2] =	sst s25  }
0xa6: {  	s5 =	sshll.u32 s26, $0x1;
	_ =	strace $0x80000049;
	[dreg:$0x1] =	wrdreg $0xFFFFFFFF  }
0xa7: {  	s28 =	simm.s32 $_size_execute0_lowered;
	s3 =	sadd.s32 s3, s5;
	[dreg:$0x0] =	wrdreg $0x0  }
0xa8: {  	s5 =	sshll.u32 s28, $0x1;
	[dreg:$0x2] =	wrdreg s3  }
0xa9: {  	[dreg:$0x3] =	wrdreg s5  }
0xaa: {  	[dreg:$0x4] =	wrdreg $0xC0  }
0xab: {  	_ =	task [dreg:s7], $0x5FFFF  }
0xac: {  	[dreg:$0x1] =	wrdreg $0xFFFFFFFF  }
0xad: {  	[dreg:$0x0] =	wrdreg $0x60  }
0xae: {  	[dreg:$0x2] =	wrdreg s24  }
0xaf: {  	[dreg:$0x3] =	wrdreg s2  }
0xb0: {  	[dreg:$0x4] =	wrdreg $0x5FE00  }
0xb1: {  	[dreg:$0x5] =	wrdreg $0x9  }
0xb2: {  	_ =	task.clear_ibuf [dreg:s7], $0x6FFFF;
	_ =	strace $0x90000049  }
0xb3: {  	s29 =	simm.s32 $0x9;
	_ =	strace $0x8000004B  }
0xb4: {  	_ =	swait.ge [sflag:s29], $0x1  }
0xb5: {  	[sflag:s29] =	ssyncadd.s32 $0xFFFFFFFF  }
0xb6: {  	_ =	strace $0x9000004B  }
0xb7: {  	_ =	sfence  }
0xb8: {  	s30 =	sld [smem:$0x0];
	_ =	sdelay $0x2  }
0xb9: {  	s31 =	sshll.u32 s1, $0xD;
	s1 =	sshrl.u32 s1, $0x2  }
0xba: {  	s3 =	sand.u32 $0x4000, s31;
	s1 =	sadd.s32 s1, s30  }
0xbb: {  	s0 =	sor.u32 s3, s0;
	s1 =	sshll.u32 s1, $0x11  }
0xbc: {  	s0 =	sor.u32 s1, s0  }
0xbd: {  	s0 =	sadd.s32 $0x8F2B, s0  }
0xbe: {  	[sflag:s0] =	ssyncadd.remote.s32 $0x1  }
0xbf: {  	_ =	sfence.sel $0xFFFF  }
0xc0: {  	[dreg:$0x0] =	wrdreg $0xFFFFFFFF;
	(pc) =	sbr.abs _section_cstart, $3  }
0xc1: {  	[dreg:$0x1] =	wrdreg $0xFFFFFFFF  }
0xc2: {  	_ =	task.clear_ibuf [dreg:s7], $0x2FFFF;
	_ =	strace $0x9FFFFFFF  }
0xc3: {  	(tm) =	ssettm $0x7FFFFFFF  }
tec
execute0_lowered:
.L_overlay_start_1:
0x0: {  	(tag) =	ssettag $0x1  }
0x1: {  	s12 =	rddreg [dreg:$0x0]  }
0x2: {  	s5 =	rddreg [dreg:$0x1]  }
0x3: {  	s1 =	rddreg [dreg:$0x2]  }
0x4: {  	s0 =	rddreg [dreg:$0x3]  }
0x5: {  	s3 =	simm.s32 $0x0;
	s4 =	srdreg.scid;
	s2 =	stileid.u32  }
0x6: {  	s13 =	simm.s32 $0x37C00;
	s15 =	simm.s32 $0x3100;
	s16 =	simm.s32 $0x2  }
0x7: {  	s17 =	simm.s32 $0x80;
	s18 =	simm.s32 $0x100;
	s19 =	simm.s32 $0x1  }
0x8: {  	s20 =	simm.s32 $0x0;
	[smem:$0x7FF] =	sst s3;
	s6 =	sand.u32 $0x1, s4  }
0x9: {  	s29 =	sshll.u32 s2, $0x4;
	s10 =	smul.u32 $0xEA60, s2;
	p0 =	slt.u32 s2, $0x4  }
0xa: {  	s4 =	simm.s32 $0x9D;
	s11 =	smul.u32 $0x3A980, s2;
	_ =	strace $0x8000004A  }
0xb: {  	s7 =	ssub.s32 $0x2, s6;
	s8 =	smul.u32 $0xEA600, s6;
	s14 =	sadd.s32 s29, s12  }
0xc: {  	s4 =	simm.s32 @!p0 $0x9C;
	p0 =	seq.s32 s6, $0x1;
	s9 =	sshrl.u32 s7, $0x1  }
0xd: {  	s31 =	sshrl.u32 s11, $0x2;
	s13 =	simm.s32 @!p0 $0x69000;
	s7 =	ssub.s32 s7, s9  }
0xe: {  	s8 =	sadd.s32 s10, s8;
	s6 =	sadd.s32 s31, s1;
	s12 =	sadd.s32 s13, s12  }
0xf: {  	s13 =	sadd.s32 $0x55400, s14;
	s14 =	sadd.s32 $0x5F200, s14;
	s30 =	sshrl.u32 s8, $0x3  }
0x10: {  	s7 =	smax.u32 s7, $0x1;
	s8 =	sadd.s32 $0x2EE0, s6;
	s9 =	sadd.s32 $0x5DC0, s6  }
0x11: {  	v0 =	vimm.f32 $0.0e+00;
	s10 =	sadd.s32 $0x8CA0, s6;
	s11 =	sadd.s32 $0xBB80, s6;
	s5 =	sadd.s32 s5, s30  }
.LBB2_1:
0x12: {  	s21 =	smul.u32 $0xAAAB, s3;
	_ =	sdelay $0x1  }
0x13: {  	s22 =	sshrl.u32 s21, $0x12  }
0x14: {  	s23 =	simm.s32 $0x0;
	s21 =	simm.s32 $0x1;
	s24 =	smul.u32 $0x6, s22  }
.LBB2_2:
0x15: {  	s25 =	smul.u32 $0xAAAB, s21  }
0x16: {  	s26 =	smov.u32 s21;
	s22 =	smul.u32 $0x180, s22;
	p0 =	sne.s32 s21, $0x2ED  }
.Ltmp0:
0x17: {  	s23 =	ssub.s32 s23, s24;
	(pc) =	sbr.rel @p0 .LBB2_2-.Ltmp0, $4  }
0x18: {  	s21 =	sadd.s32 $0x1, s21;
	s23 =	sand.u32 $0xFFFF, s23  }
0x19: {  	s24 =	sshrl.u32 s22, $0x2;
	s28 =	sshll.u32 s23, $0x4;
	s23 =	smov.u32 s26  }
0x1a: {  	s22 =	sshrl.u32 s25, $0x12;
	s25 =	sadd.s32 s28, s24  }
0x1b: {  	s24 =	smul.u32 $0x6, s22;
	[tilespmem:s25+$0x3100] =	vst v0  }
0x1c: {  	_ = 	snop  }
0x1d: {  	s22 =	smul.u32 $0x180, s22;
	s21 =	ssub.s32 s23, s24  }
0x1e: {  	s21 =	sand.u32 $0xFFFF, s21  }
0x1f: {  	s22 =	sshrl.u32 s22, $0x2;
	s21 =	sshll.u32 s21, $0x4  }
0x20: {  	s21 =	sadd.s32 s21, s22  }
0x21: {  	[tilespmem:s21+$0x3100] =	vst v0  }
0x22: {  	[spmem:s6] =	stream.linear.scatter [tilespmem:s15], [sflag:$0x2], $0x2EE0, $0x38;
	[tilespmem:$0x14A40] =	vst v63  }
0x23: {  	_ =	swait.ge [sflag:s16], $0x2EE0  }
0x24: {  	[sflag:s16] =	ssyncset.done $0x0  }
0x25: {  	[sflag:s16] =	ssyncadd.s32 $0xFFFFD120  }
0x26: {  	[spmem:s8] =	stream.linear.scatter [tilespmem:s15], [sflag:$0x2], $0x2EE0, $0x38;
	[tilespmem:$0x14A40] =	vst v63  }
0x27: {  	_ =	swait.ge [sflag:s16], $0x2EE0  }
0x28: {  	[sflag:s16] =	ssyncset.done $0x0  }
0x29: {  	[sflag:s16] =	ssyncadd.s32 $0xFFFFD120  }
0x2a: {  	[spmem:s9] =	stream.linear.scatter [tilespmem:s15], [sflag:$0x2], $0x2EE0, $0x38;
	[tilespmem:$0x14A40] =	vst v63  }
0x2b: {  	_ =	swait.ge [sflag:s16], $0x2EE0  }
0x2c: {  	[sflag:s16] =	ssyncset.done $0x0  }
0x2d: {  	[sflag:s16] =	ssyncadd.s32 $0xFFFFD120  }
0x2e: {  	[spmem:s10] =	stream.linear.scatter [tilespmem:s15], [sflag:$0x2], $0x2EE0, $0x38;
	[tilespmem:$0x14A40] =	vst v63  }
0x2f: {  	_ =	swait.ge [sflag:s16], $0x2EE0  }
0x30: {  	[sflag:s16] =	ssyncset.done $0x0  }
0x31: {  	[sflag:s16] =	ssyncadd.s32 $0xFFFFD120  }
0x32: {  	[spmem:s11] =	stream.linear.scatter [tilespmem:s15], [sflag:$0x2], $0x2EE0, $0x38;
	[tilespmem:$0x14A40] =	vst v63  }
0x33: {  	_ =	swait.ge [sflag:s16], $0x2EE0  }
0x34: {  	[sflag:s16] =	ssyncset.done $0x0  }
0x35: {  	[sflag:s16] =	ssyncadd.s32 $0xFFFFD120  }
0x36: {  	[bflag:$0x0] =	sbarrier.arrive $0xFFFF  }
0x37: {  	[tilespmem:s3], [sflag:$0x2] =	stream.linear.gather [hbm4b:s14+s3], $0x80, $0x38;
	[tilespmem:$0x14A40] =	vst v63  }
0x38: {  	_ =	swait.ge [sflag:s16], $0x80  }
0x39: {  	[sflag:s16] =	ssyncset.done $0x0  }
0x3a: {  	[sflag:s16] =	ssyncadd.s32 $0xFFFFFF80  }
0x3b: {  	[tilespmem:s17], [sflag:$0x2] =	stream.linear.gather [hbm4b:s13+s3], $0x80, $0x38;
	[tilespmem:$0x14A40] =	vst v63  }
0x3c: {  	_ =	swait.ge [sflag:s16], $0x80  }
0x3d: {  	[sflag:s16] =	ssyncset.done $0x0  }
0x3e: {  	[sflag:s16] =	ssyncadd.s32 $0xFFFFFF80  }
0x3f: {  	[tilespmem:s18], [sflag:$0x1] =	stream.indirect.gather [hbm4b:s12+s17], $0x60, s3, s17, $0xb8;
	[tilespmem:$0x14A40] =	vst v63  }
0x40: {  	p0 =	sne.s32 s4, $0x1;
	_ =	swait.ge [sflag:s19], $0x3000  }
.Ltmp1:
0x41: {  	[sflag:s19] =	ssyncset.done $0x0;
	(pc) =	sbr.rel @!p0 .LBB2_5-.Ltmp1, $4  }
0x42: {  	[sflag:s19] =	ssyncadd.s32 $0xFFFFD000  }
0x43: {  	[spmem:s1] =	stream.indirect.scatter.add.f32 [tilespmem:s18], [sflag:$0x2], $0x60, s17, s17, $0xb8;
	[tilespmem:$0x14A40] =	vst v63  }
0x44: {  	s23 =	smov.u32 s14;
	_ =	swait.ge [sflag:s16], $0x3000  }
0x45: {  	s22 =	smov.u32 s13;
	s21 =	sadd.s32 $0xFFFFFFFF, s4;
	[sflag:s16] =	ssyncset.done $0x0  }
.LBB2_4:
0x46: {  	[sflag:s16] =	ssyncadd.s32 $0xFFFFD000;
	s22 =	sadd.s32 $0x100, s22;
	s23 =	sadd.s32 $0x100, s23  }
0x47: {  	[tilespmem:s3], [sflag:$0x2] =	stream.linear.gather [hbm4b:s23+s3], $0x80, $0x38;
	[tilespmem:$0x14A40] =	vst v63  }
0x48: {  	p0 =	sne.s32 s21, $0x1;
	s21 =	sadd.s32 $0xFFFFFFFF, s21;
	_ =	swait.ge [sflag:s16], $0x80  }
0x49: {  	[sflag:s16] =	ssyncset.done $0x0  }
0x4a: {  	[sflag:s16] =	ssyncadd.s32 $0xFFFFFF80  }
0x4b: {  	[tilespmem:s17], [sflag:$0x2] =	stream.linear.gather [hbm4b:s22+s3], $0x80, $0x38;
	[tilespmem:$0x14A40] =	vst v63  }
0x4c: {  	_ =	swait.ge [sflag:s16], $0x80  }
0x4d: {  	[sflag:s16] =	ssyncset.done $0x0  }
0x4e: {  	[sflag:s16] =	ssyncadd.s32 $0xFFFFFF80  }
0x4f: {  	[tilespmem:s18], [sflag:$0x1] =	stream.indirect.gather [hbm4b:s12+s17], $0x60, s3, s17, $0xb8;
	[tilespmem:$0x14A40] =	vst v63  }
0x50: {  	_ =	swait.ge [sflag:s19], $0x3000  }
.Ltmp2:
0x51: {  	[sflag:s19] =	ssyncset.done $0x0;
	(pc) =	sbr.rel @p0 .LBB2_4-.Ltmp2, $4  }
0x52: {  	[sflag:s19] =	ssyncadd.s32 $0xFFFFD000  }
0x53: {  	[spmem:s1] =	stream.indirect.scatter.add.f32 [tilespmem:s18], [sflag:$0x2], $0x60, s17, s17, $0xb8;
	[tilespmem:$0x14A40] =	vst v63  }
0x54: {  	_ =	swait.ge [sflag:s16], $0x3000  }
0x55: {  	[sflag:s16] =	ssyncset.done $0x0  }
.LBB2_5:
0x56: {  	[sflag:s16] =	ssyncadd.s32 $0xFFFFD000;
	s20 =	sadd.s32 $0x1, s20  }
0x57: {  	s21 =	sshll.u32 s2, $0x6;
	s22 =	sshrl.u32 s6, $0x3;
	p0 =	sne.s32 s20, s7  }
.Ltmp3:
0x58: {  	[bflag:$0x0] =	sbarrier.arrive $0xFFFF;
	s21 =	sor.u32 $0x1C02, s21;
	(pc) =	sbr.rel @p0 .LBB2_1-.Ltmp3, $4  }
0x59: {  	[hbm:s5], [sflag:s21] =	dma.local [spmem:s22], $0x1D4C  }
0x5a: {  	_ =	swait.ge [sflag:s16], $0x1D4C  }
0x5b: {  	[sflag:s16] =	ssyncset.done $0x0  }
0x5c: {  	[sflag:s16] =	ssyncadd.s32 $0xFFFFE2B4  }
0x5d: {  	_ =	sfence.sel $0x180000  }
0x5e: {  	[bflag:$0x0] =	sbarrier.arrive $0xFFFF  }
0x5f: {  	p0 =	sne.s32 s2, $0x0;
	_ =	strace $0x9000004A  }
0x60: {  	s0 =	sadd.s32 @!p0 $0x100000, s0;
	[bflag:$0x2] =	sbarrier.arrive $0xFFFF  }
0x61: {  	[sflag:s0] =	ssyncadd.tile.s32 @!p0 $0x1;
	_ =	shalt  }
.Lfunc_end2:
_tile_overlayer_lowered:
.L_overlay_start_2:
0x62: {  	(tag) =	ssettag $0x2  }
0x63: {  	s0 =	rddreg [dreg:$0x0];
	s2 =	stileid.u32  }
0x64: {  	s1 =	rddreg [dreg:$0x1];
	p0 =	sne.s32 s2, $0x0  }
0x65: {  	s3 =	rddreg [dreg:$0x2];
	[bflag:$0x3] =	sbarrier.arrive $0xFFFF;
	s2 =	simm.s32 @!p0 $0x1C02  }
0x66: {  	[timem:s3], [sflag:s2] =	dma.local @!p0 [hbm:s0], s1  }
0x67: {  	s0 =	simm.s32 @!p0 $0x2  }
0x68: {  	_ =	swait.ge @!p0 [sflag:s0], s1  }
0x69: {  	s1 =	ssub.s32 @!p0 $0x0, s1;
	[sflag:s0] =	ssyncset.done @!p0 $0x0  }
0x6a: {  	[sflag:s0] =	ssyncadd.s32 @!p0 s1  }
0x6b: {  	[bflag:$0x3] =	sbarrier.arrive $0xFFFF  }
0x6c: {  	_ =	shalt  }

// kernel: kernel.24.cloned.1.call-start
scs
__scs_entry_jumppad:
0x0: {  	(pc) =	sbr.rel $0x88, $3  }
0x1: {  	(tag) =	ssettag $0x0;
	lr =	simm.s32 $0x1  }
0x2: {  	[smem:$0x3F46] =	sst lr;
	_ =	strace $0xD0000000  }
0x3: {  	_ = 	snop  }
0x4: {  	_ = 	snop  }
0x5: {  	_ = 	snop  }
0x6: {  	_ = 	snop  }
0x7: {  	_ = 	snop  }
__scs_overlays_trampoline_lowered:
0x8: {  	[smem:$0x3F55] =	sst s0  }
0x9: {  	[smem:$0x3F56] =	sst s1  }
0xa: {  	[smem:$0x3F57] =	sst s2  }
0xb: {  	[smem:$0x3F58] =	sst s3  }
0xc: {  	[smem:$0x3F59] =	sst s4  }
0xd: {  	[smem:$0x3F5A] =	sst s5  }
0xe: {  	[smem:$0x3F5B] =	sst s6  }
0xf: {  	[smem:$0x3F5C] =	sst s7  }
0x10: {  	[smem:$0x3F5D] =	sst s8  }
0x11: {  	[smem:$0x3F5E] =	sst s9;
	s0 =	simm.s32 @!p0 $0x0  }
0x12: {  	s1 =	sld [smem:$0x3F44];
	s0 =	simm.s32 @p0 $0x1  }
0x13: {  	[smem:$0x3F5F] =	sst s0;
	s0 =	simm.s32 @!p1 $0x0  }
0x14: {  	s2 =	sld [smem:$0x3F43];
	s0 =	simm.s32 @p1 $0x1  }
0x15: {  	[smem:$0x3F60] =	sst s0;
	s0 =	simm.s32 @!p2 $0x0  }
0x16: {  	s3 =	sld [smem:$0x3FDB];
	s0 =	simm.s32 @p2 $0x1  }
0x17: {  	s4 =	simm.s32 $0x1BF5;
	[smem:$0x3F62] =	sst s0  }
0x18: {  	s0 =	sld [smem:$0x3F45];
	_ =	swait.ge [sflag:s4], $0x0  }
0x19: {  	s7 =	sld [smem:$0x3F46]  }
0x1a: {  	s8 =	sadd.s32 $0xFFFFE003, lr  }
0x1b: {  	s9 =	sadd.s32 $0xFFFFFEF7, lr;
	s5 =	simm.s32 $0xFFFFFFFF;
	p2 =	slt.u32 s8, $0xFFFFF086  }
0x1c: {  	p1 =	slt.u32 s9, $0xF7A;
	s5 =	simm.s32 @!p2 $0x0  }
0x1d: {  	s5 =	simm.s32 @p1 $0x1;
	p0 =	seq.s32 s7, s2  }
0x1e: {  	s7 =	smul.u32 @!p0 $0xF7A, s2;
	p2 =	seq.s32 @!p0 s5, $0x0  }
0x1f: {  	s9 =	smul.u32 $0xF7A, s1;
	s8 =	simm.s32 @!p0 $0x1BF5;
	p2 =	por !p2, p0  }
0x20: {  	[sflag:s8] =	ssyncset.s32 @!p0 $0xFFFFF086;
	s6 =	sadd.s32 @!p0 s3, s7;
	s7 =	simm.s32 @!p0 $0x108  }
0x21: {  	s3 =	sadd.s32 s3, s9;
	s6 =	sadd.s32 @!p0 $0x88, s6;
	s7 =	simm.s32 @p2 $0x1082  }
0x22: {  	[simem:s7], [sflag:s8] =	dma.local @!p0 [hbm:s6], $0xF7A  }
0x23: {  	s9 =	sor.u32 $0xD0000000, s2;
	s6 =	simm.s32 $0x108;
	_ =	swait.ge @!p0 [sflag:s8], $0x0  }
0x24: {  	s3 =	sadd.s32 $0x88, s3;
	s6 =	simm.s32 @!p1 $0x1082;
	[sflag:s4] =	ssyncset.s32 $0xFFFFF086  }
0x25: {  	[simem:s6], [sflag:s4] =	dma.local [hbm:s3], $0xF7A  }
0x26: {  	[smem:$0x3F46] =	sst s1;
	(tag) =	ssettag s2;
	_ =	strace s9  }
0x27: {  	s1 =	sld [smem:$0x3F56]  }
0x28: {  	s2 =	sld [smem:$0x3F57]  }
0x29: {  	s4 =	sld [smem:$0x3F59]  }
0x2a: {  	p0 =	seq.s32 s5, $0x0;
	s5 =	sld [smem:$0x3F5A]  }
0x2b: {  	s6 =	sld [smem:$0x3F5B]  }
0x2c: {  	s7 =	sld [smem:$0x3F5C]  }
0x2d: {  	s3 =	simm.s32 $0x108;
	s8 =	sld [smem:$0x3F5D]  }
0x2e: {  	s3 =	simm.s32 @!p0 $0x1082;
	s9 =	sld [smem:$0x3F5E]  }
0x2f: {  	lr =	sadd.s32 s0, s3;
	s0 =	sld [smem:$0x3F55]  }
0x30: {  	s3 =	sld [smem:$0x3F58]  }
0x31: {  	[smem:$0x3F61] =	sst s10  }
0x32: {  	s10 =	sld [smem:$0x3F5F];
	_ =	sdelay $0x3  }
0x33: {  	p0 =	seq.s32 s10, $0x1;
	s10 =	sld [smem:$0x3F61];
	_ =	sdelay $0x3  }
0x34: {  	[smem:$0x3F61] =	sst s10  }
0x35: {  	s10 =	sld [smem:$0x3F60];
	_ =	sdelay $0x3  }
0x36: {  	p1 =	seq.s32 s10, $0x1;
	s10 =	sld [smem:$0x3F61];
	_ =	sdelay $0x3  }
0x37: {  	[smem:$0x3F61] =	sst s10  }
0x38: {  	s10 =	sld [smem:$0x3F62]  }
0x39: {  	_ = 	snop;
	(pc) =	sbr.ind lr, $3  }
0x3a: {  	_ = 	snop  }
0x3b: {  	_ = 	snop  }
0x3c: {  	p2 =	seq.s32 s10, $0x1;
	s10 =	sld [smem:$0x3F61]  }
0x3d: {  	_ =	shalt  }
0x3e: {  	_ =	shalt  }
0x3f: {  	_ =	shalt  }
0x40: {  	_ =	shalt  }
0x41: {  	_ =	shalt  }
0x42: {  	_ =	shalt  }
0x43: {  	_ =	shalt  }
0x44: {  	_ =	shalt  }
0x45: {  	_ =	shalt  }
0x46: {  	_ =	shalt  }
0x47: {  	_ =	shalt  }
0x48: {  	_ =	shalt  }
0x49: {  	_ =	shalt  }
0x4a: {  	_ =	shalt  }
0x4b: {  	_ =	shalt  }
0x4c: {  	_ =	shalt  }
0x4d: {  	_ =	shalt  }
0x4e: {  	_ =	shalt  }
0x4f: {  	_ =	shalt  }
0x50: {  	_ =	shalt  }
0x51: {  	_ =	shalt  }
0x52: {  	_ =	shalt  }
0x53: {  	_ =	shalt  }
0x54: {  	_ =	shalt  }
0x55: {  	_ =	shalt  }
0x56: {  	_ =	shalt  }
0x57: {  	_ =	shalt  }
0x58: {  	_ =	shalt  }
0x59: {  	_ =	shalt  }
0x5a: {  	_ =	shalt  }
0x5b: {  	_ =	shalt  }
0x5c: {  	_ =	shalt  }
0x5d: {  	_ =	shalt  }
0x5e: {  	_ =	shalt  }
0x5f: {  	_ =	shalt  }
0x60: {  	_ =	shalt  }
0x61: {  	_ =	shalt  }
0x62: {  	_ =	shalt  }
0x63: {  	_ =	shalt  }
0x64: {  	_ =	shalt  }
0x65: {  	_ =	shalt  }
0x66: {  	_ =	shalt  }
0x67: {  	_ =	shalt  }
0x68: {  	_ =	shalt  }
0x69: {  	_ =	shalt  }
0x6a: {  	_ =	shalt  }
0x6b: {  	_ =	shalt  }
0x6c: {  	_ =	shalt  }
0x6d: {  	_ =	shalt  }
0x6e: {  	_ =	shalt  }
0x6f: {  	_ =	shalt  }
0x70: {  	_ =	shalt  }
0x71: {  	_ =	shalt  }
0x72: {  	_ =	shalt  }
0x73: {  	_ =	shalt  }
0x74: {  	_ =	shalt  }
0x75: {  	_ =	shalt  }
0x76: {  	_ =	shalt  }
0x77: {  	_ =	shalt  }
0x78: {  	_ =	shalt  }
0x79: {  	_ =	shalt  }
0x7a: {  	_ =	shalt  }
0x7b: {  	_ =	shalt  }
0x7c: {  	_ =	shalt  }
0x7d: {  	_ =	shalt  }
0x7e: {  	_ =	shalt  }
0x7f: {  	_ =	shalt  }
0x80: {  	_ =	shalt  }
0x81: {  	_ =	shalt  }
0x82: {  	_ =	shalt  }
0x83: {  	_ =	shalt  }
0x84: {  	_ =	shalt  }
0x85: {  	_ =	shalt  }
0x86: {  	_ =	shalt  }
0x87: {  	_ =	shalt  }
.Lfunc_end0:
.L_simem_size_0:
called_computation.2_lowered:
.L_overlay_start_0:
0x88: {  	s2 =	sld [smem:$0x3FD9]  }
0x89: {  	s3 =	sld [smem:$0x3FFE];
	_ =	sdelay $0x1  }
0x8a: {  	s1 =	srdreg.scid  }
0x8b: {  	s0 =	sand.u32 $0x1, s1  }
0x8c: {  	s17 =	sshll.u32 s0, $0xA;
	s2 =	sadd.s32 s3, s2  }
0x8d: {  	s2 =	sadd.s32 s2, s17  }
0x8e: {  	[smem:$0x3F6D] =	sst s2  }
0x8f: {  	_ = 	snop  }
0x90: {  	s18 =	sld [smem:$0x3FD0];
	(tm) =	ssettm $0x1  }
0x91: {  	s19 =	sld [smem:$0x3FFB];
	_ =	sdelay $0x3  }
0x92: {  	_ =	strace s19  }
0x93: {  	s2 =	sld [smem:$0x3FFC];
	_ =	sdelay $0x3  }
0x94: {  	_ =	strace s2  }
0x95: {  	s2 =	sld [smem:$0x3FFD];
	_ =	sdelay $0x3  }
0x96: {  	_ =	strace s2  }
0x97: {  	_ =	strace $0x8FFFFFFF  }
0x98: {  	s20 =	sld [smem:$0x3FDB];
	_ =	sdelay $0x1  }
0x99: {  	s4 =	simm.s32 $_scs_section_size  }
0x9a: {  	s5 =	simm.s32 $_size__tile_overlayer_lowered;
	s6 =	simm.s32 $_tile_overlayer_lowered  }
0x9b: {  	s7 =	simm.s32 $0x1BFF;
	s21 =	sshll.u32 s6, $0x1;
	s4 =	sadd.s32 s4, s20  }
0x9c: {  	s22 =	simm.s32 $0x0;
	s5 =	sshll.u32 s5, $0x1;
	s6 =	sadd.s32 s21, s4  }
0x9d: {  	[timem:s22], [sflag:s7] =	dma.local [hbm:s6], s5  }
0x9e: {  	_ =	swait.ge [sflag:s7], s5  }
0x9f: {  	s5 =	ssub.s32 $0x0, s5;
	[sflag:s7] =	ssyncset.done $0x0  }
0xa0: {  	[sflag:s7] =	ssyncadd.s32 s5;
	_ =	sdelay $0x1  }
0xa1: {  	s23 =	simm.s32 $0x1B8B  }
0xa2: {  	_ =	swait.ge [sflag:s23], $0x1  }
0xa3: {  	[sflag:s23] =	ssyncset.done $0x0  }
0xa4: {  	[sflag:s23] =	ssyncadd.s32 $0xFFFFFFFF  }
0xa5: {  	s5 =	sld [smem:$0x0]  }
0xa6: {  	s6 =	sand.u32 $0xFFFFFFFE, s1  }
0xa7: {  	p0 =	sne.s32 s1, s6  }
0xa8: {  	s6 =	sshll.u32 @p0 s6, $0xE  }
0xa9: {  	s6 =	sadd.s32 @p0 $0x11B8D, s6;
	s7 =	sshll.u32 @p0 s5, $0x11  }
0xaa: {  	s6 =	sor.u32 @p0 s7, s6  }
0xab: {  	[sflag:s6] =	ssyncadd.remote.s32 @p0 $0x1;
	_ =	sdelay $0x1  }
0xac: {  	s6 =	simm.s32 @p0 $0x1B8D  }
0xad: {  	_ =	swait.eq @p0 [sflag:s6], $0x1  }
0xae: {  	[sflag:s6] =	ssyncadd.s32 @p0 $0xFFFFFFFF  }
0xaf: {  	s7 =	sshll.u32 @!p0 s1, $0xE  }
0xb0: {  	s7 =	sor.u32 @!p0 $0x4000, s7;
	s6 =	simm.s32 @!p0 $0x1B8D  }
0xb1: {  	s5 =	sshll.u32 @!p0 s5, $0x11;
	s7 =	sadd.s32 @!p0 $0x11B8D, s7;
	_ =	swait.eq @!p0 [sflag:s6], $0x1  }
0xb2: {  	s5 =	sor.u32 @!p0 s5, s7;
	[sflag:s6] =	ssyncadd.s32 @!p0 $0xFFFFFFFF  }
0xb3: {  	s25 =	simm.s32 $0x1B8E;
	s24 =	sld [smem:$0x3FFE];
	[sflag:s5] =	ssyncadd.remote.s32 @!p0 $0x1  }
0xb4: {  	s26 =	simm.s32 $execute0_lowered;
	[smem:$0x3FD2] =	sst s25  }
0xb5: {  	s6 =	sshll.u32 s26, $0x1;
	_ =	strace $0x8000004F;
	[dreg:$0x1] =	wrdreg $0xFFFFFFFF  }
0xb6: {  	s28 =	simm.s32 $_size_execute0_lowered;
	s4 =	sadd.s32 s4, s6;
	[dreg:$0x0] =	wrdreg $0x0  }
0xb7: {  	s6 =	sshll.u32 s28, $0x1;
	[dreg:$0x2] =	wrdreg s4  }
0xb8: {  	[dreg:$0x3] =	wrdreg s6  }
0xb9: {  	[dreg:$0x4] =	wrdreg $0xC0  }
0xba: {  	_ =	task [dreg:s22], $0x5FFFF  }
0xbb: {  	[dreg:$0x1] =	wrdreg $0xFFFFFFFF  }
0xbc: {  	[dreg:$0x0] =	wrdreg $0x60  }
0xbd: {  	[dreg:$0x2] =	wrdreg s24  }
0xbe: {  	[dreg:$0x3] =	wrdreg s18  }
0xbf: {  	[dreg:$0x4] =	wrdreg $0x5FE00  }
0xc0: {  	[dreg:$0x5] =	wrdreg $0x9  }
0xc1: {  	_ =	task.clear_ibuf [dreg:s22], $0x6FFFF;
	_ =	strace $0x9000004F  }
0xc2: {  	s29 =	simm.s32 $0x9;
	_ =	strace $0x80000051  }
0xc3: {  	_ =	swait.ge [sflag:s29], $0x1  }
0xc4: {  	[sflag:s29] =	ssyncadd.s32 $0xFFFFFFFF  }
0xc5: {  	_ =	strace $0x90000051  }
0xc6: {  	_ =	sfence  }
0xc7: {  	s30 =	sld [smem:$0x0];
	_ =	sdelay $0x2  }
0xc8: {  	s31 =	sshll.u32 s1, $0xD;
	s1 =	sshrl.u32 s1, $0x2  }
0xc9: {  	s4 =	sand.u32 $0x4000, s31;
	s1 =	sadd.s32 s1, s30  }
0xca: {  	s0 =	sor.u32 s4, s0;
	s1 =	sshll.u32 s1, $0x11  }
0xcb: {  	s0 =	sor.u32 s1, s0  }
0xcc: {  	s0 =	sadd.s32 $0x8F2B, s0  }
0xcd: {  	[sflag:s0] =	ssyncadd.remote.s32 $0x1  }
0xce: {  	_ =	sfence.sel $0xFFFF  }
0xcf: {  	[dreg:$0x0] =	wrdreg $0xFFFFFFFF;
	(pc) =	sbr.abs _section_cstart, $3  }
0xd0: {  	[dreg:$0x1] =	wrdreg $0xFFFFFFFF  }
0xd1: {  	_ =	task.clear_ibuf [dreg:s22], $0x2FFFF;
	_ =	strace $0x9FFFFFFF  }
0xd2: {  	(tm) =	ssettm $0x7FFFFFFF  }
0xd3: {  	_ =	shalt  }
tec
execute0_lowered:
.L_overlay_start_1:
0x0: {  	(tag) =	ssettag $0x1  }
0x1: {  	s12 =	rddreg [dreg:$0x0]  }
0x2: {  	s5 =	rddreg [dreg:$0x1]  }
0x3: {  	s1 =	rddreg [dreg:$0x2]  }
0x4: {  	s0 =	rddreg [dreg:$0x3]  }
0x5: {  	s3 =	simm.s32 $0x0;
	s4 =	srdreg.scid;
	s2 =	stileid.u32  }
0x6: {  	s13 =	simm.s32 $0x105400;
	s15 =	simm.s32 $0x3100;
	s16 =	simm.s32 $0x2  }
0x7: {  	s17 =	simm.s32 $0x80;
	s18 =	simm.s32 $0x100;
	s19 =	simm.s32 $0x1  }
0x8: {  	s20 =	simm.s32 $0x0;
	[smem:$0x7FF] =	sst s3;
	s6 =	sand.u32 $0x1, s4  }
0x9: {  	s29 =	sshll.u32 s2, $0x4;
	s10 =	smul.u32 $0xEA60, s2;
	p0 =	slt.u32 s2, $0x4  }
0xa: {  	s4 =	simm.s32 $0x9D;
	s11 =	smul.u32 $0x3A980, s2;
	_ =	strace $0x80000050  }
0xb: {  	s7 =	ssub.s32 $0x2, s6;
	s8 =	smul.u32 $0xEA600, s6;
	s14 =	sadd.s32 s29, s12  }
0xc: {  	s4 =	simm.s32 @!p0 $0x9C;
	p0 =	seq.s32 s6, $0x1;
	s9 =	sshrl.u32 s7, $0x1  }
0xd: {  	s31 =	sshrl.u32 s11, $0x2;
	s13 =	simm.s32 @!p0 $0x122A00;
	s7 =	ssub.s32 s7, s9  }
0xe: {  	s8 =	sadd.s32 s10, s8;
	s6 =	sadd.s32 s31, s1;
	s12 =	sadd.s32 s13, s12  }
0xf: {  	s13 =	sadd.s32 $0x55400, s14;
	s14 =	sadd.s32 $0x5F200, s14;
	s30 =	sshrl.u32 s8, $0x3  }
0x10: {  	s7 =	smax.u32 s7, $0x1;
	s8 =	sadd.s32 $0x2EE0, s6;
	s9 =	sadd.s32 $0x5DC0, s6  }
0x11: {  	v0 =	vimm.f32 $0.0e+00;
	s10 =	sadd.s32 $0x8CA0, s6;
	s11 =	sadd.s32 $0xBB80, s6;
	s5 =	sadd.s32 s5, s30  }
.LBB2_1:
0x12: {  	s21 =	smul.u32 $0xAAAB, s3;
	_ =	sdelay $0x1  }
0x13: {  	s22 =	sshrl.u32 s21, $0x12  }
0x14: {  	s23 =	simm.s32 $0x0;
	s21 =	simm.s32 $0x1;
	s24 =	smul.u32 $0x6, s22  }
.LBB2_2:
0x15: {  	s25 =	smul.u32 $0xAAAB, s21  }
0x16: {  	s26 =	smov.u32 s21;
	s22 =	smul.u32 $0x180, s22;
	p0 =	sne.s32 s21, $0x2ED  }
.Ltmp0:
0x17: {  	s23 =	ssub.s32 s23, s24;
	(pc) =	sbr.rel @p0 .LBB2_2-.Ltmp0, $4  }
0x18: {  	s21 =	sadd.s32 $0x1, s21;
	s23 =	sand.u32 $0xFFFF, s23  }
0x19: {  	s24 =	sshrl.u32 s22, $0x2;
	s28 =	sshll.u32 s23, $0x4;
	s23 =	smov.u32 s26  }
0x1a: {  	s22 =	sshrl.u32 s25, $0x12;
	s25 =	sadd.s32 s28, s24  }
0x1b: {  	s24 =	smul.u32 $0x6, s22;
	[tilespmem:s25+$0x3100] =	vst v0  }
0x1c: {  	_ = 	snop  }
0x1d: {  	s22 =	smul.u32 $0x180, s22;
	s21 =	ssub.s32 s23, s24  }
0x1e: {  	s21 =	sand.u32 $0xFFFF, s21  }
0x1f: {  	s22 =	sshrl.u32 s22, $0x2;
	s21 =	sshll.u32 s21, $0x4  }
0x20: {  	s21 =	sadd.s32 s21, s22  }
0x21: {  	[tilespmem:s21+$0x3100] =	vst v0  }
0x22: {  	[spmem:s6] =	stream.linear.scatter [tilespmem:s15], [sflag:$0x2], $0x2EE0, $0x38;
	[tilespmem:$0x14A40] =	vst v63  }
0x23: {  	_ =	swait.ge [sflag:s16], $0x2EE0  }
0x24: {  	[sflag:s16] =	ssyncset.done $0x0  }
0x25: {  	[sflag:s16] =	ssyncadd.s32 $0xFFFFD120  }
0x26: {  	[spmem:s8] =	stream.linear.scatter [tilespmem:s15], [sflag:$0x2], $0x2EE0, $0x38;
	[tilespmem:$0x14A40] =	vst v63  }
0x27: {  	_ =	swait.ge [sflag:s16], $0x2EE0  }
0x28: {  	[sflag:s16] =	ssyncset.done $0x0  }
0x29: {  	[sflag:s16] =	ssyncadd.s32 $0xFFFFD120  }
0x2a: {  	[spmem:s9] =	stream.linear.scatter [tilespmem:s15], [sflag:$0x2], $0x2EE0, $0x38;
	[tilespmem:$0x14A40] =	vst v63  }
0x2b: {  	_ =	swait.ge [sflag:s16], $0x2EE0  }
0x2c: {  	[sflag:s16] =	ssyncset.done $0x0  }
0x2d: {  	[sflag:s16] =	ssyncadd.s32 $0xFFFFD120  }
0x2e: {  	[spmem:s10] =	stream.linear.scatter [tilespmem:s15], [sflag:$0x2], $0x2EE0, $0x38;
	[tilespmem:$0x14A40] =	vst v63  }
0x2f: {  	_ =	swait.ge [sflag:s16], $0x2EE0  }
0x30: {  	[sflag:s16] =	ssyncset.done $0x0  }
0x31: {  	[sflag:s16] =	ssyncadd.s32 $0xFFFFD120  }
0x32: {  	[spmem:s11] =	stream.linear.scatter [tilespmem:s15], [sflag:$0x2], $0x2EE0, $0x38;
	[tilespmem:$0x14A40] =	vst v63  }
0x33: {  	_ =	swait.ge [sflag:s16], $0x2EE0  }
0x34: {  	[sflag:s16] =	ssyncset.done $0x0  }
0x35: {  	[sflag:s16] =	ssyncadd.s32 $0xFFFFD120  }
0x36: {  	[bflag:$0x0] =	sbarrier.arrive $0xFFFF  }
0x37: {  	[tilespmem:s3], [sflag:$0x2] =	stream.linear.gather [hbm4b:s14+s3], $0x80, $0x38;
	[tilespmem:$0x14A40] =	vst v63  }
0x38: {  	_ =	swait.ge [sflag:s16], $0x80  }
0x39: {  	[sflag:s16] =	ssyncset.done $0x0  }
0x3a: {  	[sflag:s16] =	ssyncadd.s32 $0xFFFFFF80  }
0x3b: {  	[tilespmem:s17], [sflag:$0x2] =	stream.linear.gather [hbm4b:s13+s3], $0x80, $0x38;
	[tilespmem:$0x14A40] =	vst v63  }
0x3c: {  	_ =	swait.ge [sflag:s16], $0x80  }
0x3d: {  	[sflag:s16] =	ssyncset.done $0x0  }
0x3e: {  	[sflag:s16] =	ssyncadd.s32 $0xFFFFFF80  }
0x3f: {  	[tilespmem:s18], [sflag:$0x1] =	stream.indirect.gather [hbm4b:s12+s17], $0x60, s3, s17, $0xb8;
	[tilespmem:$0x14A40] =	vst v63  }
0x40: {  	p0 =	sne.s32 s4, $0x1;
	_ =	swait.ge [sflag:s19], $0x3000  }
.Ltmp1:
0x41: {  	[sflag:s19] =	ssyncset.done $0x0;
	(pc) =	sbr.rel @!p0 .LBB2_5-.Ltmp1, $4  }
0x42: {  	[sflag:s19] =	ssyncadd.s32 $0xFFFFD000  }
0x43: {  	[spmem:s1] =	stream.indirect.scatter.add.f32 [tilespmem:s18], [sflag:$0x2], $0x60, s17, s17, $0xb8;
	[tilespmem:$0x14A40] =	vst v63  }
0x44: {  	s23 =	smov.u32 s14;
	_ =	swait.ge [sflag:s16], $0x3000  }
0x45: {  	s22 =	smov.u32 s13;
	s21 =	sadd.s32 $0xFFFFFFFF, s4;
	[sflag:s16] =	ssyncset.done $0x0  }
.LBB2_4:
0x46: {  	[sflag:s16] =	ssyncadd.s32 $0xFFFFD000;
	s22 =	sadd.s32 $0x100, s22;
	s23 =	sadd.s32 $0x100, s23  }
0x47: {  	[tilespmem:s3], [sflag:$0x2] =	stream.linear.gather [hbm4b:s23+s3], $0x80, $0x38;
	[tilespmem:$0x14A40] =	vst v63  }
0x48: {  	p0 =	sne.s32 s21, $0x1;
	s21 =	sadd.s32 $0xFFFFFFFF, s21;
	_ =	swait.ge [sflag:s16], $0x80  }
0x49: {  	[sflag:s16] =	ssyncset.done $0x0  }
0x4a: {  	[sflag:s16] =	ssyncadd.s32 $0xFFFFFF80  }
0x4b: {  	[tilespmem:s17], [sflag:$0x2] =	stream.linear.gather [hbm4b:s22+s3], $0x80, $0x38;
	[tilespmem:$0x14A40] =	vst v63  }
0x4c: {  	_ =	swait.ge [sflag:s16], $0x80  }
0x4d: {  	[sflag:s16] =	ssyncset.done $0x0  }
0x4e: {  	[sflag:s16] =	ssyncadd.s32 $0xFFFFFF80  }
0x4f: {  	[tilespmem:s18], [sflag:$0x1] =	stream.indirect.gather [hbm4b:s12+s17], $0x60, s3, s17, $0xb8;
	[tilespmem:$0x14A40] =	vst v63  }
0x50: {  	_ =	swait.ge [sflag:s19], $0x3000  }
.Ltmp2:
0x51: {  	[sflag:s19] =	ssyncset.done $0x0;
	(pc) =	sbr.rel @p0 .LBB2_4-.Ltmp2, $4  }
0x52: {  	[sflag:s19] =	ssyncadd.s32 $0xFFFFD000  }
0x53: {  	[spmem:s1] =	stream.indirect.scatter.add.f32 [tilespmem:s18], [sflag:$0x2], $0x60, s17, s17, $0xb8;
	[tilespmem:$0x14A40] =	vst v63  }
0x54: {  	_ =	swait.ge [sflag:s16], $0x3000  }
0x55: {  	[sflag:s16] =	ssyncset.done $0x0  }
.LBB2_5:
0x56: {  	[sflag:s16] =	ssyncadd.s32 $0xFFFFD000;
	s20 =	sadd.s32 $0x1, s20  }
0x57: {  	s21 =	sshll.u32 s2, $0x6;
	s22 =	sshrl.u32 s6, $0x3;
	p0 =	sne.s32 s20, s7  }
.Ltmp3:
0x58: {  	[bflag:$0x0] =	sbarrier.arrive $0xFFFF;
	s21 =	sor.u32 $0x1C02, s21;
	(pc) =	sbr.rel @p0 .LBB2_1-.Ltmp3, $4  }
0x59: {  	[hbm:s5], [sflag:s21] =	dma.local [spmem:s22], $0x1D4C  }
0x5a: {  	_ =	swait.ge [sflag:s16], $0x1D4C  }
0x5b: {  	[sflag:s16] =	ssyncset.done $0x0  }
0x5c: {  	[sflag:s16] =	ssyncadd.s32 $0xFFFFE2B4  }
0x5d: {  	_ =	sfence.sel $0x180000  }
0x5e: {  	[bflag:$0x0] =	sbarrier.arrive $0xFFFF  }
0x5f: {  	p0 =	sne.s32 s2, $0x0;
	_ =	strace $0x90000050  }
0x60: {  	s0 =	sadd.s32 @!p0 $0x100000, s0;
	[bflag:$0x2] =	sbarrier.arrive $0xFFFF  }
0x61: {  	[sflag:s0] =	ssyncadd.tile.s32 @!p0 $0x1;
	_ =	shalt  }
.Lfunc_end2:
_tile_overlayer_lowered:
.L_overlay_start_2:
0x62: {  	(tag) =	ssettag $0x2  }
0x63: {  	s0 =	rddreg [dreg:$0x0];
	s2 =	stileid.u32  }
0x64: {  	s1 =	rddreg [dreg:$0x1];
	p0 =	sne.s32 s2, $0x0  }
0x65: {  	s3 =	rddreg [dreg:$0x2];
	[bflag:$0x3] =	sbarrier.arrive $0xFFFF;
	s2 =	simm.s32 @!p0 $0x1C02  }
0x66: {  	[timem:s3], [sflag:s2] =	dma.local @!p0 [hbm:s0], s1  }
0x67: {  	s0 =	simm.s32 @!p0 $0x2  }
0x68: {  	_ =	swait.ge @!p0 [sflag:s0], s1  }
0x69: {  	s1 =	ssub.s32 @!p0 $0x0, s1;
	[sflag:s0] =	ssyncset.done @!p0 $0x0  }
0x6a: {  	[sflag:s0] =	ssyncadd.s32 @!p0 s1  }
0x6b: {  	[bflag:$0x3] =	sbarrier.arrive $0xFFFF  }
0x6c: {  	_ =	shalt  }

// kernel: kernel.27.cloned.1.call-start
scs
__scs_entry_jumppad:
0x0: {  	(pc) =	sbr.rel $0x88, $3  }
0x1: {  	(tag) =	ssettag $0x0;
	lr =	simm.s32 $0x1  }
0x2: {  	[smem:$0x3F46] =	sst lr;
	_ =	strace $0xD0000000  }
0x3: {  	_ = 	snop  }
0x4: {  	_ = 	snop  }
0x5: {  	_ = 	snop  }
0x6: {  	_ = 	snop  }
0x7: {  	_ = 	snop  }
__scs_overlays_trampoline_lowered:
0x8: {  	[smem:$0x3F55] =	sst s0  }
0x9: {  	[smem:$0x3F56] =	sst s1  }
0xa: {  	[smem:$0x3F57] =	sst s2  }
0xb: {  	[smem:$0x3F58] =	sst s3  }
0xc: {  	[smem:$0x3F59] =	sst s4  }
0xd: {  	[smem:$0x3F5A] =	sst s5  }
0xe: {  	[smem:$0x3F5B] =	sst s6  }
0xf: {  	[smem:$0x3F5C] =	sst s7  }
0x10: {  	[smem:$0x3F5D] =	sst s8  }
0x11: {  	[smem:$0x3F5E] =	sst s9;
	s0 =	simm.s32 @!p0 $0x0  }
0x12: {  	s1 =	sld [smem:$0x3F44];
	s0 =	simm.s32 @p0 $0x1  }
0x13: {  	[smem:$0x3F5F] =	sst s0;
	s0 =	simm.s32 @!p1 $0x0  }
0x14: {  	s2 =	sld [smem:$0x3F43];
	s0 =	simm.s32 @p1 $0x1  }
0x15: {  	[smem:$0x3F60] =	sst s0;
	s0 =	simm.s32 @!p2 $0x0  }
0x16: {  	s3 =	sld [smem:$0x3FDB];
	s0 =	simm.s32 @p2 $0x1  }
0x17: {  	s4 =	simm.s32 $0x1BF5;
	[smem:$0x3F62] =	sst s0  }
0x18: {  	s0 =	sld [smem:$0x3F45];
	_ =	swait.ge [sflag:s4], $0x0  }
0x19: {  	s7 =	sld [smem:$0x3F46]  }
0x1a: {  	s8 =	sadd.s32 $0xFFFFE003, lr  }
0x1b: {  	s9 =	sadd.s32 $0xFFFFFEF7, lr;
	s5 =	simm.s32 $0xFFFFFFFF;
	p2 =	slt.u32 s8, $0xFFFFF086  }
0x1c: {  	p1 =	slt.u32 s9, $0xF7A;
	s5 =	simm.s32 @!p2 $0x0  }
0x1d: {  	s5 =	simm.s32 @p1 $0x1;
	p0 =	seq.s32 s7, s2  }
0x1e: {  	s7 =	smul.u32 @!p0 $0xF7A, s2;
	p2 =	seq.s32 @!p0 s5, $0x0  }
0x1f: {  	s9 =	smul.u32 $0xF7A, s1;
	s8 =	simm.s32 @!p0 $0x1BF5;
	p2 =	por !p2, p0  }
0x20: {  	[sflag:s8] =	ssyncset.s32 @!p0 $0xFFFFF086;
	s6 =	sadd.s32 @!p0 s3, s7;
	s7 =	simm.s32 @!p0 $0x108  }
0x21: {  	s3 =	sadd.s32 s3, s9;
	s6 =	sadd.s32 @!p0 $0x88, s6;
	s7 =	simm.s32 @p2 $0x1082  }
0x22: {  	[simem:s7], [sflag:s8] =	dma.local @!p0 [hbm:s6], $0xF7A  }
0x23: {  	s9 =	sor.u32 $0xD0000000, s2;
	s6 =	simm.s32 $0x108;
	_ =	swait.ge @!p0 [sflag:s8], $0x0  }
0x24: {  	s3 =	sadd.s32 $0x88, s3;
	s6 =	simm.s32 @!p1 $0x1082;
	[sflag:s4] =	ssyncset.s32 $0xFFFFF086  }
0x25: {  	[simem:s6], [sflag:s4] =	dma.local [hbm:s3], $0xF7A  }
0x26: {  	[smem:$0x3F46] =	sst s1;
	(tag) =	ssettag s2;
	_ =	strace s9  }
0x27: {  	s1 =	sld [smem:$0x3F56]  }
0x28: {  	s2 =	sld [smem:$0x3F57]  }
0x29: {  	s4 =	sld [smem:$0x3F59]  }
0x2a: {  	p0 =	seq.s32 s5, $0x0;
	s5 =	sld [smem:$0x3F5A]  }
0x2b: {  	s6 =	sld [smem:$0x3F5B]  }
0x2c: {  	s7 =	sld [smem:$0x3F5C]  }
0x2d: {  	s3 =	simm.s32 $0x108;
	s8 =	sld [smem:$0x3F5D]  }
0x2e: {  	s3 =	simm.s32 @!p0 $0x1082;
	s9 =	sld [smem:$0x3F5E]  }
0x2f: {  	lr =	sadd.s32 s0, s3;
	s0 =	sld [smem:$0x3F55]  }
0x30: {  	s3 =	sld [smem:$0x3F58]  }
0x31: {  	[smem:$0x3F61] =	sst s10  }
0x32: {  	s10 =	sld [smem:$0x3F5F];
	_ =	sdelay $0x3  }
0x33: {  	p0 =	seq.s32 s10, $0x1;
	s10 =	sld [smem:$0x3F61];
	_ =	sdelay $0x3  }
0x34: {  	[smem:$0x3F61] =	sst s10  }
0x35: {  	s10 =	sld [smem:$0x3F60];
	_ =	sdelay $0x3  }
0x36: {  	p1 =	seq.s32 s10, $0x1;
	s10 =	sld [smem:$0x3F61];
	_ =	sdelay $0x3  }
0x37: {  	[smem:$0x3F61] =	sst s10  }
0x38: {  	s10 =	sld [smem:$0x3F62]  }
0x39: {  	_ = 	snop;
	(pc) =	sbr.ind lr, $3  }
0x3a: {  	_ = 	snop  }
0x3b: {  	_ = 	snop  }
0x3c: {  	p2 =	seq.s32 s10, $0x1;
	s10 =	sld [smem:$0x3F61]  }
0x3d: {  	_ =	shalt  }
0x3e: {  	_ =	shalt  }
0x3f: {  	_ =	shalt  }
0x40: {  	_ =	shalt  }
0x41: {  	_ =	shalt  }
0x42: {  	_ =	shalt  }
0x43: {  	_ =	shalt  }
0x44: {  	_ =	shalt  }
0x45: {  	_ =	shalt  }
0x46: {  	_ =	shalt  }
0x47: {  	_ =	shalt  }
0x48: {  	_ =	shalt  }
0x49: {  	_ =	shalt  }
0x4a: {  	_ =	shalt  }
0x4b: {  	_ =	shalt  }
0x4c: {  	_ =	shalt  }
0x4d: {  	_ =	shalt  }
0x4e: {  	_ =	shalt  }
0x4f: {  	_ =	shalt  }
0x50: {  	_ =	shalt  }
0x51: {  	_ =	shalt  }
0x52: {  	_ =	shalt  }
0x53: {  	_ =	shalt  }
0x54: {  	_ =	shalt  }
0x55: {  	_ =	shalt  }
0x56: {  	_ =	shalt  }
0x57: {  	_ =	shalt  }
0x58: {  	_ =	shalt  }
0x59: {  	_ =	shalt  }
0x5a: {  	_ =	shalt  }
0x5b: {  	_ =	shalt  }
0x5c: {  	_ =	shalt  }
0x5d: {  	_ =	shalt  }
0x5e: {  	_ =	shalt  }
0x5f: {  	_ =	shalt  }
0x60: {  	_ =	shalt  }
0x61: {  	_ =	shalt  }
0x62: {  	_ =	shalt  }
0x63: {  	_ =	shalt  }
0x64: {  	_ =	shalt  }
0x65: {  	_ =	shalt  }
0x66: {  	_ =	shalt  }
0x67: {  	_ =	shalt  }
0x68: {  	_ =	shalt  }
0x69: {  	_ =	shalt  }
0x6a: {  	_ =	shalt  }
0x6b: {  	_ =	shalt  }
0x6c: {  	_ =	shalt  }
0x6d: {  	_ =	shalt  }
0x6e: {  	_ =	shalt  }
0x6f: {  	_ =	shalt  }
0x70: {  	_ =	shalt  }
0x71: {  	_ =	shalt  }
0x72: {  	_ =	shalt  }
0x73: {  	_ =	shalt  }
0x74: {  	_ =	shalt  }
0x75: {  	_ =	shalt  }
0x76: {  	_ =	shalt  }
0x77: {  	_ =	shalt  }
0x78: {  	_ =	shalt  }
0x79: {  	_ =	shalt  }
0x7a: {  	_ =	shalt  }
0x7b: {  	_ =	shalt  }
0x7c: {  	_ =	shalt  }
0x7d: {  	_ =	shalt  }
0x7e: {  	_ =	shalt  }
0x7f: {  	_ =	shalt  }
0x80: {  	_ =	shalt  }
0x81: {  	_ =	shalt  }
0x82: {  	_ =	shalt  }
0x83: {  	_ =	shalt  }
0x84: {  	_ =	shalt  }
0x85: {  	_ =	shalt  }
0x86: {  	_ =	shalt  }
0x87: {  	_ =	shalt  }
.Lfunc_end0:
.L_simem_size_0:
called_computation.3_lowered:
.L_overlay_start_0:
0x88: {  	s2 =	sld [smem:$0x3FD9]  }
0x89: {  	s3 =	sld [smem:$0x3FFE];
	_ =	sdelay $0x1  }
0x8a: {  	s1 =	srdreg.scid  }
0x8b: {  	s0 =	sand.u32 $0x1, s1  }
0x8c: {  	s16 =	sshll.u32 s0, $0xA;
	s2 =	sadd.s32 s3, s2  }
0x8d: {  	s2 =	sadd.s32 s2, s16  }
0x8e: {  	[smem:$0x3F6D] =	sst s2  }
0x8f: {  	_ = 	snop  }
0x90: {  	(tm) =	ssettm $0x1  }
0x91: {  	s17 =	sld [smem:$0x3FFB];
	_ =	sdelay $0x3  }
0x92: {  	_ =	strace s17  }
0x93: {  	s2 =	sld [smem:$0x3FFC];
	_ =	sdelay $0x3  }
0x94: {  	_ =	strace s2  }
0x95: {  	s2 =	sld [smem:$0x3FFD];
	_ =	sdelay $0x3  }
0x96: {  	_ =	strace s2  }
0x97: {  	_ =	strace $0x8FFFFFFF  }
0x98: {  	s18 =	sld [smem:$0x3FDB];
	_ =	sdelay $0x1  }
0x99: {  	s19 =	simm.s32 $_scs_section_size  }
0x9a: {  	s4 =	simm.s32 $_size__tile_overlayer_lowered;
	s5 =	simm.s32 $_tile_overlayer_lowered  }
0x9b: {  	s22 =	simm.s32 $0x1BFF;
	s21 =	sshll.u32 s5, $0x1;
	s2 =	sadd.s32 s19, s18  }
0x9c: {  	s6 =	simm.s32 $0x0;
	s20 =	sshll.u32 s4, $0x1;
	s4 =	sadd.s32 s21, s2  }
0x9d: {  	[timem:s6], [sflag:s22] =	dma.local [hbm:s4], s20  }
0x9e: {  	_ =	swait.ge [sflag:s22], s20  }
0x9f: {  	s3 =	ssub.s32 $0x0, s20;
	[sflag:s22] =	ssyncset.done $0x0  }
0xa0: {  	[sflag:s22] =	ssyncadd.s32 s3;
	_ =	sdelay $0x1  }
0xa1: {  	s23 =	simm.s32 $0x1B8B  }
0xa2: {  	_ =	swait.ge [sflag:s23], $0x1  }
0xa3: {  	[sflag:s23] =	ssyncset.done $0x0  }
0xa4: {  	s25 =	simm.s32 $0x1B8E;
	s24 =	sld [smem:$0x3FFE];
	[sflag:s23] =	ssyncadd.s32 $0xFFFFFFFF  }
0xa5: {  	s26 =	simm.s32 $execute0_lowered;
	[smem:$0x3FD2] =	sst s25  }
0xa6: {  	s4 =	sshll.u32 s26, $0x1;
	_ =	strace $0x8000004C;
	[dreg:$0x1] =	wrdreg $0xFFFFFFFF  }
0xa7: {  	s28 =	simm.s32 $_size_execute0_lowered;
	s2 =	sadd.s32 s2, s4;
	[dreg:$0x0] =	wrdreg $0x0  }
0xa8: {  	s4 =	sshll.u32 s28, $0x1;
	[dreg:$0x2] =	wrdreg s2  }
0xa9: {  	[dreg:$0x3] =	wrdreg s4  }
0xaa: {  	[dreg:$0x4] =	wrdreg $0xC0  }
0xab: {  	_ =	task [dreg:s6], $0x5FFFF  }
0xac: {  	[dreg:$0x1] =	wrdreg $0xFFFFFFFF  }
0xad: {  	[dreg:$0x0] =	wrdreg $0x60  }
0xae: {  	[dreg:$0x2] =	wrdreg s24  }
0xaf: {  	[dreg:$0x3] =	wrdreg $0x5FE00  }
0xb0: {  	[dreg:$0x4] =	wrdreg $0xA  }
0xb1: {  	_ =	task.clear_ibuf [dreg:s6], $0x5FFFF;
	_ =	strace $0x9000004C  }
0xb2: {  	s29 =	simm.s32 $0xA;
	_ =	strace $0x8000004E  }
0xb3: {  	_ =	swait.ge [sflag:s29], $0x1  }
0xb4: {  	[sflag:s29] =	ssyncadd.s32 $0xFFFFFFFF  }
0xb5: {  	_ =	strace $0x9000004E  }
0xb6: {  	_ =	sfence  }
0xb7: {  	s30 =	sld [smem:$0x0];
	_ =	sdelay $0x2  }
0xb8: {  	s31 =	sshll.u32 s1, $0xD;
	s1 =	sshrl.u32 s1, $0x2  }
0xb9: {  	s3 =	sand.u32 $0x4000, s31;
	s1 =	sadd.s32 s1, s30  }
0xba: {  	s0 =	sor.u32 s3, s0;
	s1 =	sshll.u32 s1, $0x11  }
0xbb: {  	s0 =	sor.u32 s1, s0  }
0xbc: {  	s0 =	sadd.s32 $0x8F2B, s0  }
0xbd: {  	[sflag:s0] =	ssyncadd.remote.s32 $0x1  }
0xbe: {  	_ =	sfence.sel $0xFFFF  }
0xbf: {  	[dreg:$0x0] =	wrdreg $0xFFFFFFFF;
	(pc) =	sbr.abs _section_cstart, $3  }
0xc0: {  	[dreg:$0x1] =	wrdreg $0xFFFFFFFF  }
0xc1: {  	_ =	task.clear_ibuf [dreg:s6], $0x2FFFF;
	_ =	strace $0x9FFFFFFF  }
0xc2: {  	(tm) =	ssettm $0x7FFFFFFF  }
0xc3: {  	_ =	shalt  }
tec
execute0_lowered:
.L_overlay_start_1:
0x0: {  	(tag) =	ssettag $0x1  }
0x1: {  	s12 =	rddreg [dreg:$0x0];
	s0 =	srdreg.scid  }
0x2: {  	s2 =	rddreg [dreg:$0x1];
	s1 =	stileid.u32  }
0x3: {  	s3 =	simm.s32 $0x0;
	s13 =	simm.s32 $0x10A00;
	s15 =	simm.s32 $0x3100  }
0x4: {  	s16 =	simm.s32 $0x2;
	s17 =	simm.s32 $0x80;
	s18 =	simm.s32 $0x100  }
0x5: {  	s19 =	simm.s32 $0x1;
	s5 =	sand.u32 $0x1, s0;
	s0 =	rddreg [dreg:$0x2]  }
0x6: {  	s20 =	simm.s32 $0x0;
	s6 =	smul.u32 $0xEA60, s1;
	[smem:$0x7FF] =	sst s3  }
0x7: {  	s7 =	sshll.u32 s1, $0x4;
	s8 =	smul.u32 $0x3A980, s1;
	p0 =	slt.u32 s1, $0x4  }
0x8: {  	s4 =	smul.u32 $0xEA600, s5;
	_ =	strace $0x8000004D;
	s28 =	ssub.s32 $0x2, s5  }
0x9: {  	s14 =	sadd.s32 s7, s12;
	s30 =	sshrl.u32 s28, $0x1;
	s31 =	sshrl.u32 s8, $0x2  }
0xa: {  	s4 =	sadd.s32 s6, s4;
	s9 =	ssub.s32 s28, s30;
	s6 =	sadd.s32 s31, s2  }
0xb: {  	s4 =	sshrl.u32 s4, $0x3;
	s7 =	smax.u32 s9, $0x1;
	s8 =	sadd.s32 $0x2EE0, s6  }
0xc: {  	s9 =	sadd.s32 $0x5DC0, s6;
	s29 =	sadd.s32 s4, s12;
	s4 =	simm.s32 $0x9D  }
0xd: {  	s10 =	sadd.s32 $0x8CA0, s6;
	s4 =	simm.s32 @!p0 $0x9C;
	p0 =	seq.s32 s5, $0x1  }
0xe: {  	s11 =	sadd.s32 $0xBB80, s6;
	s5 =	sadd.s32 $0x69000, s29;
	s13 =	simm.s32 @!p0 $0x2E000  }
0xf: {  	v0 =	vimm.f32 $0.0e+00;
	s12 =	sadd.s32 s13, s12;
	s13 =	sadd.s32 $0x55400, s14;
	s14 =	sadd.s32 $0x5F200, s14  }
.LBB2_1:
0x10: {  	s21 =	smul.u32 $0xAAAB, s3;
	_ =	sdelay $0x1  }
0x11: {  	s22 =	sshrl.u32 s21, $0x12  }
0x12: {  	s23 =	simm.s32 $0x0;
	s21 =	simm.s32 $0x1;
	s24 =	smul.u32 $0x6, s22  }
.LBB2_2:
0x13: {  	s25 =	smul.u32 $0xAAAB, s21  }
0x14: {  	s26 =	smov.u32 s21;
	s22 =	smul.u32 $0x180, s22;
	p0 =	sne.s32 s21, $0x2ED  }
.Ltmp0:
0x15: {  	s23 =	ssub.s32 s23, s24;
	(pc) =	sbr.rel @p0 .LBB2_2-.Ltmp0, $4  }
0x16: {  	s21 =	sadd.s32 $0x1, s21;
	s23 =	sand.u32 $0xFFFF, s23  }
0x17: {  	s24 =	sshrl.u32 s22, $0x2;
	s28 =	sshll.u32 s23, $0x4;
	s23 =	smov.u32 s26  }
0x18: {  	s22 =	sshrl.u32 s25, $0x12;
	s25 =	sadd.s32 s28, s24  }
0x19: {  	s24 =	smul.u32 $0x6, s22;
	[tilespmem:s25+$0x3100] =	vst v0  }
0x1a: {  	_ = 	snop  }
0x1b: {  	s22 =	smul.u32 $0x180, s22;
	s21 =	ssub.s32 s23, s24  }
0x1c: {  	s21 =	sand.u32 $0xFFFF, s21  }
0x1d: {  	s22 =	sshrl.u32 s22, $0x2;
	s21 =	sshll.u32 s21, $0x4  }
0x1e: {  	s21 =	sadd.s32 s21, s22  }
0x1f: {  	[tilespmem:s21+$0x3100] =	vst v0  }
0x20: {  	[spmem:s6] =	stream.linear.scatter [tilespmem:s15], [sflag:$0x2], $0x2EE0, $0x38;
	[tilespmem:$0x14A40] =	vst v63  }
0x21: {  	_ =	swait.ge [sflag:s16], $0x2EE0  }
0x22: {  	[sflag:s16] =	ssyncset.done $0x0  }
0x23: {  	[sflag:s16] =	ssyncadd.s32 $0xFFFFD120  }
0x24: {  	[spmem:s8] =	stream.linear.scatter [tilespmem:s15], [sflag:$0x2], $0x2EE0, $0x38;
	[tilespmem:$0x14A40] =	vst v63  }
0x25: {  	_ =	swait.ge [sflag:s16], $0x2EE0  }
0x26: {  	[sflag:s16] =	ssyncset.done $0x0  }
0x27: {  	[sflag:s16] =	ssyncadd.s32 $0xFFFFD120  }
0x28: {  	[spmem:s9] =	stream.linear.scatter [tilespmem:s15], [sflag:$0x2], $0x2EE0, $0x38;
	[tilespmem:$0x14A40] =	vst v63  }
0x29: {  	_ =	swait.ge [sflag:s16], $0x2EE0  }
0x2a: {  	[sflag:s16] =	ssyncset.done $0x0  }
0x2b: {  	[sflag:s16] =	ssyncadd.s32 $0xFFFFD120  }
0x2c: {  	[spmem:s10] =	stream.linear.scatter [tilespmem:s15], [sflag:$0x2], $0x2EE0, $0x38;
	[tilespmem:$0x14A40] =	vst v63  }
0x2d: {  	_ =	swait.ge [sflag:s16], $0x2EE0  }
0x2e: {  	[sflag:s16] =	ssyncset.done $0x0  }
0x2f: {  	[sflag:s16] =	ssyncadd.s32 $0xFFFFD120  }
0x30: {  	[spmem:s11] =	stream.linear.scatter [tilespmem:s15], [sflag:$0x2], $0x2EE0, $0x38;
	[tilespmem:$0x14A40] =	vst v63  }
0x31: {  	_ =	swait.ge [sflag:s16], $0x2EE0  }
0x32: {  	[sflag:s16] =	ssyncset.done $0x0  }
0x33: {  	[sflag:s16] =	ssyncadd.s32 $0xFFFFD120  }
0x34: {  	[bflag:$0x0] =	sbarrier.arrive $0xFFFF  }
0x35: {  	[tilespmem:s3], [sflag:$0x2] =	stream.linear.gather [hbm4b:s14+s3], $0x80, $0x38;
	[tilespmem:$0x14A40] =	vst v63  }
0x36: {  	_ =	swait.ge [sflag:s16], $0x80  }
0x37: {  	[sflag:s16] =	ssyncset.done $0x0  }
0x38: {  	[sflag:s16] =	ssyncadd.s32 $0xFFFFFF80  }
0x39: {  	[tilespmem:s17], [sflag:$0x2] =	stream.linear.gather [hbm4b:s13+s3], $0x80, $0x38;
	[tilespmem:$0x14A40] =	vst v63  }
0x3a: {  	_ =	swait.ge [sflag:s16], $0x80  }
0x3b: {  	[sflag:s16] =	ssyncset.done $0x0  }
0x3c: {  	[sflag:s16] =	ssyncadd.s32 $0xFFFFFF80  }
0x3d: {  	[tilespmem:s18], [sflag:$0x1] =	stream.indirect.gather [hbm4b:s12+s17], $0x60, s3, s17, $0xb8;
	[tilespmem:$0x14A40] =	vst v63  }
0x3e: {  	p0 =	sne.s32 s4, $0x1;
	_ =	swait.ge [sflag:s19], $0x3000  }
.Ltmp1:
0x3f: {  	[sflag:s19] =	ssyncset.done $0x0;
	(pc) =	sbr.rel @!p0 .LBB2_5-.Ltmp1, $4  }
0x40: {  	[sflag:s19] =	ssyncadd.s32 $0xFFFFD000  }
0x41: {  	[spmem:s2] =	stream.indirect.scatter.add.f32 [tilespmem:s18], [sflag:$0x2], $0x60, s17, s17, $0xb8;
	[tilespmem:$0x14A40] =	vst v63  }
0x42: {  	s23 =	smov.u32 s14;
	_ =	swait.ge [sflag:s16], $0x3000  }
0x43: {  	s22 =	smov.u32 s13;
	s21 =	sadd.s32 $0xFFFFFFFF, s4;
	[sflag:s16] =	ssyncset.done $0x0  }
.LBB2_4:
0x44: {  	[sflag:s16] =	ssyncadd.s32 $0xFFFFD000;
	s22 =	sadd.s32 $0x100, s22;
	s23 =	sadd.s32 $0x100, s23  }
0x45: {  	[tilespmem:s3], [sflag:$0x2] =	stream.linear.gather [hbm4b:s23+s3], $0x80, $0x38;
	[tilespmem:$0x14A40] =	vst v63  }
0x46: {  	p0 =	sne.s32 s21, $0x1;
	s21 =	sadd.s32 $0xFFFFFFFF, s21;
	_ =	swait.ge [sflag:s16], $0x80  }
0x47: {  	[sflag:s16] =	ssyncset.done $0x0  }
0x48: {  	[sflag:s16] =	ssyncadd.s32 $0xFFFFFF80  }
0x49: {  	[tilespmem:s17], [sflag:$0x2] =	stream.linear.gather [hbm4b:s22+s3], $0x80, $0x38;
	[tilespmem:$0x14A40] =	vst v63  }
0x4a: {  	_ =	swait.ge [sflag:s16], $0x80  }
0x4b: {  	[sflag:s16] =	ssyncset.done $0x0  }
0x4c: {  	[sflag:s16] =	ssyncadd.s32 $0xFFFFFF80  }
0x4d: {  	[tilespmem:s18], [sflag:$0x1] =	stream.indirect.gather [hbm4b:s12+s17], $0x60, s3, s17, $0xb8;
	[tilespmem:$0x14A40] =	vst v63  }
0x4e: {  	_ =	swait.ge [sflag:s19], $0x3000  }
.Ltmp2:
0x4f: {  	[sflag:s19] =	ssyncset.done $0x0;
	(pc) =	sbr.rel @p0 .LBB2_4-.Ltmp2, $4  }
0x50: {  	[sflag:s19] =	ssyncadd.s32 $0xFFFFD000  }
0x51: {  	[spmem:s2] =	stream.indirect.scatter.add.f32 [tilespmem:s18], [sflag:$0x2], $0x60, s17, s17, $0xb8;
	[tilespmem:$0x14A40] =	vst v63  }
0x52: {  	_ =	swait.ge [sflag:s16], $0x3000  }
0x53: {  	[sflag:s16] =	ssyncset.done $0x0  }
.LBB2_5:
0x54: {  	[sflag:s16] =	ssyncadd.s32 $0xFFFFD000;
	s20 =	sadd.s32 $0x1, s20  }
0x55: {  	s21 =	sshll.u32 s1, $0x6;
	s22 =	sshrl.u32 s6, $0x3;
	p0 =	sne.s32 s20, s7  }
.Ltmp3:
0x56: {  	[bflag:$0x0] =	sbarrier.arrive $0xFFFF;
	s21 =	sor.u32 $0x1C02, s21;
	(pc) =	sbr.rel @p0 .LBB2_1-.Ltmp3, $4  }
0x57: {  	[hbm:s5], [sflag:s21] =	dma.local [spmem:s22], $0x1D4C  }
0x58: {  	_ =	swait.ge [sflag:s16], $0x1D4C  }
0x59: {  	[sflag:s16] =	ssyncset.done $0x0  }
0x5a: {  	[sflag:s16] =	ssyncadd.s32 $0xFFFFE2B4  }
0x5b: {  	_ =	sfence.sel $0x180000  }
0x5c: {  	[bflag:$0x0] =	sbarrier.arrive $0xFFFF  }
0x5d: {  	p0 =	sne.s32 s1, $0x0;
	_ =	strace $0x9000004D  }
0x5e: {  	s0 =	sadd.s32 @!p0 $0x100000, s0;
	[bflag:$0x2] =	sbarrier.arrive $0xFFFF  }
0x5f: {  	[sflag:s0] =	ssyncadd.tile.s32 @!p0 $0x1;
	_ =	shalt  }
.Lfunc_end2:
_tile_overlayer_lowered:
.L_overlay_start_2:
0x60: {  	(tag) =	ssettag $0x2  }
0x61: {  	s0 =	rddreg [dreg:$0x0];
	s2 =	stileid.u32  }
0x62: {  	s1 =	rddreg [dreg:$0x1];
	p0 =	sne.s32 s2, $0x0  }
0x63: {  	s3 =	rddreg [dreg:$0x2];
	[bflag:$0x3] =	sbarrier.arrive $0xFFFF;
	s2 =	simm.s32 @!p0 $0x1C02  }
0x64: {  	[timem:s3], [sflag:s2] =	dma.local @!p0 [hbm:s0], s1  }
0x65: {  	s0 =	simm.s32 @!p0 $0x2  }
0x66: {  	_ =	swait.ge @!p0 [sflag:s0], s1  }
0x67: {  	s1 =	ssub.s32 @!p0 $0x0, s1;
	[sflag:s0] =	ssyncset.done @!p0 $0x0  }
0x68: {  	[sflag:s0] =	ssyncadd.s32 @!p0 s1  }
0x69: {  	[bflag:$0x3] =	sbarrier.arrive $0xFFFF  }
0x6a: {  	_ =	shalt  }

</sc_bundles>
